<compile_context>
chip_gen: v7x
topology: tpu7x:2x2x1
jax: 0.10.2.dev20260603
libtpu: 0.0.44.dev20260713+nightly
codegen_flags: <defaults>
</compile_context>

<pallas_src>
import functools

import jax
import jax.numpy as jnp
from jax import lax
from jax.experimental import pallas as pl
from jax.experimental.pallas import tpu as pltpu
from jax.experimental.pallas import tpu_sc as plsc

N = 10000
E = 320000
D = 128

NC = 2
NS = 16
NT = NC * NS

CHUNK = 128
NCHUNKS = E // CHUNK
CPT = (NCHUNKS + NT - 1) // NT
ROW_STRIDE = 624


NBUF = 3


def _sc_agg_body(with_cnt, *refs):
    if with_cnt:
        (x_hbm, e3_hbm, zeros_hbm,
         agg0_hbm, agg1_hbm, cnt0_hbm, cnt1_hbm) = refs[:7]
        refs = refs[7:]
    else:
        x_hbm, e3_hbm, agg0_hbm, agg1_hbm = refs[:4]
        refs = refs[4:]
    agg_sh = refs[0]
    rows = refs[1:1 + NBUF]
    idx_v = refs[1 + NBUF]
    k = 2 + NBUF
    sidx = refs[k:k + NBUF]
    sgat = refs[k + NBUF:k + 2 * NBUF]
    ssct = refs[k + 2 * NBUF:k + 3 * NBUF]
    k += 3 * NBUF
    if with_cnt:
        scnt = refs[k:k + NBUF]
        cnt_sh, ones_v = refs[k + NBUF:]
    rows0_v = rows[0]

    cid = lax.axis_index("c")
    sid = lax.axis_index("s")
    wid = cid * NS + sid

    @pl.loop(0, CHUNK)
    def _(r):
        @pl.loop(0, D, step=16)
        def _(j):
            rows0_v[r, pl.ds(j, 16)] = jnp.zeros((16,), jnp.float32)

    start = sid * ROW_STRIDE

    @pl.loop(0, 5)
    def _(k):
        pltpu.sync_copy(rows0_v, agg_sh.at[pl.ds(start + k * CHUNK, CHUNK)])

    if with_cnt:
        @pl.loop(0, CHUNK, step=16)
        def _(j):
            ones_v[pl.ds(j, 16)] = jnp.ones((16,), jnp.float32)

        @pl.when(sid == 0)
        def _():
            pltpu.sync_copy(zeros_hbm, cnt_sh)

    plsc.subcore_barrier()

    def idx_start(i, b):
        pltpu.async_copy(e3_hbm.at[i * NT + wid], idx_v.at[b], sidx[b])

    def idx_wait(b):
        pltpu.make_async_copy(e3_hbm.at[0], idx_v.at[b], sidx[b]).wait()

    def gather_start(b):
        pltpu.async_copy(x_hbm.at[idx_v.at[b, 0]], rows[b], sgat[b])

    def gather_wait(b):
        pltpu.make_async_copy(x_hbm.at[idx_v.at[b, 0]], rows[b],
                              sgat[b]).wait()

    def scat_start(b):
        pltpu.async_copy(rows[b], agg_sh.at[idx_v.at[b, 1]], ssct[b],
                         add=True)
        if with_cnt:
            pltpu.async_copy(ones_v, cnt_sh.at[idx_v.at[b, 1]], scnt[b],
                             add=True)

    def scat_wait(b):
        pltpu.make_async_copy(rows[b], agg_sh.at[idx_v.at[b, 1]],
                              ssct[b]).wait()
        if with_cnt:
            pltpu.make_async_copy(ones_v, cnt_sh.at[idx_v.at[b, 1]],
                                  scnt[b]).wait()

    idx_start(0, 0)
    idx_start(1, 1)
    idx_wait(0)
    gather_start(0)

    @pl.loop(0, 26)
    def _(j):
        for b in range(NBUF):
            i = 3 * j + b
            nb = (b + 1) % NBUF
            prv = (b + 2) % NBUF

            if b == 2:
                @pl.when((j < 25) | (wid < 4))
                def _():
                    idx_wait(nb)
                    gather_start(nb)
            else:
                idx_wait(nb)
                gather_start(nb)
            gather_wait(b)
            scat_start(b)
            if b == 0:
                @pl.when(j > 0)
                def _():
                    scat_wait(prv)
            else:
                scat_wait(prv)
            if b == 0:
                idx_start(i + 2, prv)
            elif b == 1:
                @pl.when((j < 25) | (wid < 4))
                def _():
                    idx_start(i + 2, prv)
            else:
                @pl.when(j < 25)
                def _():
                    idx_start(i + 2, prv)

    @pl.when(wid < 4)
    def _():
        gather_wait(0)
        scat_start(0)

    scat_wait(2)

    @pl.when(wid < 4)
    def _():
        scat_wait(0)

    plsc.subcore_barrier()

    def _copy_out(dst_hbm_ref):
        pltpu.sync_copy(agg_sh.at[pl.ds(start, 512)],
                        dst_hbm_ref.at[pl.ds(start, 512)])

        @pl.when(sid < NS - 1)
        def _():
            pltpu.sync_copy(agg_sh.at[pl.ds(start + 512, 112)],
                            dst_hbm_ref.at[pl.ds(start + 512, 112)])

        @pl.when(sid == NS - 1)
        def _():
            pltpu.sync_copy(agg_sh.at[pl.ds(start + 512, 128)],
                            dst_hbm_ref.at[pl.ds(start + 512, 128)])

    @pl.when(cid == 0)
    def _():
        _copy_out(agg0_hbm)

    @pl.when(cid == 1)
    def _():
        _copy_out(agg1_hbm)

    if with_cnt:
        @pl.when((sid == 0) & (cid == 0))
        def _():
            pltpu.sync_copy(cnt_sh, cnt0_hbm)

        @pl.when((sid == 0) & (cid == 1))
        def _():
            pltpu.sync_copy(cnt_sh, cnt1_hbm)


def _make_sc_agg(with_cnt):
    mesh = plsc.VectorSubcoreMesh(core_axis_name="c", subcore_axis_name="s",
                                  num_cores=NC, num_subcores=NS)
    out_type = [jax.ShapeDtypeStruct((N, D), jnp.float32),
                jax.ShapeDtypeStruct((N, D), jnp.float32)]
    scratch = (
        [pltpu.VMEM_SHARED((N, D), jnp.float32)]
        + [pltpu.VMEM((CHUNK, D), jnp.float32)] * NBUF
        + [pltpu.VMEM((NBUF, 2, CHUNK), jnp.int32)]
        + [pltpu.SemaphoreType.DMA] * (3 * NBUF)
    )
    if with_cnt:
        out_type += [jax.ShapeDtypeStruct((N,), jnp.float32),
                     jax.ShapeDtypeStruct((N,), jnp.float32)]
        scratch += (
            [pltpu.SemaphoreType.DMA] * NBUF +
            [pltpu.VMEM_SHARED((N,), jnp.float32),
             pltpu.VMEM((CHUNK,), jnp.float32)]
        )
    return pl.kernel(functools.partial(_sc_agg_body, with_cnt),
                     out_type=tuple(out_type), mesh=mesh,
                     scratch_types=scratch)


_sc_agg_cnt = _make_sc_agg(True)
_sc_agg = _make_sc_agg(False)



_BQ = 400
_DN = (((1,), (1,)), ((), ()))


_ROW_SPEC = pl.BlockSpec((_BQ, D), lambda i: (i, 0))
_CNT_SPEC = pl.BlockSpec((_BQ, 1), lambda i: (i, 0))
_W_SPEC = pl.BlockSpec((D, D), lambda i: (0, 0))
_B_SPEC = pl.BlockSpec((1, D), lambda i: (0, 0))
_OUT_ND = jax.ShapeDtypeStruct((N, D), jnp.float32)


def _dense_r_body(x_ref, wr_ref, b_ref, o_ref):
    o_ref[...] = lax.dot_general(x_ref[...], wr_ref[...], _DN,
                                 preferred_element_type=jnp.float32,
                                 precision=lax.Precision.HIGHEST) + b_ref[...]


def _dense_r(x, wr, b):
    return pl.pallas_call(
        _dense_r_body,
        grid=(N // _BQ,),
        in_specs=[_ROW_SPEC, _W_SPEC, _B_SPEC],
        out_specs=_ROW_SPEC,
        out_shape=_OUT_ND,
    )(x, wr, b)


def _dense_l_body(relu, a0_ref, a1_ref, c0_ref, c1_ref, xr_ref, wl_ref,
                  o_ref):
    cnt = c0_ref[...] + c1_ref[...]
    inv = 1.0 / jnp.maximum(cnt, 1.0)
    mean = (a0_ref[...] + a1_ref[...]) * inv
    acc = lax.dot_general(mean, wl_ref[...], _DN,
                          preferred_element_type=jnp.float32,
                          precision=lax.Precision.HIGHEST)
    acc = acc + xr_ref[...]
    if relu:
        acc = jnp.maximum(acc, 0.0)
    o_ref[...] = acc


def _dense_l(relu, a0, a1, c0, c1, xr, wl):
    return pl.pallas_call(
        functools.partial(_dense_l_body, relu),
        grid=(N // _BQ,),
        in_specs=[_ROW_SPEC, _ROW_SPEC, _CNT_SPEC, _CNT_SPEC, _ROW_SPEC,
                  _W_SPEC],
        out_specs=_ROW_SPEC,
        out_shape=_OUT_ND,
    )(a0, a1, c0, c1, xr, wl)


def kernel(x, edge_index, W1l, b1l, W1r, W2l, b2l, W2r):
    e3 = edge_index.reshape(2, NCHUNKS, CHUNK).transpose(1, 0, 2)
    zeros = jnp.zeros((N,), jnp.float32)
    xr1 = _dense_r(x, W1r, b1l.reshape(1, D))
    agg0, agg1, cnt0, cnt1 = _sc_agg_cnt(x, e3, zeros)
    c0 = cnt0.reshape(N, 1)
    c1 = cnt1.reshape(N, 1)
    h = _dense_l(True, agg0, agg1, c0, c1, xr1, W1l)
    hr = _dense_r(h, W2r, b2l.reshape(1, D))
    b0, b1_ = _sc_agg(h, e3)
    out = _dense_l(False, b0, b1_, c0, c1, hr, W2l)
    return out

# --- scband reference (transcript-rebuilt; emitter-appended) ---
"""Pipeline reference for scband-graph-sage-54065048323043 (READ-ONLY COPY).

The authoritative reference and input builder live on the scoring server;
editing this copy changes nothing except your own understanding.
"""

import jax, jax.numpy as jnp
import numpy as np

N = 10000
E = 320000
D_IN = 128
D_H = 128
D_OUT = 128


def setup_inputs(seed: int = 0) -> dict:
    key = jax.random.key(seed)
    ks = jax.random.split(key, 10)
    x = jax.random.normal(ks[0], (N, D_IN), dtype=jnp.float32)
    edge_index = jax.random.randint(ks[1], (2, E), 0, N, dtype=jnp.int32)
    s1 = 1.0 / np.sqrt(D_IN)
    s2 = 1.0 / np.sqrt(D_H)
    W1l = jax.random.uniform(ks[2], (D_H, D_IN), jnp.float32, -s1, s1)
    b1l = jax.random.uniform(ks[3], (D_H,), jnp.float32, -s1, s1)
    W1r = jax.random.uniform(ks[4], (D_H, D_IN), jnp.float32, -s1, s1)
    W2l = jax.random.uniform(ks[5], (D_OUT, D_H), jnp.float32, -s2, s2)
    b2l = jax.random.uniform(ks[6], (D_OUT,), jnp.float32, -s2, s2)
    W2r = jax.random.uniform(ks[7], (D_OUT, D_H), jnp.float32, -s2, s2)
    return {"x": x, "edge_index": edge_index, "W1l": W1l, "b1l": b1l, "W1r": W1r,
            "W2l": W2l, "b2l": b2l, "W2r": W2r}


def _sage_conv(x, edge_index, Wl, bl, Wr):
    # PyG SAGEConv (mean aggregation): out = lin_l(mean_j x_j) + lin_r(x_i)
    src = edge_index[0]
    dst = edge_index[1]
    msgs = jnp.take(x, src, axis=0)                      # gather neighbor feats
    agg = jax.ops.segment_sum(msgs, dst, num_segments=x.shape[0])
    cnt = jax.ops.segment_sum(jnp.ones((edge_index.shape[1],), jnp.float32), dst,
                              num_segments=x.shape[0])
    mean = agg / jnp.clip(cnt, 1.0)[:, None]
    return mean @ Wl.T + bl + x @ Wr.T


def reference(x, edge_index, W1l, b1l, W1r, W2l, b2l, W2r):
    h = jax.nn.relu(_sage_conv(x, edge_index, W1l, b1l, W1r))
    # dropout is identity in eval mode
    out = _sage_conv(h, edge_index, W2l, b2l, W2r)
    return out

if __name__ == "__main__":
    import jax
    _d = setup_inputs()
    print(jax.jit(kernel)(*tuple(_d.values())))

</pallas_src>

<mosaic_0001>
#map = affine_map<(d0, d1) -> (0, 0)>
#map1 = affine_map<(d0, d1) -> (0, 0, 0)>
#map2 = affine_map<(d0, d1) -> (0)>
module attributes {stable_mosaic.version = 14 : i64} {
  func.func @_sc_agg_body(%arg0: i32, %arg1: i32, %arg2: memref<10000x128xf32, #tpu.memory_space<hbm>>, %arg3: memref<2500x2x128xi32, #tpu.memory_space<hbm>>, %arg4: memref<10000xf32, #tpu.memory_space<hbm>>, %arg5: memref<10000x128xf32, #tpu.memory_space<hbm>>, %arg6: memref<10000x128xf32, #tpu.memory_space<hbm>>, %arg7: memref<10000xf32, #tpu.memory_space<hbm>>, %arg8: memref<10000xf32, #tpu.memory_space<hbm>>, %arg9: memref<10000x128xf32, #tpu.memory_space<vmem_shared>>, %arg10: memref<128x128xf32, #tpu.memory_space<vmem>>, %arg11: memref<128x128xf32, #tpu.memory_space<vmem>>, %arg12: memref<128x128xf32, #tpu.memory_space<vmem>>, %arg13: memref<3x2x128xi32, #tpu.memory_space<vmem>>, %arg14: memref<!tpu.dma_semaphore, #tpu.memory_space<semaphore_mem>>, %arg15: memref<!tpu.dma_semaphore, #tpu.memory_space<semaphore_mem>>, %arg16: memref<!tpu.dma_semaphore, #tpu.memory_space<semaphore_mem>>, %arg17: memref<!tpu.dma_semaphore, #tpu.memory_space<semaphore_mem>>, %arg18: memref<!tpu.dma_semaphore, #tpu.memory_space<semaphore_mem>>, %arg19: memref<!tpu.dma_semaphore, #tpu.memory_space<semaphore_mem>>, %arg20: memref<!tpu.dma_semaphore, #tpu.memory_space<semaphore_mem>>, %arg21: memref<!tpu.dma_semaphore, #tpu.memory_space<semaphore_mem>>, %arg22: memref<!tpu.dma_semaphore, #tpu.memory_space<semaphore_mem>>, %arg23: memref<!tpu.dma_semaphore, #tpu.memory_space<semaphore_mem>>, %arg24: memref<!tpu.dma_semaphore, #tpu.memory_space<semaphore_mem>>, %arg25: memref<!tpu.dma_semaphore, #tpu.memory_space<semaphore_mem>>, %arg26: memref<10000xf32, #tpu.memory_space<vmem_shared>>, %arg27: memref<128xf32, #tpu.memory_space<vmem>>) attributes {dimension_semantics = [#tpu.dimension_semantics<core_parallel>, #tpu.dimension_semantics<subcore_parallel>], iteration_bounds = array<i64: 2, 16>, scalar_prefetch = 0 : i64, scratch_operands = 19 : i64, tpu.core_type = #tpu.core_type<sc_vector_subcore>, window_params = [{transform_indices = #map}, {transform_indices = #map1}, {transform_indices = #map2}, {transform_indices = #map}, {transform_indices = #map}, {transform_indices = #map2}, {transform_indices = #map2}]} {
    %mul3A = arith.constant 16 : i32
    %mul3A_0 = arith.muli %arg0, %mul3A : i32
    %add3A = arith.addi %mul3A_0, %arg1 : i32
    %scan3A = arith.constant 0 : i32
    %scan3A_1 = arith.constant 128 : i32
    %scan3A_2 = arith.addi %scan3A, %scan3A_1 : i32
    %scan3A_3 = arith.constant 1 : i32
    scf.for %scan3A_136 = %scan3A to %scan3A_2 step %scan3A_3  : i32 {
      %mul3A_137 = arith.constant 1 : i32
      %mul3A_138 = arith.muli %scan3A_136, %mul3A_137 : i32
      %add3A_139 = arith.constant 0 : i32
      %add3A_140 = arith.addi %add3A_139, %mul3A_138 : i32
      %scan3A_141 = arith.constant 0 : i32
      %scan3A_142 = arith.constant 8 : i32
      %scan3A_143 = arith.addi %scan3A_141, %scan3A_142 : i32
      %scan3A_144 = arith.constant 1 : i32
      scf.for %scan3A_146 = %scan3A_141 to %scan3A_143 step %scan3A_144  : i32 {
        %mul3A_147 = arith.constant 16 : i32
        %mul3A_148 = arith.muli %scan3A_146, %mul3A_147 : i32
        %add3A_149 = arith.constant 0 : i32
        %add3A_150 = arith.addi %add3A_149, %mul3A_148 : i32
        %broadcast_in_dim3A = arith.constant 0.000000e+00 : f32
        %broadcast_in_dim3A_151 = vector.broadcast %broadcast_in_dim3A : f32 to vector<16xf32>
        %swap3A = arith.index_cast %add3A_140 : i32 to index
        %swap3A_152 = arith.index_cast %add3A_150 : i32 to index
        %swap3A_153 = tpu.vector_load %arg10[%swap3A, %swap3A_152] {strides = array<i32>} : memref<128x128xf32, #tpu.memory_space<vmem>>, vector<1x16xf32>,
        %swap3A_154 = vector.shape_cast %swap3A_153 : vector<1x16xf32> to vector<16xf32>
        %swap3A_155 = vector.shape_cast %broadcast_in_dim3A_151 : vector<16xf32> to vector<1x16xf32>
        tpu.vector_store %arg10[%swap3A, %swap3A_152], %swap3A_155 {strides = array<i32>} : memref<128x128xf32, #tpu.memory_space<vmem>>, vector<1x16xf32>,
      }
      %scan3A_145 = arith.constant 8 : i32
    }
    %scan3A_4 = arith.constant 128 : i32
    %mul3A_5 = arith.constant 624 : i32
    %mul3A_6 = arith.muli %arg1, %mul3A_5 : i32
    %scan3A_7 = arith.constant 0 : i32
    %scan3A_8 = arith.constant 5 : i32
    %scan3A_9 = arith.addi %scan3A_7, %scan3A_8 : i32
    %scan3A_10 = arith.constant 1 : i32
    scf.for %scan3A_136 = %scan3A_7 to %scan3A_9 step %scan3A_10  : i32 {
      %mul3A_137 = arith.constant 1 : i32
      %mul3A_138 = arith.muli %scan3A_136, %mul3A_137 : i32
      %add3A_139 = arith.constant 0 : i32
      %add3A_140 = arith.addi %add3A_139, %mul3A_138 : i32
      %mul3A_141 = arith.constant 128 : i32
      %mul3A_142 = arith.muli %add3A_140, %mul3A_141 : i32
      %add3A_143 = arith.addi %mul3A_6, %mul3A_142 : i32
      "tpu.region"() ({
        %run_scoped3A = tpu.sem_alloc : memref<!tpu.dma_semaphore, #tpu.memory_space<semaphore_mem>>
        %dma_start3A_144 = arith.constant 0 : i32
        %dma_start3A_145 = tpu.memref_slice %arg9[%add3A_143, %dma_start3A_144] : memref<10000x128xf32, #tpu.memory_space<vmem_shared>> -> memref<128x128xf32, #tpu.memory_space<vmem_shared>>
        %dma_start3A_146 = arith.constant 0 : i32
        %dma_start3A_147 = tpu.memref_slice %arg9[%add3A_143, %dma_start3A_146] : memref<10000x128xf32, #tpu.memory_space<vmem_shared>> -> memref<128x128xf32, #tpu.memory_space<vmem_shared>>
        tpu.enqueue_dma source(%arg10 : memref<128x128xf32, #tpu.memory_space<vmem>>) target(%dma_start3A_147 : memref<128x128xf32, #tpu.memory_space<vmem_shared>>) target_semaphore(%run_scoped3A : memref<!tpu.dma_semaphore, #tpu.memory_space<semaphore_mem>>)
        %dma_wait3A_148 = arith.constant 0 : i32
        %dma_wait3A_149 = tpu.memref_slice %arg9[%add3A_143, %dma_wait3A_148] : memref<10000x128xf32, #tpu.memory_space<vmem_shared>> -> memref<128x128xf32, #tpu.memory_space<vmem_shared>>
        %dma_wait3A_150 = arith.constant 0 : i32
        %dma_wait3A_151 = tpu.memref_slice %arg9[%add3A_143, %dma_wait3A_150] : memref<10000x128xf32, #tpu.memory_space<vmem_shared>> -> memref<128x128xf32, #tpu.memory_space<vmem_shared>>
        tpu.wait_dma2 semaphore(%run_scoped3A : memref<!tpu.dma_semaphore, #tpu.memory_space<semaphore_mem>>) src(%arg10 : memref<128x128xf32, #tpu.memory_space<vmem>>) dst(%dma_wait3A_151 : memref<128x128xf32, #tpu.memory_space<vmem_shared>>)
        tpu.yield
      }) : () -> ()
    }
    %scan3A_11 = arith.constant 5 : i32
    %scan3A_12 = arith.constant 0 : i32
    %scan3A_13 = arith.constant 8 : i32
    %scan3A_14 = arith.addi %scan3A_12, %scan3A_13 : i32
    %scan3A_15 = arith.constant 1 : i32
    scf.for %scan3A_136 = %scan3A_12 to %scan3A_14 step %scan3A_15  : i32 {
      %mul3A_137 = arith.constant 16 : i32
      %mul3A_138 = arith.muli %scan3A_136, %mul3A_137 : i32
      %add3A_139 = arith.constant 0 : i32
      %add3A_140 = arith.addi %add3A_139, %mul3A_138 : i32
      %broadcast_in_dim3A = arith.constant 1.000000e+00 : f32
      %broadcast_in_dim3A_141 = vector.broadcast %broadcast_in_dim3A : f32 to vector<16xf32>
      %swap3A = arith.index_cast %add3A_140 : i32 to index
      %swap3A_142 = tpu.vector_load %arg27[%swap3A] {strides = array<i32>} : memref<128xf32, #tpu.memory_space<vmem>>, vector<16xf32>,
      %swap3A_143 = vector.shape_cast %swap3A_142 : vector<16xf32> to vector<16xf32>
      %swap3A_144 = vector.shape_cast %broadcast_in_dim3A_141 : vector<16xf32> to vector<16xf32>
      tpu.vector_store %arg27[%swap3A], %swap3A_144 {strides = array<i32>} : memref<128xf32, #tpu.memory_space<vmem>>, vector<16xf32>,
    }
    %scan3A_16 = arith.constant 8 : i32
    %eq3A = arith.constant 0 : i32
    %eq3A_17 = arith.cmpi eq, %arg1, %eq3A : i32
    %convert_element_type3A = arith.extui %eq3A_17 : i1 to i32
    %cond3A = arith.constant 0 : i32
    %cond3A_18 = arith.cmpi ne, %convert_element_type3A, %cond3A : i32
    scf.if %cond3A_18 {
      "tpu.region"() ({
        %run_scoped3A = tpu.sem_alloc : memref<!tpu.dma_semaphore, #tpu.memory_space<semaphore_mem>>
        tpu.enqueue_dma source(%arg4 : memref<10000xf32, #tpu.memory_space<hbm>>) target(%arg26 : memref<10000xf32, #tpu.memory_space<vmem_shared>>) target_semaphore(%run_scoped3A : memref<!tpu.dma_semaphore, #tpu.memory_space<semaphore_mem>>)
        tpu.wait_dma2 semaphore(%run_scoped3A : memref<!tpu.dma_semaphore, #tpu.memory_space<semaphore_mem>>) src(%arg4 : memref<10000xf32, #tpu.memory_space<hbm>>) dst(%arg26 : memref<10000xf32, #tpu.memory_space<vmem_shared>>)
        tpu.yield
      }) : () -> ()
    } else {
    }
    %barrier3A = arith.constant 0 : index
    tpu.barrier barrier_id(%barrier3A)
    %add3A_19 = arith.constant 0 : i32
    %add3A_20 = arith.addi %add3A_19, %add3A : i32
    %dma_start3A = arith.constant 0 : i32
    %dma_start3A_21 = arith.constant 0 : i32
    %dma_start3A_22 = arith.constant 0 : i32
    %dma_start3A_23 = tpu.memref_slice %arg13[%dma_start3A, %dma_start3A_21, %dma_start3A_22] : memref<3x2x128xi32, #tpu.memory_space<vmem>> -> memref<1x2x128xi32, #tpu.memory_space<vmem>>
    %dma_start3A_24 = tpu.memref_squeeze %dma_start3A_23 : memref<1x2x128xi32, #tpu.memory_space<vmem>> -> memref<2x128xi32, #tpu.memory_space<vmem>>
    %dma_start3A_25 = arith.constant 0 : i32
    %dma_start3A_26 = arith.constant 0 : i32
    %dma_start3A_27 = tpu.memref_slice %arg3[%add3A_20, %dma_start3A_25, %dma_start3A_26] : memref<2500x2x128xi32, #tpu.memory_space<hbm>> -> memref<1x2x128xi32, #tpu.memory_space<hbm>>
    %dma_start3A_28 = tpu.memref_squeeze %dma_start3A_27 : memref<1x2x128xi32, #tpu.memory_space<hbm>> -> memref<2x128xi32, #tpu.memory_space<hbm>>
    %dma_start3A_29 = arith.constant 0 : i32
    %dma_start3A_30 = arith.constant 0 : i32
    %dma_start3A_31 = tpu.memref_slice %arg13[%dma_start3A, %dma_start3A_29, %dma_start3A_30] : memref<3x2x128xi32, #tpu.memory_space<vmem>> -> memref<1x2x128xi32, #tpu.memory_space<vmem>>
    %dma_start3A_32 = tpu.memref_squeeze %dma_start3A_31 : memref<1x2x128xi32, #tpu.memory_space<vmem>> -> memref<2x128xi32, #tpu.memory_space<vmem>>
    %dma_start3A_33 = arith.constant 0 : i32
    %dma_start3A_34 = arith.constant 0 : i32
    %dma_start3A_35 = tpu.memref_slice %arg3[%add3A_20, %dma_start3A_33, %dma_start3A_34] : memref<2500x2x128xi32, #tpu.memory_space<hbm>> -> memref<1x2x128xi32, #tpu.memory_space<hbm>>
    %dma_start3A_36 = tpu.memref_squeeze %dma_start3A_35 : memref<1x2x128xi32, #tpu.memory_space<hbm>> -> memref<2x128xi32, #tpu.memory_space<hbm>>
    tpu.enqueue_dma source(%dma_start3A_36 : memref<2x128xi32, #tpu.memory_space<hbm>>) target(%dma_start3A_32 : memref<2x128xi32, #tpu.memory_space<vmem>>) target_semaphore(%arg14 : memref<!tpu.dma_semaphore, #tpu.memory_space<semaphore_mem>>)
    %add3A_37 = arith.constant 32 : i32
    %add3A_38 = arith.addi %add3A_37, %add3A : i32
    %dma_start3A_39 = arith.constant 1 : i32
    %dma_start3A_40 = arith.constant 0 : i32
    %dma_start3A_41 = arith.constant 0 : i32
    %dma_start3A_42 = tpu.memref_slice %arg13[%dma_start3A_39, %dma_start3A_40, %dma_start3A_41] : memref<3x2x128xi32, #tpu.memory_space<vmem>> -> memref<1x2x128xi32, #tpu.memory_space<vmem>>
    %dma_start3A_43 = tpu.memref_squeeze %dma_start3A_42 : memref<1x2x128xi32, #tpu.memory_space<vmem>> -> memref<2x128xi32, #tpu.memory_space<vmem>>
    %dma_start3A_44 = arith.constant 0 : i32
    %dma_start3A_45 = arith.constant 0 : i32
    %dma_start3A_46 = tpu.memref_slice %arg3[%add3A_38, %dma_start3A_44, %dma_start3A_45] : memref<2500x2x128xi32, #tpu.memory_space<hbm>> -> memref<1x2x128xi32, #tpu.memory_space<hbm>>
    %dma_start3A_47 = tpu.memref_squeeze %dma_start3A_46 : memref<1x2x128xi32, #tpu.memory_space<hbm>> -> memref<2x128xi32, #tpu.memory_space<hbm>>
    %dma_start3A_48 = arith.constant 0 : i32
    %dma_start3A_49 = arith.constant 0 : i32
    %dma_start3A_50 = tpu.memref_slice %arg13[%dma_start3A_39, %dma_start3A_48, %dma_start3A_49] : memref<3x2x128xi32, #tpu.memory_space<vmem>> -> memref<1x2x128xi32, #tpu.memory_space<vmem>>
    %dma_start3A_51 = tpu.memref_squeeze %dma_start3A_50 : memref<1x2x128xi32, #tpu.memory_space<vmem>> -> memref<2x128xi32, #tpu.memory_space<vmem>>
    %dma_start3A_52 = arith.constant 0 : i32
    %dma_start3A_53 = arith.constant 0 : i32
    %dma_start3A_54 = tpu.memref_slice %arg3[%add3A_38, %dma_start3A_52, %dma_start3A_53] : memref<2500x2x128xi32, #tpu.memory_space<hbm>> -> memref<1x2x128xi32, #tpu.memory_space<hbm>>
    %dma_start3A_55 = tpu.memref_squeeze %dma_start3A_54 : memref<1x2x128xi32, #tpu.memory_space<hbm>> -> memref<2x128xi32, #tpu.memory_space<hbm>>
    tpu.enqueue_dma source(%dma_start3A_55 : memref<2x128xi32, #tpu.memory_space<hbm>>) target(%dma_start3A_51 : memref<2x128xi32, #tpu.memory_space<vmem>>) target_semaphore(%arg15 : memref<!tpu.dma_semaphore, #tpu.memory_space<semaphore_mem>>)
    %dma_wait3A = arith.constant 0 : i32
    %dma_wait3A_56 = arith.constant 0 : i32
    %dma_wait3A_57 = arith.constant 0 : i32
    %dma_wait3A_58 = arith.constant 0 : i32
    %dma_wait3A_59 = tpu.memref_slice %arg13[%dma_wait3A_56, %dma_wait3A_57, %dma_wait3A_58] : memref<3x2x128xi32, #tpu.memory_space<vmem>> -> memref<1x2x128xi32, #tpu.memory_space<vmem>>
    %dma_wait3A_60 = tpu.memref_squeeze %dma_wait3A_59 : memref<1x2x128xi32, #tpu.memory_space<vmem>> -> memref<2x128xi32, #tpu.memory_space<vmem>>
    %dma_wait3A_61 = arith.constant 0 : i32
    %dma_wait3A_62 = arith.constant 0 : i32
    %dma_wait3A_63 = tpu.memref_slice %arg3[%dma_wait3A, %dma_wait3A_61, %dma_wait3A_62] : memref<2500x2x128xi32, #tpu.memory_space<hbm>> -> memref<1x2x128xi32, #tpu.memory_space<hbm>>
    %dma_wait3A_64 = tpu.memref_squeeze %dma_wait3A_63 : memref<1x2x128xi32, #tpu.memory_space<hbm>> -> memref<2x128xi32, #tpu.memory_space<hbm>>
    %dma_wait3A_65 = arith.constant 0 : i32
    %dma_wait3A_66 = arith.constant 0 : i32
    %dma_wait3A_67 = tpu.memref_slice %arg13[%dma_wait3A_56, %dma_wait3A_65, %dma_wait3A_66] : memref<3x2x128xi32, #tpu.memory_space<vmem>> -> memref<1x2x128xi32, #tpu.memory_space<vmem>>
    %dma_wait3A_68 = tpu.memref_squeeze %dma_wait3A_67 : memref<1x2x128xi32, #tpu.memory_space<vmem>> -> memref<2x128xi32, #tpu.memory_space<vmem>>
    %dma_wait3A_69 = arith.constant 0 : i32
    %dma_wait3A_70 = arith.constant 0 : i32
    %dma_wait3A_71 = tpu.memref_slice %arg3[%dma_wait3A, %dma_wait3A_69, %dma_wait3A_70] : memref<2500x2x128xi32, #tpu.memory_space<hbm>> -> memref<1x2x128xi32, #tpu.memory_space<hbm>>
    %dma_wait3A_72 = tpu.memref_squeeze %dma_wait3A_71 : memref<1x2x128xi32, #tpu.memory_space<hbm>> -> memref<2x128xi32, #tpu.memory_space<hbm>>
    tpu.wait_dma2 semaphore(%arg14 : memref<!tpu.dma_semaphore, #tpu.memory_space<semaphore_mem>>) src(%dma_wait3A_72 : memref<2x128xi32, #tpu.memory_space<hbm>>) dst(%dma_wait3A_68 : memref<2x128xi32, #tpu.memory_space<vmem>>)
    %dma_start3A_73 = arith.constant 0 : i32
    %dma_start3A_74 = arith.constant 0 : i32
    %dma_start3A_75 = arith.constant 0 : i32
    %dma_start3A_76 = tpu.memref_slice %arg13[%dma_start3A_73, %dma_start3A_74, %dma_start3A_75] : memref<3x2x128xi32, #tpu.memory_space<vmem>> -> memref<1x1x128xi32, #tpu.memory_space<vmem>>
    %dma_start3A_77 = tpu.memref_squeeze %dma_start3A_76 : memref<1x1x128xi32, #tpu.memory_space<vmem>> -> memref<128xi32, #tpu.memory_space<vmem>>
    %dma_start3A_78 = arith.constant 0 : i32
    %dma_start3A_79 = arith.constant 0 : i32
    %dma_start3A_80 = tpu.memref_slice %arg2[%dma_start3A_78, %dma_start3A_79] : memref<10000x128xf32, #tpu.memory_space<hbm>> -> memref<10000x128xf32, #tpu.memory_space<hbm>>
    tpu.enqueue_indirect_dma source(%dma_start3A_80 : memref<10000x128xf32, #tpu.memory_space<hbm>>) target(%arg10 : memref<128x128xf32, #tpu.memory_space<vmem>>) offsets(%dma_start3A_77 : memref<128xi32, #tpu.memory_space<vmem>>) semaphore(%arg17 : memref<!tpu.dma_semaphore, #tpu.memory_space<semaphore_mem>>)
    %scan3A_81 = arith.constant 0 : i32
    %scan3A_82 = arith.constant 26 : i32
    %scan3A_83 = arith.addi %scan3A_81, %scan3A_82 : i32
    %scan3A_84 = arith.constant 1 : i32
    scf.for %scan3A_136 = %scan3A_81 to %scan3A_83 step %scan3A_84  : i32 {
      %mul3A_137 = arith.constant 1 : i32
      %mul3A_138 = arith.muli %scan3A_136, %mul3A_137 : i32
      %add3A_139 = arith.constant 0 : i32
      %add3A_140 = arith.addi %add3A_139, %mul3A_138 : i32
      %mul3A_141 = arith.constant 3 : i32
      %mul3A_142 = arith.muli %mul3A_141, %add3A_140 : i32
      %add3A_143 = arith.constant 0 : i32
      %add3A_144 = arith.addi %mul3A_142, %add3A_143 : i32
      %dma_wait3A_145 = arith.constant 0 : i32
      %dma_wait3A_146 = arith.constant 1 : i32
      %dma_wait3A_147 = arith.constant 0 : i32
      %dma_wait3A_148 = arith.constant 0 : i32
      %dma_wait3A_149 = tpu.memref_slice %arg13[%dma_wait3A_146, %dma_wait3A_147, %dma_wait3A_148] : memref<3x2x128xi32, #tpu.memory_space<vmem>> -> memref<1x2x128xi32, #tpu.memory_space<vmem>>
      %dma_wait3A_150 = tpu.memref_squeeze %dma_wait3A_149 : memref<1x2x128xi32, #tpu.memory_space<vmem>> -> memref<2x128xi32, #tpu.memory_space<vmem>>
      %dma_wait3A_151 = arith.constant 0 : i32
      %dma_wait3A_152 = arith.constant 0 : i32
      %dma_wait3A_153 = tpu.memref_slice %arg3[%dma_wait3A_145, %dma_wait3A_151, %dma_wait3A_152] : memref<2500x2x128xi32, #tpu.memory_space<hbm>> -> memref<1x2x128xi32, #tpu.memory_space<hbm>>
      %dma_wait3A_154 = tpu.memref_squeeze %dma_wait3A_153 : memref<1x2x128xi32, #tpu.memory_space<hbm>> -> memref<2x128xi32, #tpu.memory_space<hbm>>
      %dma_wait3A_155 = arith.constant 0 : i32
      %dma_wait3A_156 = arith.constant 0 : i32
      %dma_wait3A_157 = tpu.memref_slice %arg13[%dma_wait3A_146, %dma_wait3A_155, %dma_wait3A_156] : memref<3x2x128xi32, #tpu.memory_space<vmem>> -> memref<1x2x128xi32, #tpu.memory_space<vmem>>
      %dma_wait3A_158 = tpu.memref_squeeze %dma_wait3A_157 : memref<1x2x128xi32, #tpu.memory_space<vmem>> -> memref<2x128xi32, #tpu.memory_space<vmem>>
      %dma_wait3A_159 = arith.constant 0 : i32
      %dma_wait3A_160 = arith.constant 0 : i32
      %dma_wait3A_161 = tpu.memref_slice %arg3[%dma_wait3A_145, %dma_wait3A_159, %dma_wait3A_160] : memref<2500x2x128xi32, #tpu.memory_space<hbm>> -> memref<1x2x128xi32, #tpu.memory_space<hbm>>
      %dma_wait3A_162 = tpu.memref_squeeze %dma_wait3A_161 : memref<1x2x128xi32, #tpu.memory_space<hbm>> -> memref<2x128xi32, #tpu.memory_space<hbm>>
      tpu.wait_dma2 semaphore(%arg15 : memref<!tpu.dma_semaphore, #tpu.memory_space<semaphore_mem>>) src(%dma_wait3A_162 : memref<2x128xi32, #tpu.memory_space<hbm>>) dst(%dma_wait3A_158 : memref<2x128xi32, #tpu.memory_space<vmem>>)
      %dma_start3A_163 = arith.constant 1 : i32
      %dma_start3A_164 = arith.constant 0 : i32
      %dma_start3A_165 = arith.constant 0 : i32
      %dma_start3A_166 = tpu.memref_slice %arg13[%dma_start3A_163, %dma_start3A_164, %dma_start3A_165] : memref<3x2x128xi32, #tpu.memory_space<vmem>> -> memref<1x1x128xi32, #tpu.memory_space<vmem>>
      %dma_start3A_167 = tpu.memref_squeeze %dma_start3A_166 : memref<1x1x128xi32, #tpu.memory_space<vmem>> -> memref<128xi32, #tpu.memory_space<vmem>>
      %dma_start3A_168 = arith.constant 0 : i32
      %dma_start3A_169 = arith.constant 0 : i32
      %dma_start3A_170 = tpu.memref_slice %arg2[%dma_start3A_168, %dma_start3A_169] : memref<10000x128xf32, #tpu.memory_space<hbm>> -> memref<10000x128xf32, #tpu.memory_space<hbm>>
      tpu.enqueue_indirect_dma source(%dma_start3A_170 : memref<10000x128xf32, #tpu.memory_space<hbm>>) target(%arg11 : memref<128x128xf32, #tpu.memory_space<vmem>>) offsets(%dma_start3A_167 : memref<128xi32, #tpu.memory_space<vmem>>) semaphore(%arg18 : memref<!tpu.dma_semaphore, #tpu.memory_space<semaphore_mem>>)
      %dma_wait3A_171 = arith.constant 0 : i32
      %dma_wait3A_172 = arith.constant 0 : i32
      %dma_wait3A_173 = arith.constant 0 : i32
      %dma_wait3A_174 = tpu.memref_slice %arg13[%dma_wait3A_171, %dma_wait3A_172, %dma_wait3A_173] : memref<3x2x128xi32, #tpu.memory_space<vmem>> -> memref<1x1x128xi32, #tpu.memory_space<vmem>>
      %dma_wait3A_175 = tpu.memref_squeeze %dma_wait3A_174 : memref<1x1x128xi32, #tpu.memory_space<vmem>> -> memref<128xi32, #tpu.memory_space<vmem>>
      %dma_wait3A_176 = arith.constant 0 : i32
      %dma_wait3A_177 = arith.constant 0 : i32
      %dma_wait3A_178 = tpu.memref_slice %arg2[%dma_wait3A_176, %dma_wait3A_177] : memref<10000x128xf32, #tpu.memory_space<hbm>> -> memref<10000x128xf32, #tpu.memory_space<hbm>>
      tpu.wait_indirect_dma semaphore(%arg17 : memref<!tpu.dma_semaphore, #tpu.memory_space<semaphore_mem>>) src(%dma_wait3A_178 : memref<10000x128xf32, #tpu.memory_space<hbm>>) dst(%arg10 : memref<128x128xf32, #tpu.memory_space<vmem>>)
      %dma_start3A_179 = arith.constant 0 : i32
      %dma_start3A_180 = arith.constant 1 : i32
      %dma_start3A_181 = arith.constant 0 : i32
      %dma_start3A_182 = tpu.memref_slice %arg13[%dma_start3A_179, %dma_start3A_180, %dma_start3A_181] : memref<3x2x128xi32, #tpu.memory_space<vmem>> -> memref<1x1x128xi32, #tpu.memory_space<vmem>>
      %dma_start3A_183 = tpu.memref_squeeze %dma_start3A_182 : memref<1x1x128xi32, #tpu.memory_space<vmem>> -> memref<128xi32, #tpu.memory_space<vmem>>
      %dma_start3A_184 = arith.constant 0 : i32
      %dma_start3A_185 = arith.constant 0 : i32
      %dma_start3A_186 = tpu.memref_slice %arg9[%dma_start3A_184, %dma_start3A_185] : memref<10000x128xf32, #tpu.memory_space<vmem_shared>> -> memref<10000x128xf32, #tpu.memory_space<vmem_shared>>
      tpu.enqueue_indirect_dma source(%arg10 : memref<128x128xf32, #tpu.memory_space<vmem>>) target(%dma_start3A_186 : memref<10000x128xf32, #tpu.memory_space<vmem_shared>>) offsets(%dma_start3A_183 : memref<128xi32, #tpu.memory_space<vmem>>) semaphore(%arg20 : memref<!tpu.dma_semaphore, #tpu.memory_space<semaphore_mem>>) {add = true}
      %dma_start3A_187 = arith.constant 0 : i32
      %dma_start3A_188 = arith.constant 1 : i32
      %dma_start3A_189 = arith.constant 0 : i32
      %dma_start3A_190 = tpu.memref_slice %arg13[%dma_start3A_187, %dma_start3A_188, %dma_start3A_189] : memref<3x2x128xi32, #tpu.memory_space<vmem>> -> memref<1x1x128xi32, #tpu.memory_space<vmem>>
      %dma_start3A_191 = tpu.memref_squeeze %dma_start3A_190 : memref<1x1x128xi32, #tpu.memory_space<vmem>> -> memref<128xi32, #tpu.memory_space<vmem>>
      %dma_start3A_192 = arith.constant 0 : i32
      %dma_start3A_193 = tpu.memref_slice %arg26[%dma_start3A_192] : memref<10000xf32, #tpu.memory_space<vmem_shared>> -> memref<10000xf32, #tpu.memory_space<vmem_shared>>
      tpu.enqueue_indirect_dma source(%arg27 : memref<128xf32, #tpu.memory_space<vmem>>) target(%dma_start3A_193 : memref<10000xf32, #tpu.memory_space<vmem_shared>>) offsets(%dma_start3A_191 : memref<128xi32, #tpu.memory_space<vmem>>) semaphore(%arg23 : memref<!tpu.dma_semaphore, #tpu.memory_space<semaphore_mem>>) {add = true}
      %gt3A = arith.constant 0 : i32
      %gt3A_194 = arith.cmpi sgt, %add3A_140, %gt3A : i32
      %convert_element_type3A_195 = arith.extui %gt3A_194 : i1 to i32
      %cond3A_196 = arith.constant 0 : i32
      %cond3A_197 = arith.cmpi ne, %convert_element_type3A_195, %cond3A_196 : i32
      scf.if %cond3A_197 {
        %dma_wait3A_350 = arith.constant 2 : i32
        %dma_wait3A_351 = arith.constant 1 : i32
        %dma_wait3A_352 = arith.constant 0 : i32
        %dma_wait3A_353 = tpu.memref_slice %arg13[%dma_wait3A_350, %dma_wait3A_351, %dma_wait3A_352] : memref<3x2x128xi32, #tpu.memory_space<vmem>> -> memref<1x1x128xi32, #tpu.memory_space<vmem>>
        %dma_wait3A_354 = tpu.memref_squeeze %dma_wait3A_353 : memref<1x1x128xi32, #tpu.memory_space<vmem>> -> memref<128xi32, #tpu.memory_space<vmem>>
        %dma_wait3A_355 = arith.constant 0 : i32
        %dma_wait3A_356 = arith.constant 0 : i32
        %dma_wait3A_357 = tpu.memref_slice %arg9[%dma_wait3A_355, %dma_wait3A_356] : memref<10000x128xf32, #tpu.memory_space<vmem_shared>> -> memref<10000x128xf32, #tpu.memory_space<vmem_shared>>
        tpu.wait_indirect_dma semaphore(%arg22 : memref<!tpu.dma_semaphore, #tpu.memory_space<semaphore_mem>>) src(%arg12 : memref<128x128xf32, #tpu.memory_space<vmem>>) dst(%dma_wait3A_357 : memref<10000x128xf32, #tpu.memory_space<vmem_shared>>)
        %dma_wait3A_358 = arith.constant 2 : i32
        %dma_wait3A_359 = arith.constant 1 : i32
        %dma_wait3A_360 = arith.constant 0 : i32
        %dma_wait3A_361 = tpu.memref_slice %arg13[%dma_wait3A_358, %dma_wait3A_359, %dma_wait3A_360] : memref<3x2x128xi32, #tpu.memory_space<vmem>> -> memref<1x1x128xi32, #tpu.memory_space<vmem>>
        %dma_wait3A_362 = tpu.memref_squeeze %dma_wait3A_361 : memref<1x1x128xi32, #tpu.memory_space<vmem>> -> memref<128xi32, #tpu.memory_space<vmem>>
        %dma_wait3A_363 = arith.constant 0 : i32
        %dma_wait3A_364 = tpu.memref_slice %arg26[%dma_wait3A_363] : memref<10000xf32, #tpu.memory_space<vmem_shared>> -> memref<10000xf32, #tpu.memory_space<vmem_shared>>
        tpu.wait_indirect_dma semaphore(%arg25 : memref<!tpu.dma_semaphore, #tpu.memory_space<semaphore_mem>>) src(%arg27 : memref<128xf32, #tpu.memory_space<vmem>>) dst(%dma_wait3A_364 : memref<10000xf32, #tpu.memory_space<vmem_shared>>)
      } else {
      }
      %add3A_198 = arith.constant 2 : i32
      %add3A_199 = arith.addi %add3A_144, %add3A_198 : i32
      %mul3A_200 = arith.constant 32 : i32
      %mul3A_201 = arith.muli %add3A_199, %mul3A_200 : i32
      %add3A_202 = arith.addi %mul3A_201, %add3A : i32
      %dma_start3A_203 = arith.constant 2 : i32
      %dma_start3A_204 = arith.constant 0 : i32
      %dma_start3A_205 = arith.constant 0 : i32
      %dma_start3A_206 = tpu.memref_slice %arg13[%dma_start3A_203, %dma_start3A_204, %dma_start3A_205] : memref<3x2x128xi32, #tpu.memory_space<vmem>> -> memref<1x2x128xi32, #tpu.memory_space<vmem>>
      %dma_start3A_207 = tpu.memref_squeeze %dma_start3A_206 : memref<1x2x128xi32, #tpu.memory_space<vmem>> -> memref<2x128xi32, #tpu.memory_space<vmem>>
      %dma_start3A_208 = arith.constant 0 : i32
      %dma_start3A_209 = arith.constant 0 : i32
      %dma_start3A_210 = tpu.memref_slice %arg3[%add3A_202, %dma_start3A_208, %dma_start3A_209] : memref<2500x2x128xi32, #tpu.memory_space<hbm>> -> memref<1x2x128xi32, #tpu.memory_space<hbm>>
      %dma_start3A_211 = tpu.memref_squeeze %dma_start3A_210 : memref<1x2x128xi32, #tpu.memory_space<hbm>> -> memref<2x128xi32, #tpu.memory_space<hbm>>
      %dma_start3A_212 = arith.constant 0 : i32
      %dma_start3A_213 = arith.constant 0 : i32
      %dma_start3A_214 = tpu.memref_slice %arg13[%dma_start3A_203, %dma_start3A_212, %dma_start3A_213] : memref<3x2x128xi32, #tpu.memory_space<vmem>> -> memref<1x2x128xi32, #tpu.memory_space<vmem>>
      %dma_start3A_215 = tpu.memref_squeeze %dma_start3A_214 : memref<1x2x128xi32, #tpu.memory_space<vmem>> -> memref<2x128xi32, #tpu.memory_space<vmem>>
      %dma_start3A_216 = arith.constant 0 : i32
      %dma_start3A_217 = arith.constant 0 : i32
      %dma_start3A_218 = tpu.memref_slice %arg3[%add3A_202, %dma_start3A_216, %dma_start3A_217] : memref<2500x2x128xi32, #tpu.memory_space<hbm>> -> memref<1x2x128xi32, #tpu.memory_space<hbm>>
      %dma_start3A_219 = tpu.memref_squeeze %dma_start3A_218 : memref<1x2x128xi32, #tpu.memory_space<hbm>> -> memref<2x128xi32, #tpu.memory_space<hbm>>
      tpu.enqueue_dma source(%dma_start3A_219 : memref<2x128xi32, #tpu.memory_space<hbm>>) target(%dma_start3A_215 : memref<2x128xi32, #tpu.memory_space<vmem>>) target_semaphore(%arg16 : memref<!tpu.dma_semaphore, #tpu.memory_space<semaphore_mem>>)
      %mul3A_220 = arith.constant 3 : i32
      %mul3A_221 = arith.muli %mul3A_220, %add3A_140 : i32
      %add3A_222 = arith.constant 1 : i32
      %add3A_223 = arith.addi %mul3A_221, %add3A_222 : i32
      %dma_wait3A_224 = arith.constant 0 : i32
      %dma_wait3A_225 = arith.constant 2 : i32
      %dma_wait3A_226 = arith.constant 0 : i32
      %dma_wait3A_227 = arith.constant 0 : i32
      %dma_wait3A_228 = tpu.memref_slice %arg13[%dma_wait3A_225, %dma_wait3A_226, %dma_wait3A_227] : memref<3x2x128xi32, #tpu.memory_space<vmem>> -> memref<1x2x128xi32, #tpu.memory_space<vmem>>
      %dma_wait3A_229 = tpu.memref_squeeze %dma_wait3A_228 : memref<1x2x128xi32, #tpu.memory_space<vmem>> -> memref<2x128xi32, #tpu.memory_space<vmem>>
      %dma_wait3A_230 = arith.constant 0 : i32
      %dma_wait3A_231 = arith.constant 0 : i32
      %dma_wait3A_232 = tpu.memref_slice %arg3[%dma_wait3A_224, %dma_wait3A_230, %dma_wait3A_231] : memref<2500x2x128xi32, #tpu.memory_space<hbm>> -> memref<1x2x128xi32, #tpu.memory_space<hbm>>
      %dma_wait3A_233 = tpu.memref_squeeze %dma_wait3A_232 : memref<1x2x128xi32, #tpu.memory_space<hbm>> -> memref<2x128xi32, #tpu.memory_space<hbm>>
      %dma_wait3A_234 = arith.constant 0 : i32
      %dma_wait3A_235 = arith.constant 0 : i32
      %dma_wait3A_236 = tpu.memref_slice %arg13[%dma_wait3A_225, %dma_wait3A_234, %dma_wait3A_235] : memref<3x2x128xi32, #tpu.memory_space<vmem>> -> memref<1x2x128xi32, #tpu.memory_space<vmem>>
      %dma_wait3A_237 = tpu.memref_squeeze %dma_wait3A_236 : memref<1x2x128xi32, #tpu.memory_space<vmem>> -> memref<2x128xi32, #tpu.memory_space<vmem>>
      %dma_wait3A_238 = arith.constant 0 : i32
      %dma_wait3A_239 = arith.constant 0 : i32
      %dma_wait3A_240 = tpu.memref_slice %arg3[%dma_wait3A_224, %dma_wait3A_238, %dma_wait3A_239] : memref<2500x2x128xi32, #tpu.memory_space<hbm>> -> memref<1x2x128xi32, #tpu.memory_space<hbm>>
      %dma_wait3A_241 = tpu.memref_squeeze %dma_wait3A_240 : memref<1x2x128xi32, #tpu.memory_space<hbm>> -> memref<2x128xi32, #tpu.memory_space<hbm>>
      tpu.wait_dma2 semaphore(%arg16 : memref<!tpu.dma_semaphore, #tpu.memory_space<semaphore_mem>>) src(%dma_wait3A_241 : memref<2x128xi32, #tpu.memory_space<hbm>>) dst(%dma_wait3A_237 : memref<2x128xi32, #tpu.memory_space<vmem>>)
      %dma_start3A_242 = arith.constant 2 : i32
      %dma_start3A_243 = arith.constant 0 : i32
      %dma_start3A_244 = arith.constant 0 : i32
      %dma_start3A_245 = tpu.memref_slice %arg13[%dma_start3A_242, %dma_start3A_243, %dma_start3A_244] : memref<3x2x128xi32, #tpu.memory_space<vmem>> -> memref<1x1x128xi32, #tpu.memory_space<vmem>>
      %dma_start3A_246 = tpu.memref_squeeze %dma_start3A_245 : memref<1x1x128xi32, #tpu.memory_space<vmem>> -> memref<128xi32, #tpu.memory_space<vmem>>
      %dma_start3A_247 = arith.constant 0 : i32
      %dma_start3A_248 = arith.constant 0 : i32
      %dma_start3A_249 = tpu.memref_slice %arg2[%dma_start3A_247, %dma_start3A_248] : memref<10000x128xf32, #tpu.memory_space<hbm>> -> memref<10000x128xf32, #tpu.memory_space<hbm>>
      tpu.enqueue_indirect_dma source(%dma_start3A_249 : memref<10000x128xf32, #tpu.memory_space<hbm>>) target(%arg12 : memref<128x128xf32, #tpu.memory_space<vmem>>) offsets(%dma_start3A_246 : memref<128xi32, #tpu.memory_space<vmem>>) semaphore(%arg19 : memref<!tpu.dma_semaphore, #tpu.memory_space<semaphore_mem>>)
      %dma_wait3A_250 = arith.constant 1 : i32
      %dma_wait3A_251 = arith.constant 0 : i32
      %dma_wait3A_252 = arith.constant 0 : i32
      %dma_wait3A_253 = tpu.memref_slice %arg13[%dma_wait3A_250, %dma_wait3A_251, %dma_wait3A_252] : memref<3x2x128xi32, #tpu.memory_space<vmem>> -> memref<1x1x128xi32, #tpu.memory_space<vmem>>
      %dma_wait3A_254 = tpu.memref_squeeze %dma_wait3A_253 : memref<1x1x128xi32, #tpu.memory_space<vmem>> -> memref<128xi32, #tpu.memory_space<vmem>>
      %dma_wait3A_255 = arith.constant 0 : i32
      %dma_wait3A_256 = arith.constant 0 : i32
      %dma_wait3A_257 = tpu.memref_slice %arg2[%dma_wait3A_255, %dma_wait3A_256] : memref<10000x128xf32, #tpu.memory_space<hbm>> -> memref<10000x128xf32, #tpu.memory_space<hbm>>
      tpu.wait_indirect_dma semaphore(%arg18 : memref<!tpu.dma_semaphore, #tpu.memory_space<semaphore_mem>>) src(%dma_wait3A_257 : memref<10000x128xf32, #tpu.memory_space<hbm>>) dst(%arg11 : memref<128x128xf32, #tpu.memory_space<vmem>>)
      %dma_start3A_258 = arith.constant 1 : i32
      %dma_start3A_259 = arith.constant 1 : i32
      %dma_start3A_260 = arith.constant 0 : i32
      %dma_start3A_261 = tpu.memref_slice %arg13[%dma_start3A_258, %dma_start3A_259, %dma_start3A_260] : memref<3x2x128xi32, #tpu.memory_space<vmem>> -> memref<1x1x128xi32, #tpu.memory_space<vmem>>
      %dma_start3A_262 = tpu.memref_squeeze %dma_start3A_261 : memref<1x1x128xi32, #tpu.memory_space<vmem>> -> memref<128xi32, #tpu.memory_space<vmem>>
      %dma_start3A_263 = arith.constant 0 : i32
      %dma_start3A_264 = arith.constant 0 : i32
      %dma_start3A_265 = tpu.memref_slice %arg9[%dma_start3A_263, %dma_start3A_264] : memref<10000x128xf32, #tpu.memory_space<vmem_shared>> -> memref<10000x128xf32, #tpu.memory_space<vmem_shared>>
      tpu.enqueue_indirect_dma source(%arg11 : memref<128x128xf32, #tpu.memory_space<vmem>>) target(%dma_start3A_265 : memref<10000x128xf32, #tpu.memory_space<vmem_shared>>) offsets(%dma_start3A_262 : memref<128xi32, #tpu.memory_space<vmem>>) semaphore(%arg21 : memref<!tpu.dma_semaphore, #tpu.memory_space<semaphore_mem>>) {add = true}
      %dma_start3A_266 = arith.constant 1 : i32
      %dma_start3A_267 = arith.constant 1 : i32
      %dma_start3A_268 = arith.constant 0 : i32
      %dma_start3A_269 = tpu.memref_slice %arg13[%dma_start3A_266, %dma_start3A_267, %dma_start3A_268] : memref<3x2x128xi32, #tpu.memory_space<vmem>> -> memref<1x1x128xi32, #tpu.memory_space<vmem>>
      %dma_start3A_270 = tpu.memref_squeeze %dma_start3A_269 : memref<1x1x128xi32, #tpu.memory_space<vmem>> -> memref<128xi32, #tpu.memory_space<vmem>>
      %dma_start3A_271 = arith.constant 0 : i32
      %dma_start3A_272 = tpu.memref_slice %arg26[%dma_start3A_271] : memref<10000xf32, #tpu.memory_space<vmem_shared>> -> memref<10000xf32, #tpu.memory_space<vmem_shared>>
      tpu.enqueue_indirect_dma source(%arg27 : memref<128xf32, #tpu.memory_space<vmem>>) target(%dma_start3A_272 : memref<10000xf32, #tpu.memory_space<vmem_shared>>) offsets(%dma_start3A_270 : memref<128xi32, #tpu.memory_space<vmem>>) semaphore(%arg24 : memref<!tpu.dma_semaphore, #tpu.memory_space<semaphore_mem>>) {add = true}
      %dma_wait3A_273 = arith.constant 0 : i32
      %dma_wait3A_274 = arith.constant 1 : i32
      %dma_wait3A_275 = arith.constant 0 : i32
      %dma_wait3A_276 = tpu.memref_slice %arg13[%dma_wait3A_273, %dma_wait3A_274, %dma_wait3A_275] : memref<3x2x128xi32, #tpu.memory_space<vmem>> -> memref<1x1x128xi32, #tpu.memory_space<vmem>>
      %dma_wait3A_277 = tpu.memref_squeeze %dma_wait3A_276 : memref<1x1x128xi32, #tpu.memory_space<vmem>> -> memref<128xi32, #tpu.memory_space<vmem>>
      %dma_wait3A_278 = arith.constant 0 : i32
      %dma_wait3A_279 = arith.constant 0 : i32
      %dma_wait3A_280 = tpu.memref_slice %arg9[%dma_wait3A_278, %dma_wait3A_279] : memref<10000x128xf32, #tpu.memory_space<vmem_shared>> -> memref<10000x128xf32, #tpu.memory_space<vmem_shared>>
      tpu.wait_indirect_dma semaphore(%arg20 : memref<!tpu.dma_semaphore, #tpu.memory_space<semaphore_mem>>) src(%arg10 : memref<128x128xf32, #tpu.memory_space<vmem>>) dst(%dma_wait3A_280 : memref<10000x128xf32, #tpu.memory_space<vmem_shared>>)
      %dma_wait3A_281 = arith.constant 0 : i32
      %dma_wait3A_282 = arith.constant 1 : i32
      %dma_wait3A_283 = arith.constant 0 : i32
      %dma_wait3A_284 = tpu.memref_slice %arg13[%dma_wait3A_281, %dma_wait3A_282, %dma_wait3A_283] : memref<3x2x128xi32, #tpu.memory_space<vmem>> -> memref<1x1x128xi32, #tpu.memory_space<vmem>>
      %dma_wait3A_285 = tpu.memref_squeeze %dma_wait3A_284 : memref<1x1x128xi32, #tpu.memory_space<vmem>> -> memref<128xi32, #tpu.memory_space<vmem>>
      %dma_wait3A_286 = arith.constant 0 : i32
      %dma_wait3A_287 = tpu.memref_slice %arg26[%dma_wait3A_286] : memref<10000xf32, #tpu.memory_space<vmem_shared>> -> memref<10000xf32, #tpu.memory_space<vmem_shared>>
      tpu.wait_indirect_dma semaphore(%arg23 : memref<!tpu.dma_semaphore, #tpu.memory_space<semaphore_mem>>) src(%arg27 : memref<128xf32, #tpu.memory_space<vmem>>) dst(%dma_wait3A_287 : memref<10000xf32, #tpu.memory_space<vmem_shared>>)
      %lt3A_288 = arith.constant 25 : i32
      %lt3A_289 = arith.cmpi slt, %add3A_140, %lt3A_288 : i32
      %lt3A_290 = arith.constant 4 : i32
      %lt3A_291 = arith.cmpi slt, %add3A, %lt3A_290 : i32
      %or3A = arith.ori %lt3A_289, %lt3A_291 : i1
      %convert_element_type3A_292 = arith.extui %or3A : i1 to i32
      %cond3A_293 = arith.constant 0 : i32
      %cond3A_294 = arith.cmpi ne, %convert_element_type3A_292, %cond3A_293 : i32
      scf.if %cond3A_294 {
        %add3A_350 = arith.constant 2 : i32
        %add3A_351 = arith.addi %add3A_223, %add3A_350 : i32
        %mul3A_352 = arith.constant 32 : i32
        %mul3A_353 = arith.muli %add3A_351, %mul3A_352 : i32
        %add3A_354 = arith.addi %mul3A_353, %add3A : i32
        %dma_start3A_355 = arith.constant 0 : i32
        %dma_start3A_356 = arith.constant 0 : i32
        %dma_start3A_357 = arith.constant 0 : i32
        %dma_start3A_358 = tpu.memref_slice %arg13[%dma_start3A_355, %dma_start3A_356, %dma_start3A_357] : memref<3x2x128xi32, #tpu.memory_space<vmem>> -> memref<1x2x128xi32, #tpu.memory_space<vmem>>
        %dma_start3A_359 = tpu.memref_squeeze %dma_start3A_358 : memref<1x2x128xi32, #tpu.memory_space<vmem>> -> memref<2x128xi32, #tpu.memory_space<vmem>>
        %dma_start3A_360 = arith.constant 0 : i32
        %dma_start3A_361 = arith.constant 0 : i32
        %dma_start3A_362 = tpu.memref_slice %arg3[%add3A_354, %dma_start3A_360, %dma_start3A_361] : memref<2500x2x128xi32, #tpu.memory_space<hbm>> -> memref<1x2x128xi32, #tpu.memory_space<hbm>>
        %dma_start3A_363 = tpu.memref_squeeze %dma_start3A_362 : memref<1x2x128xi32, #tpu.memory_space<hbm>> -> memref<2x128xi32, #tpu.memory_space<hbm>>
        %dma_start3A_364 = arith.constant 0 : i32
        %dma_start3A_365 = arith.constant 0 : i32
        %dma_start3A_366 = tpu.memref_slice %arg13[%dma_start3A_355, %dma_start3A_364, %dma_start3A_365] : memref<3x2x128xi32, #tpu.memory_space<vmem>> -> memref<1x2x128xi32, #tpu.memory_space<vmem>>
        %dma_start3A_367 = tpu.memref_squeeze %dma_start3A_366 : memref<1x2x128xi32, #tpu.memory_space<vmem>> -> memref<2x128xi32, #tpu.memory_space<vmem>>
        %dma_start3A_368 = arith.constant 0 : i32
        %dma_start3A_369 = arith.constant 0 : i32
        %dma_start3A_370 = tpu.memref_slice %arg3[%add3A_354, %dma_start3A_368, %dma_start3A_369] : memref<2500x2x128xi32, #tpu.memory_space<hbm>> -> memref<1x2x128xi32, #tpu.memory_space<hbm>>
        %dma_start3A_371 = tpu.memref_squeeze %dma_start3A_370 : memref<1x2x128xi32, #tpu.memory_space<hbm>> -> memref<2x128xi32, #tpu.memory_space<hbm>>
        tpu.enqueue_dma source(%dma_start3A_371 : memref<2x128xi32, #tpu.memory_space<hbm>>) target(%dma_start3A_367 : memref<2x128xi32, #tpu.memory_space<vmem>>) target_semaphore(%arg14 : memref<!tpu.dma_semaphore, #tpu.memory_space<semaphore_mem>>)
      } else {
      }
      %mul3A_295 = arith.constant 3 : i32
      %mul3A_296 = arith.muli %mul3A_295, %add3A_140 : i32
      %add3A_297 = arith.constant 2 : i32
      %add3A_298 = arith.addi %mul3A_296, %add3A_297 : i32
      %lt3A_299 = arith.constant 25 : i32
      %lt3A_300 = arith.cmpi slt, %add3A_140, %lt3A_299 : i32
      %lt3A_301 = arith.constant 4 : i32
      %lt3A_302 = arith.cmpi slt, %add3A, %lt3A_301 : i32
      %or3A_303 = arith.ori %lt3A_300, %lt3A_302 : i1
      %convert_element_type3A_304 = arith.extui %or3A_303 : i1 to i32
      %cond3A_305 = arith.constant 0 : i32
      %cond3A_306 = arith.cmpi ne, %convert_element_type3A_304, %cond3A_305 : i32
      scf.if %cond3A_306 {
        %dma_wait3A_350 = arith.constant 0 : i32
        %dma_wait3A_351 = arith.constant 0 : i32
        %dma_wait3A_352 = arith.constant 0 : i32
        %dma_wait3A_353 = arith.constant 0 : i32
        %dma_wait3A_354 = tpu.memref_slice %arg13[%dma_wait3A_351, %dma_wait3A_352, %dma_wait3A_353] : memref<3x2x128xi32, #tpu.memory_space<vmem>> -> memref<1x2x128xi32, #tpu.memory_space<vmem>>
        %dma_wait3A_355 = tpu.memref_squeeze %dma_wait3A_354 : memref<1x2x128xi32, #tpu.memory_space<vmem>> -> memref<2x128xi32, #tpu.memory_space<vmem>>
        %dma_wait3A_356 = arith.constant 0 : i32
        %dma_wait3A_357 = arith.constant 0 : i32
        %dma_wait3A_358 = tpu.memref_slice %arg3[%dma_wait3A_350, %dma_wait3A_356, %dma_wait3A_357] : memref<2500x2x128xi32, #tpu.memory_space<hbm>> -> memref<1x2x128xi32, #tpu.memory_space<hbm>>
        %dma_wait3A_359 = tpu.memref_squeeze %dma_wait3A_358 : memref<1x2x128xi32, #tpu.memory_space<hbm>> -> memref<2x128xi32, #tpu.memory_space<hbm>>
        %dma_wait3A_360 = arith.constant 0 : i32
        %dma_wait3A_361 = arith.constant 0 : i32
        %dma_wait3A_362 = tpu.memref_slice %arg13[%dma_wait3A_351, %dma_wait3A_360, %dma_wait3A_361] : memref<3x2x128xi32, #tpu.memory_space<vmem>> -> memref<1x2x128xi32, #tpu.memory_space<vmem>>
        %dma_wait3A_363 = tpu.memref_squeeze %dma_wait3A_362 : memref<1x2x128xi32, #tpu.memory_space<vmem>> -> memref<2x128xi32, #tpu.memory_space<vmem>>
        %dma_wait3A_364 = arith.constant 0 : i32
        %dma_wait3A_365 = arith.constant 0 : i32
        %dma_wait3A_366 = tpu.memref_slice %arg3[%dma_wait3A_350, %dma_wait3A_364, %dma_wait3A_365] : memref<2500x2x128xi32, #tpu.memory_space<hbm>> -> memref<1x2x128xi32, #tpu.memory_space<hbm>>
        %dma_wait3A_367 = tpu.memref_squeeze %dma_wait3A_366 : memref<1x2x128xi32, #tpu.memory_space<hbm>> -> memref<2x128xi32, #tpu.memory_space<hbm>>
        tpu.wait_dma2 semaphore(%arg14 : memref<!tpu.dma_semaphore, #tpu.memory_space<semaphore_mem>>) src(%dma_wait3A_367 : memref<2x128xi32, #tpu.memory_space<hbm>>) dst(%dma_wait3A_363 : memref<2x128xi32, #tpu.memory_space<vmem>>)
        %dma_start3A_368 = arith.constant 0 : i32
        %dma_start3A_369 = arith.constant 0 : i32
        %dma_start3A_370 = arith.constant 0 : i32
        %dma_start3A_371 = tpu.memref_slice %arg13[%dma_start3A_368, %dma_start3A_369, %dma_start3A_370] : memref<3x2x128xi32, #tpu.memory_space<vmem>> -> memref<1x1x128xi32, #tpu.memory_space<vmem>>
        %dma_start3A_372 = tpu.memref_squeeze %dma_start3A_371 : memref<1x1x128xi32, #tpu.memory_space<vmem>> -> memref<128xi32, #tpu.memory_space<vmem>>
        %dma_start3A_373 = arith.constant 0 : i32
        %dma_start3A_374 = arith.constant 0 : i32
        %dma_start3A_375 = tpu.memref_slice %arg2[%dma_start3A_373, %dma_start3A_374] : memref<10000x128xf32, #tpu.memory_space<hbm>> -> memref<10000x128xf32, #tpu.memory_space<hbm>>
        tpu.enqueue_indirect_dma source(%dma_start3A_375 : memref<10000x128xf32, #tpu.memory_space<hbm>>) target(%arg10 : memref<128x128xf32, #tpu.memory_space<vmem>>) offsets(%dma_start3A_372 : memref<128xi32, #tpu.memory_space<vmem>>) semaphore(%arg17 : memref<!tpu.dma_semaphore, #tpu.memory_space<semaphore_mem>>)
      } else {
      }
      %dma_wait3A_307 = arith.constant 2 : i32
      %dma_wait3A_308 = arith.constant 0 : i32
      %dma_wait3A_309 = arith.constant 0 : i32
      %dma_wait3A_310 = tpu.memref_slice %arg13[%dma_wait3A_307, %dma_wait3A_308, %dma_wait3A_309] : memref<3x2x128xi32, #tpu.memory_space<vmem>> -> memref<1x1x128xi32, #tpu.memory_space<vmem>>
      %dma_wait3A_311 = tpu.memref_squeeze %dma_wait3A_310 : memref<1x1x128xi32, #tpu.memory_space<vmem>> -> memref<128xi32, #tpu.memory_space<vmem>>
      %dma_wait3A_312 = arith.constant 0 : i32
      %dma_wait3A_313 = arith.constant 0 : i32
      %dma_wait3A_314 = tpu.memref_slice %arg2[%dma_wait3A_312, %dma_wait3A_313] : memref<10000x128xf32, #tpu.memory_space<hbm>> -> memref<10000x128xf32, #tpu.memory_space<hbm>>
      tpu.wait_indirect_dma semaphore(%arg19 : memref<!tpu.dma_semaphore, #tpu.memory_space<semaphore_mem>>) src(%dma_wait3A_314 : memref<10000x128xf32, #tpu.memory_space<hbm>>) dst(%arg12 : memref<128x128xf32, #tpu.memory_space<vmem>>)
      %dma_start3A_315 = arith.constant 2 : i32
      %dma_start3A_316 = arith.constant 1 : i32
      %dma_start3A_317 = arith.constant 0 : i32
      %dma_start3A_318 = tpu.memref_slice %arg13[%dma_start3A_315, %dma_start3A_316, %dma_start3A_317] : memref<3x2x128xi32, #tpu.memory_space<vmem>> -> memref<1x1x128xi32, #tpu.memory_space<vmem>>
      %dma_start3A_319 = tpu.memref_squeeze %dma_start3A_318 : memref<1x1x128xi32, #tpu.memory_space<vmem>> -> memref<128xi32, #tpu.memory_space<vmem>>
      %dma_start3A_320 = arith.constant 0 : i32
      %dma_start3A_321 = arith.constant 0 : i32
      %dma_start3A_322 = tpu.memref_slice %arg9[%dma_start3A_320, %dma_start3A_321] : memref<10000x128xf32, #tpu.memory_space<vmem_shared>> -> memref<10000x128xf32, #tpu.memory_space<vmem_shared>>
      tpu.enqueue_indirect_dma source(%arg12 : memref<128x128xf32, #tpu.memory_space<vmem>>) target(%dma_start3A_322 : memref<10000x128xf32, #tpu.memory_space<vmem_shared>>) offsets(%dma_start3A_319 : memref<128xi32, #tpu.memory_space<vmem>>) semaphore(%arg22 : memref<!tpu.dma_semaphore, #tpu.memory_space<semaphore_mem>>) {add = true}
      %dma_start3A_323 = arith.constant 2 : i32
      %dma_start3A_324 = arith.constant 1 : i32
      %dma_start3A_325 = arith.constant 0 : i32
      %dma_start3A_326 = tpu.memref_slice %arg13[%dma_start3A_323, %dma_start3A_324, %dma_start3A_325] : memref<3x2x128xi32, #tpu.memory_space<vmem>> -> memref<1x1x128xi32, #tpu.memory_space<vmem>>
      %dma_start3A_327 = tpu.memref_squeeze %dma_start3A_326 : memref<1x1x128xi32, #tpu.memory_space<vmem>> -> memref<128xi32, #tpu.memory_space<vmem>>
      %dma_start3A_328 = arith.constant 0 : i32
      %dma_start3A_329 = tpu.memref_slice %arg26[%dma_start3A_328] : memref<10000xf32, #tpu.memory_space<vmem_shared>> -> memref<10000xf32, #tpu.memory_space<vmem_shared>>
      tpu.enqueue_indirect_dma source(%arg27 : memref<128xf32, #tpu.memory_space<vmem>>) target(%dma_start3A_329 : memref<10000xf32, #tpu.memory_space<vmem_shared>>) offsets(%dma_start3A_327 : memref<128xi32, #tpu.memory_space<vmem>>) semaphore(%arg25 : memref<!tpu.dma_semaphore, #tpu.memory_space<semaphore_mem>>) {add = true}
      %dma_wait3A_330 = arith.constant 1 : i32
      %dma_wait3A_331 = arith.constant 1 : i32
      %dma_wait3A_332 = arith.constant 0 : i32
      %dma_wait3A_333 = tpu.memref_slice %arg13[%dma_wait3A_330, %dma_wait3A_331, %dma_wait3A_332] : memref<3x2x128xi32, #tpu.memory_space<vmem>> -> memref<1x1x128xi32, #tpu.memory_space<vmem>>
      %dma_wait3A_334 = tpu.memref_squeeze %dma_wait3A_333 : memref<1x1x128xi32, #tpu.memory_space<vmem>> -> memref<128xi32, #tpu.memory_space<vmem>>
      %dma_wait3A_335 = arith.constant 0 : i32
      %dma_wait3A_336 = arith.constant 0 : i32
      %dma_wait3A_337 = tpu.memref_slice %arg9[%dma_wait3A_335, %dma_wait3A_336] : memref<10000x128xf32, #tpu.memory_space<vmem_shared>> -> memref<10000x128xf32, #tpu.memory_space<vmem_shared>>
      tpu.wait_indirect_dma semaphore(%arg21 : memref<!tpu.dma_semaphore, #tpu.memory_space<semaphore_mem>>) src(%arg11 : memref<128x128xf32, #tpu.memory_space<vmem>>) dst(%dma_wait3A_337 : memref<10000x128xf32, #tpu.memory_space<vmem_shared>>)
      %dma_wait3A_338 = arith.constant 1 : i32
      %dma_wait3A_339 = arith.constant 1 : i32
      %dma_wait3A_340 = arith.constant 0 : i32
      %dma_wait3A_341 = tpu.memref_slice %arg13[%dma_wait3A_338, %dma_wait3A_339, %dma_wait3A_340] : memref<3x2x128xi32, #tpu.memory_space<vmem>> -> memref<1x1x128xi32, #tpu.memory_space<vmem>>
      %dma_wait3A_342 = tpu.memref_squeeze %dma_wait3A_341 : memref<1x1x128xi32, #tpu.memory_space<vmem>> -> memref<128xi32, #tpu.memory_space<vmem>>
      %dma_wait3A_343 = arith.constant 0 : i32
      %dma_wait3A_344 = tpu.memref_slice %arg26[%dma_wait3A_343] : memref<10000xf32, #tpu.memory_space<vmem_shared>> -> memref<10000xf32, #tpu.memory_space<vmem_shared>>
      tpu.wait_indirect_dma semaphore(%arg24 : memref<!tpu.dma_semaphore, #tpu.memory_space<semaphore_mem>>) src(%arg27 : memref<128xf32, #tpu.memory_space<vmem>>) dst(%dma_wait3A_344 : memref<10000xf32, #tpu.memory_space<vmem_shared>>)
      %lt3A_345 = arith.constant 25 : i32
      %lt3A_346 = arith.cmpi slt, %add3A_140, %lt3A_345 : i32
      %convert_element_type3A_347 = arith.extui %lt3A_346 : i1 to i32
      %cond3A_348 = arith.constant 0 : i32
      %cond3A_349 = arith.cmpi ne, %convert_element_type3A_347, %cond3A_348 : i32
      scf.if %cond3A_349 {
        %add3A_350 = arith.constant 2 : i32
        %add3A_351 = arith.addi %add3A_298, %add3A_350 : i32
        %mul3A_352 = arith.constant 32 : i32
        %mul3A_353 = arith.muli %add3A_351, %mul3A_352 : i32
        %add3A_354 = arith.addi %mul3A_353, %add3A : i32
        %dma_start3A_355 = arith.constant 1 : i32
        %dma_start3A_356 = arith.constant 0 : i32
        %dma_start3A_357 = arith.constant 0 : i32
        %dma_start3A_358 = tpu.memref_slice %arg13[%dma_start3A_355, %dma_start3A_356, %dma_start3A_357] : memref<3x2x128xi32, #tpu.memory_space<vmem>> -> memref<1x2x128xi32, #tpu.memory_space<vmem>>
        %dma_start3A_359 = tpu.memref_squeeze %dma_start3A_358 : memref<1x2x128xi32, #tpu.memory_space<vmem>> -> memref<2x128xi32, #tpu.memory_space<vmem>>
        %dma_start3A_360 = arith.constant 0 : i32
        %dma_start3A_361 = arith.constant 0 : i32
        %dma_start3A_362 = tpu.memref_slice %arg3[%add3A_354, %dma_start3A_360, %dma_start3A_361] : memref<2500x2x128xi32, #tpu.memory_space<hbm>> -> memref<1x2x128xi32, #tpu.memory_space<hbm>>
        %dma_start3A_363 = tpu.memref_squeeze %dma_start3A_362 : memref<1x2x128xi32, #tpu.memory_space<hbm>> -> memref<2x128xi32, #tpu.memory_space<hbm>>
        %dma_start3A_364 = arith.constant 0 : i32
        %dma_start3A_365 = arith.constant 0 : i32
        %dma_start3A_366 = tpu.memref_slice %arg13[%dma_start3A_355, %dma_start3A_364, %dma_start3A_365] : memref<3x2x128xi32, #tpu.memory_space<vmem>> -> memref<1x2x128xi32, #tpu.memory_space<vmem>>
        %dma_start3A_367 = tpu.memref_squeeze %dma_start3A_366 : memref<1x2x128xi32, #tpu.memory_space<vmem>> -> memref<2x128xi32, #tpu.memory_space<vmem>>
        %dma_start3A_368 = arith.constant 0 : i32
        %dma_start3A_369 = arith.constant 0 : i32
        %dma_start3A_370 = tpu.memref_slice %arg3[%add3A_354, %dma_start3A_368, %dma_start3A_369] : memref<2500x2x128xi32, #tpu.memory_space<hbm>> -> memref<1x2x128xi32, #tpu.memory_space<hbm>>
        %dma_start3A_371 = tpu.memref_squeeze %dma_start3A_370 : memref<1x2x128xi32, #tpu.memory_space<hbm>> -> memref<2x128xi32, #tpu.memory_space<hbm>>
        tpu.enqueue_dma source(%dma_start3A_371 : memref<2x128xi32, #tpu.memory_space<hbm>>) target(%dma_start3A_367 : memref<2x128xi32, #tpu.memory_space<vmem>>) target_semaphore(%arg15 : memref<!tpu.dma_semaphore, #tpu.memory_space<semaphore_mem>>)
      } else {
      }
    }
    %scan3A_85 = arith.constant 26 : i32
    %lt3A = arith.constant 4 : i32
    %lt3A_86 = arith.cmpi slt, %add3A, %lt3A : i32
    %convert_element_type3A_87 = arith.extui %lt3A_86 : i1 to i32
    %cond3A_88 = arith.constant 0 : i32
    %cond3A_89 = arith.cmpi ne, %convert_element_type3A_87, %cond3A_88 : i32
    scf.if %cond3A_89 {
      %dma_wait3A_136 = arith.constant 0 : i32
      %dma_wait3A_137 = arith.constant 0 : i32
      %dma_wait3A_138 = arith.constant 0 : i32
      %dma_wait3A_139 = tpu.memref_slice %arg13[%dma_wait3A_136, %dma_wait3A_137, %dma_wait3A_138] : memref<3x2x128xi32, #tpu.memory_space<vmem>> -> memref<1x1x128xi32, #tpu.memory_space<vmem>>
      %dma_wait3A_140 = tpu.memref_squeeze %dma_wait3A_139 : memref<1x1x128xi32, #tpu.memory_space<vmem>> -> memref<128xi32, #tpu.memory_space<vmem>>
      %dma_wait3A_141 = arith.constant 0 : i32
      %dma_wait3A_142 = arith.constant 0 : i32
      %dma_wait3A_143 = tpu.memref_slice %arg2[%dma_wait3A_141, %dma_wait3A_142] : memref<10000x128xf32, #tpu.memory_space<hbm>> -> memref<10000x128xf32, #tpu.memory_space<hbm>>
      tpu.wait_indirect_dma semaphore(%arg17 : memref<!tpu.dma_semaphore, #tpu.memory_space<semaphore_mem>>) src(%dma_wait3A_143 : memref<10000x128xf32, #tpu.memory_space<hbm>>) dst(%arg10 : memref<128x128xf32, #tpu.memory_space<vmem>>)
      %dma_start3A_144 = arith.constant 0 : i32
      %dma_start3A_145 = arith.constant 1 : i32
      %dma_start3A_146 = arith.constant 0 : i32
      %dma_start3A_147 = tpu.memref_slice %arg13[%dma_start3A_144, %dma_start3A_145, %dma_start3A_146] : memref<3x2x128xi32, #tpu.memory_space<vmem>> -> memref<1x1x128xi32, #tpu.memory_space<vmem>>
      %dma_start3A_148 = tpu.memref_squeeze %dma_start3A_147 : memref<1x1x128xi32, #tpu.memory_space<vmem>> -> memref<128xi32, #tpu.memory_space<vmem>>
      %dma_start3A_149 = arith.constant 0 : i32
      %dma_start3A_150 = arith.constant 0 : i32
      %dma_start3A_151 = tpu.memref_slice %arg9[%dma_start3A_149, %dma_start3A_150] : memref<10000x128xf32, #tpu.memory_space<vmem_shared>> -> memref<10000x128xf32, #tpu.memory_space<vmem_shared>>
      tpu.enqueue_indirect_dma source(%arg10 : memref<128x128xf32, #tpu.memory_space<vmem>>) target(%dma_start3A_151 : memref<10000x128xf32, #tpu.memory_space<vmem_shared>>) offsets(%dma_start3A_148 : memref<128xi32, #tpu.memory_space<vmem>>) semaphore(%arg20 : memref<!tpu.dma_semaphore, #tpu.memory_space<semaphore_mem>>) {add = true}
      %dma_start3A_152 = arith.constant 0 : i32
      %dma_start3A_153 = arith.constant 1 : i32
      %dma_start3A_154 = arith.constant 0 : i32
      %dma_start3A_155 = tpu.memref_slice %arg13[%dma_start3A_152, %dma_start3A_153, %dma_start3A_154] : memref<3x2x128xi32, #tpu.memory_space<vmem>> -> memref<1x1x128xi32, #tpu.memory_space<vmem>>
      %dma_start3A_156 = tpu.memref_squeeze %dma_start3A_155 : memref<1x1x128xi32, #tpu.memory_space<vmem>> -> memref<128xi32, #tpu.memory_space<vmem>>
      %dma_start3A_157 = arith.constant 0 : i32
      %dma_start3A_158 = tpu.memref_slice %arg26[%dma_start3A_157] : memref<10000xf32, #tpu.memory_space<vmem_shared>> -> memref<10000xf32, #tpu.memory_space<vmem_shared>>
      tpu.enqueue_indirect_dma source(%arg27 : memref<128xf32, #tpu.memory_space<vmem>>) target(%dma_start3A_158 : memref<10000xf32, #tpu.memory_space<vmem_shared>>) offsets(%dma_start3A_156 : memref<128xi32, #tpu.memory_space<vmem>>) semaphore(%arg23 : memref<!tpu.dma_semaphore, #tpu.memory_space<semaphore_mem>>) {add = true}
    } else {
    }
    %dma_wait3A_90 = arith.constant 2 : i32
    %dma_wait3A_91 = arith.constant 1 : i32
    %dma_wait3A_92 = arith.constant 0 : i32
    %dma_wait3A_93 = tpu.memref_slice %arg13[%dma_wait3A_90, %dma_wait3A_91, %dma_wait3A_92] : memref<3x2x128xi32, #tpu.memory_space<vmem>> -> memref<1x1x128xi32, #tpu.memory_space<vmem>>
    %dma_wait3A_94 = tpu.memref_squeeze %dma_wait3A_93 : memref<1x1x128xi32, #tpu.memory_space<vmem>> -> memref<128xi32, #tpu.memory_space<vmem>>
    %dma_wait3A_95 = arith.constant 0 : i32
    %dma_wait3A_96 = arith.constant 0 : i32
    %dma_wait3A_97 = tpu.memref_slice %arg9[%dma_wait3A_95, %dma_wait3A_96] : memref<10000x128xf32, #tpu.memory_space<vmem_shared>> -> memref<10000x128xf32, #tpu.memory_space<vmem_shared>>
    tpu.wait_indirect_dma semaphore(%arg22 : memref<!tpu.dma_semaphore, #tpu.memory_space<semaphore_mem>>) src(%arg12 : memref<128x128xf32, #tpu.memory_space<vmem>>) dst(%dma_wait3A_97 : memref<10000x128xf32, #tpu.memory_space<vmem_shared>>)
    %dma_wait3A_98 = arith.constant 2 : i32
    %dma_wait3A_99 = arith.constant 1 : i32
    %dma_wait3A_100 = arith.constant 0 : i32
    %dma_wait3A_101 = tpu.memref_slice %arg13[%dma_wait3A_98, %dma_wait3A_99, %dma_wait3A_100] : memref<3x2x128xi32, #tpu.memory_space<vmem>> -> memref<1x1x128xi32, #tpu.memory_space<vmem>>
    %dma_wait3A_102 = tpu.memref_squeeze %dma_wait3A_101 : memref<1x1x128xi32, #tpu.memory_space<vmem>> -> memref<128xi32, #tpu.memory_space<vmem>>
    %dma_wait3A_103 = arith.constant 0 : i32
    %dma_wait3A_104 = tpu.memref_slice %arg26[%dma_wait3A_103] : memref<10000xf32, #tpu.memory_space<vmem_shared>> -> memref<10000xf32, #tpu.memory_space<vmem_shared>>
    tpu.wait_indirect_dma semaphore(%arg25 : memref<!tpu.dma_semaphore, #tpu.memory_space<semaphore_mem>>) src(%arg27 : memref<128xf32, #tpu.memory_space<vmem>>) dst(%dma_wait3A_104 : memref<10000xf32, #tpu.memory_space<vmem_shared>>)
    %lt3A_105 = arith.constant 4 : i32
    %lt3A_106 = arith.cmpi slt, %add3A, %lt3A_105 : i32
    %convert_element_type3A_107 = arith.extui %lt3A_106 : i1 to i32
    %cond3A_108 = arith.constant 0 : i32
    %cond3A_109 = arith.cmpi ne, %convert_element_type3A_107, %cond3A_108 : i32
    scf.if %cond3A_109 {
      %dma_wait3A_136 = arith.constant 0 : i32
      %dma_wait3A_137 = arith.constant 1 : i32
      %dma_wait3A_138 = arith.constant 0 : i32
      %dma_wait3A_139 = tpu.memref_slice %arg13[%dma_wait3A_136, %dma_wait3A_137, %dma_wait3A_138] : memref<3x2x128xi32, #tpu.memory_space<vmem>> -> memref<1x1x128xi32, #tpu.memory_space<vmem>>
      %dma_wait3A_140 = tpu.memref_squeeze %dma_wait3A_139 : memref<1x1x128xi32, #tpu.memory_space<vmem>> -> memref<128xi32, #tpu.memory_space<vmem>>
      %dma_wait3A_141 = arith.constant 0 : i32
      %dma_wait3A_142 = arith.constant 0 : i32
      %dma_wait3A_143 = tpu.memref_slice %arg9[%dma_wait3A_141, %dma_wait3A_142] : memref<10000x128xf32, #tpu.memory_space<vmem_shared>> -> memref<10000x128xf32, #tpu.memory_space<vmem_shared>>
      tpu.wait_indirect_dma semaphore(%arg20 : memref<!tpu.dma_semaphore, #tpu.memory_space<semaphore_mem>>) src(%arg10 : memref<128x128xf32, #tpu.memory_space<vmem>>) dst(%dma_wait3A_143 : memref<10000x128xf32, #tpu.memory_space<vmem_shared>>)
      %dma_wait3A_144 = arith.constant 0 : i32
      %dma_wait3A_145 = arith.constant 1 : i32
      %dma_wait3A_146 = arith.constant 0 : i32
      %dma_wait3A_147 = tpu.memref_slice %arg13[%dma_wait3A_144, %dma_wait3A_145, %dma_wait3A_146] : memref<3x2x128xi32, #tpu.memory_space<vmem>> -> memref<1x1x128xi32, #tpu.memory_space<vmem>>
      %dma_wait3A_148 = tpu.memref_squeeze %dma_wait3A_147 : memref<1x1x128xi32, #tpu.memory_space<vmem>> -> memref<128xi32, #tpu.memory_space<vmem>>
      %dma_wait3A_149 = arith.constant 0 : i32
      %dma_wait3A_150 = tpu.memref_slice %arg26[%dma_wait3A_149] : memref<10000xf32, #tpu.memory_space<vmem_shared>> -> memref<10000xf32, #tpu.memory_space<vmem_shared>>
      tpu.wait_indirect_dma semaphore(%arg23 : memref<!tpu.dma_semaphore, #tpu.memory_space<semaphore_mem>>) src(%arg27 : memref<128xf32, #tpu.memory_space<vmem>>) dst(%dma_wait3A_150 : memref<10000xf32, #tpu.memory_space<vmem_shared>>)
    } else {
    }
    %barrier3A_110 = arith.constant 0 : index
    tpu.barrier barrier_id(%barrier3A_110)
    %eq3A_111 = arith.constant 0 : i32
    %eq3A_112 = arith.cmpi eq, %arg0, %eq3A_111 : i32
    %convert_element_type3A_113 = arith.extui %eq3A_112 : i1 to i32
    %cond3A_114 = arith.constant 0 : i32
    %cond3A_115 = arith.cmpi ne, %convert_element_type3A_113, %cond3A_114 : i32
    scf.if %cond3A_115 {
      "tpu.region"() ({
        %run_scoped3A = tpu.sem_alloc : memref<!tpu.dma_semaphore, #tpu.memory_space<semaphore_mem>>
        %dma_start3A_146 = arith.constant 0 : i32
        %dma_start3A_147 = tpu.memref_slice %arg5[%mul3A_6, %dma_start3A_146] : memref<10000x128xf32, #tpu.memory_space<hbm>> -> memref<512x128xf32, #tpu.memory_space<hbm>>
        %dma_start3A_148 = arith.constant 0 : i32
        %dma_start3A_149 = tpu.memref_slice %arg9[%mul3A_6, %dma_start3A_148] : memref<10000x128xf32, #tpu.memory_space<vmem_shared>> -> memref<512x128xf32, #tpu.memory_space<vmem_shared>>
        tpu.enqueue_dma source(%dma_start3A_149 : memref<512x128xf32, #tpu.memory_space<vmem_shared>>) target(%dma_start3A_147 : memref<512x128xf32, #tpu.memory_space<hbm>>) target_semaphore(%run_scoped3A : memref<!tpu.dma_semaphore, #tpu.memory_space<semaphore_mem>>)
        %dma_wait3A_150 = arith.constant 0 : i32
        %dma_wait3A_151 = tpu.memref_slice %arg5[%mul3A_6, %dma_wait3A_150] : memref<10000x128xf32, #tpu.memory_space<hbm>> -> memref<512x128xf32, #tpu.memory_space<hbm>>
        %dma_wait3A_152 = arith.constant 0 : i32
        %dma_wait3A_153 = tpu.memref_slice %arg9[%mul3A_6, %dma_wait3A_152] : memref<10000x128xf32, #tpu.memory_space<vmem_shared>> -> memref<512x128xf32, #tpu.memory_space<vmem_shared>>
        tpu.wait_dma2 semaphore(%run_scoped3A : memref<!tpu.dma_semaphore, #tpu.memory_space<semaphore_mem>>) src(%dma_wait3A_153 : memref<512x128xf32, #tpu.memory_space<vmem_shared>>) dst(%dma_wait3A_151 : memref<512x128xf32, #tpu.memory_space<hbm>>)
        tpu.yield
      }) : () -> ()
      %lt3A_136 = arith.constant 15 : i32
      %lt3A_137 = arith.cmpi slt, %arg1, %lt3A_136 : i32
      %convert_element_type3A_138 = arith.extui %lt3A_137 : i1 to i32
      %cond3A_139 = arith.constant 0 : i32
      %cond3A_140 = arith.cmpi ne, %convert_element_type3A_138, %cond3A_139 : i32
      scf.if %cond3A_140 {
        %add3A_146 = arith.constant 512 : i32
        %add3A_147 = arith.addi %mul3A_6, %add3A_146 : i32
        %add3A_148 = arith.constant 512 : i32
        %add3A_149 = arith.addi %mul3A_6, %add3A_148 : i32
        "tpu.region"() ({
          %run_scoped3A = tpu.sem_alloc : memref<!tpu.dma_semaphore, #tpu.memory_space<semaphore_mem>>
          %dma_start3A_150 = arith.constant 0 : i32
          %dma_start3A_151 = tpu.memref_slice %arg5[%add3A_149, %dma_start3A_150] : memref<10000x128xf32, #tpu.memory_space<hbm>> -> memref<112x128xf32, #tpu.memory_space<hbm>>
          %dma_start3A_152 = arith.constant 0 : i32
          %dma_start3A_153 = tpu.memref_slice %arg9[%add3A_147, %dma_start3A_152] : memref<10000x128xf32, #tpu.memory_space<vmem_shared>> -> memref<112x128xf32, #tpu.memory_space<vmem_shared>>
          tpu.enqueue_dma source(%dma_start3A_153 : memref<112x128xf32, #tpu.memory_space<vmem_shared>>) target(%dma_start3A_151 : memref<112x128xf32, #tpu.memory_space<hbm>>) target_semaphore(%run_scoped3A : memref<!tpu.dma_semaphore, #tpu.memory_space<semaphore_mem>>)
          %dma_wait3A_154 = arith.constant 0 : i32
          %dma_wait3A_155 = tpu.memref_slice %arg5[%add3A_149, %dma_wait3A_154] : memref<10000x128xf32, #tpu.memory_space<hbm>> -> memref<112x128xf32, #tpu.memory_space<hbm>>
          %dma_wait3A_156 = arith.constant 0 : i32
          %dma_wait3A_157 = tpu.memref_slice %arg9[%add3A_147, %dma_wait3A_156] : memref<10000x128xf32, #tpu.memory_space<vmem_shared>> -> memref<112x128xf32, #tpu.memory_space<vmem_shared>>
          tpu.wait_dma2 semaphore(%run_scoped3A : memref<!tpu.dma_semaphore, #tpu.memory_space<semaphore_mem>>) src(%dma_wait3A_157 : memref<112x128xf32, #tpu.memory_space<vmem_shared>>) dst(%dma_wait3A_155 : memref<112x128xf32, #tpu.memory_space<hbm>>)
          tpu.yield
        }) : () -> ()
      } else {
      }
      %eq3A_141 = arith.constant 15 : i32
      %eq3A_142 = arith.cmpi eq, %arg1, %eq3A_141 : i32
      %convert_element_type3A_143 = arith.extui %eq3A_142 : i1 to i32
      %cond3A_144 = arith.constant 0 : i32
      %cond3A_145 = arith.cmpi ne, %convert_element_type3A_143, %cond3A_144 : i32
      scf.if %cond3A_145 {
        %add3A_146 = arith.constant 512 : i32
        %add3A_147 = arith.addi %mul3A_6, %add3A_146 : i32
        %add3A_148 = arith.constant 512 : i32
        %add3A_149 = arith.addi %mul3A_6, %add3A_148 : i32
        "tpu.region"() ({
          %run_scoped3A = tpu.sem_alloc : memref<!tpu.dma_semaphore, #tpu.memory_space<semaphore_mem>>
          %dma_start3A_150 = arith.constant 0 : i32
          %dma_start3A_151 = tpu.memref_slice %arg5[%add3A_149, %dma_start3A_150] : memref<10000x128xf32, #tpu.memory_space<hbm>> -> memref<128x128xf32, #tpu.memory_space<hbm>>
          %dma_start3A_152 = arith.constant 0 : i32
          %dma_start3A_153 = tpu.memref_slice %arg9[%add3A_147, %dma_start3A_152] : memref<10000x128xf32, #tpu.memory_space<vmem_shared>> -> memref<128x128xf32, #tpu.memory_space<vmem_shared>>
          tpu.enqueue_dma source(%dma_start3A_153 : memref<128x128xf32, #tpu.memory_space<vmem_shared>>) target(%dma_start3A_151 : memref<128x128xf32, #tpu.memory_space<hbm>>) target_semaphore(%run_scoped3A : memref<!tpu.dma_semaphore, #tpu.memory_space<semaphore_mem>>)
          %dma_wait3A_154 = arith.constant 0 : i32
          %dma_wait3A_155 = tpu.memref_slice %arg5[%add3A_149, %dma_wait3A_154] : memref<10000x128xf32, #tpu.memory_space<hbm>> -> memref<128x128xf32, #tpu.memory_space<hbm>>
          %dma_wait3A_156 = arith.constant 0 : i32
          %dma_wait3A_157 = tpu.memref_slice %arg9[%add3A_147, %dma_wait3A_156] : memref<10000x128xf32, #tpu.memory_space<vmem_shared>> -> memref<128x128xf32, #tpu.memory_space<vmem_shared>>
          tpu.wait_dma2 semaphore(%run_scoped3A : memref<!tpu.dma_semaphore, #tpu.memory_space<semaphore_mem>>) src(%dma_wait3A_157 : memref<128x128xf32, #tpu.memory_space<vmem_shared>>) dst(%dma_wait3A_155 : memref<128x128xf32, #tpu.memory_space<hbm>>)
          tpu.yield
        }) : () -> ()
      } else {
      }
    } else {
    }
    %eq3A_116 = arith.constant 1 : i32
    %eq3A_117 = arith.cmpi eq, %arg0, %eq3A_116 : i32
    %convert_element_type3A_118 = arith.extui %eq3A_117 : i1 to i32
    %cond3A_119 = arith.constant 0 : i32
    %cond3A_120 = arith.cmpi ne, %convert_element_type3A_118, %cond3A_119 : i32
    scf.if %cond3A_120 {
      "tpu.region"() ({
        %run_scoped3A = tpu.sem_alloc : memref<!tpu.dma_semaphore, #tpu.memory_space<semaphore_mem>>
        %dma_start3A_146 = arith.constant 0 : i32
        %dma_start3A_147 = tpu.memref_slice %arg6[%mul3A_6, %dma_start3A_146] : memref<10000x128xf32, #tpu.memory_space<hbm>> -> memref<512x128xf32, #tpu.memory_space<hbm>>
        %dma_start3A_148 = arith.constant 0 : i32
        %dma_start3A_149 = tpu.memref_slice %arg9[%mul3A_6, %dma_start3A_148] : memref<10000x128xf32, #tpu.memory_space<vmem_shared>> -> memref<512x128xf32, #tpu.memory_space<vmem_shared>>
        tpu.enqueue_dma source(%dma_start3A_149 : memref<512x128xf32, #tpu.memory_space<vmem_shared>>) target(%dma_start3A_147 : memref<512x128xf32, #tpu.memory_space<hbm>>) target_semaphore(%run_scoped3A : memref<!tpu.dma_semaphore, #tpu.memory_space<semaphore_mem>>)
        %dma_wait3A_150 = arith.constant 0 : i32
        %dma_wait3A_151 = tpu.memref_slice %arg6[%mul3A_6, %dma_wait3A_150] : memref<10000x128xf32, #tpu.memory_space<hbm>> -> memref<512x128xf32, #tpu.memory_space<hbm>>
        %dma_wait3A_152 = arith.constant 0 : i32
        %dma_wait3A_153 = tpu.memref_slice %arg9[%mul3A_6, %dma_wait3A_152] : memref<10000x128xf32, #tpu.memory_space<vmem_shared>> -> memref<512x128xf32, #tpu.memory_space<vmem_shared>>
        tpu.wait_dma2 semaphore(%run_scoped3A : memref<!tpu.dma_semaphore, #tpu.memory_space<semaphore_mem>>) src(%dma_wait3A_153 : memref<512x128xf32, #tpu.memory_space<vmem_shared>>) dst(%dma_wait3A_151 : memref<512x128xf32, #tpu.memory_space<hbm>>)
        tpu.yield
      }) : () -> ()
      %lt3A_136 = arith.constant 15 : i32
      %lt3A_137 = arith.cmpi slt, %arg1, %lt3A_136 : i32
      %convert_element_type3A_138 = arith.extui %lt3A_137 : i1 to i32
      %cond3A_139 = arith.constant 0 : i32
      %cond3A_140 = arith.cmpi ne, %convert_element_type3A_138, %cond3A_139 : i32
      scf.if %cond3A_140 {
        %add3A_146 = arith.constant 512 : i32
        %add3A_147 = arith.addi %mul3A_6, %add3A_146 : i32
        %add3A_148 = arith.constant 512 : i32
        %add3A_149 = arith.addi %mul3A_6, %add3A_148 : i32
        "tpu.region"() ({
          %run_scoped3A = tpu.sem_alloc : memref<!tpu.dma_semaphore, #tpu.memory_space<semaphore_mem>>
          %dma_start3A_150 = arith.constant 0 : i32
          %dma_start3A_151 = tpu.memref_slice %arg6[%add3A_149, %dma_start3A_150] : memref<10000x128xf32, #tpu.memory_space<hbm>> -> memref<112x128xf32, #tpu.memory_space<hbm>>
          %dma_start3A_152 = arith.constant 0 : i32
          %dma_start3A_153 = tpu.memref_slice %arg9[%add3A_147, %dma_start3A_152] : memref<10000x128xf32, #tpu.memory_space<vmem_shared>> -> memref<112x128xf32, #tpu.memory_space<vmem_shared>>
          tpu.enqueue_dma source(%dma_start3A_153 : memref<112x128xf32, #tpu.memory_space<vmem_shared>>) target(%dma_start3A_151 : memref<112x128xf32, #tpu.memory_space<hbm>>) target_semaphore(%run_scoped3A : memref<!tpu.dma_semaphore, #tpu.memory_space<semaphore_mem>>)
          %dma_wait3A_154 = arith.constant 0 : i32
          %dma_wait3A_155 = tpu.memref_slice %arg6[%add3A_149, %dma_wait3A_154] : memref<10000x128xf32, #tpu.memory_space<hbm>> -> memref<112x128xf32, #tpu.memory_space<hbm>>
          %dma_wait3A_156 = arith.constant 0 : i32
          %dma_wait3A_157 = tpu.memref_slice %arg9[%add3A_147, %dma_wait3A_156] : memref<10000x128xf32, #tpu.memory_space<vmem_shared>> -> memref<112x128xf32, #tpu.memory_space<vmem_shared>>
          tpu.wait_dma2 semaphore(%run_scoped3A : memref<!tpu.dma_semaphore, #tpu.memory_space<semaphore_mem>>) src(%dma_wait3A_157 : memref<112x128xf32, #tpu.memory_space<vmem_shared>>) dst(%dma_wait3A_155 : memref<112x128xf32, #tpu.memory_space<hbm>>)
          tpu.yield
        }) : () -> ()
      } else {
      }
      %eq3A_141 = arith.constant 15 : i32
      %eq3A_142 = arith.cmpi eq, %arg1, %eq3A_141 : i32
      %convert_element_type3A_143 = arith.extui %eq3A_142 : i1 to i32
      %cond3A_144 = arith.constant 0 : i32
      %cond3A_145 = arith.cmpi ne, %convert_element_type3A_143, %cond3A_144 : i32
      scf.if %cond3A_145 {
        %add3A_146 = arith.constant 512 : i32
        %add3A_147 = arith.addi %mul3A_6, %add3A_146 : i32
        %add3A_148 = arith.constant 512 : i32
        %add3A_149 = arith.addi %mul3A_6, %add3A_148 : i32
        "tpu.region"() ({
          %run_scoped3A = tpu.sem_alloc : memref<!tpu.dma_semaphore, #tpu.memory_space<semaphore_mem>>
          %dma_start3A_150 = arith.constant 0 : i32
          %dma_start3A_151 = tpu.memref_slice %arg6[%add3A_149, %dma_start3A_150] : memref<10000x128xf32, #tpu.memory_space<hbm>> -> memref<128x128xf32, #tpu.memory_space<hbm>>
          %dma_start3A_152 = arith.constant 0 : i32
          %dma_start3A_153 = tpu.memref_slice %arg9[%add3A_147, %dma_start3A_152] : memref<10000x128xf32, #tpu.memory_space<vmem_shared>> -> memref<128x128xf32, #tpu.memory_space<vmem_shared>>
          tpu.enqueue_dma source(%dma_start3A_153 : memref<128x128xf32, #tpu.memory_space<vmem_shared>>) target(%dma_start3A_151 : memref<128x128xf32, #tpu.memory_space<hbm>>) target_semaphore(%run_scoped3A : memref<!tpu.dma_semaphore, #tpu.memory_space<semaphore_mem>>)
          %dma_wait3A_154 = arith.constant 0 : i32
          %dma_wait3A_155 = tpu.memref_slice %arg6[%add3A_149, %dma_wait3A_154] : memref<10000x128xf32, #tpu.memory_space<hbm>> -> memref<128x128xf32, #tpu.memory_space<hbm>>
          %dma_wait3A_156 = arith.constant 0 : i32
          %dma_wait3A_157 = tpu.memref_slice %arg9[%add3A_147, %dma_wait3A_156] : memref<10000x128xf32, #tpu.memory_space<vmem_shared>> -> memref<128x128xf32, #tpu.memory_space<vmem_shared>>
          tpu.wait_dma2 semaphore(%run_scoped3A : memref<!tpu.dma_semaphore, #tpu.memory_space<semaphore_mem>>) src(%dma_wait3A_157 : memref<128x128xf32, #tpu.memory_space<vmem_shared>>) dst(%dma_wait3A_155 : memref<128x128xf32, #tpu.memory_space<hbm>>)
          tpu.yield
        }) : () -> ()
      } else {
      }
    } else {
    }
    %eq3A_121 = arith.constant 0 : i32
    %eq3A_122 = arith.cmpi eq, %arg1, %eq3A_121 : i32
    %eq3A_123 = arith.constant 0 : i32
    %eq3A_124 = arith.cmpi eq, %arg0, %eq3A_123 : i32
    %and3A = arith.andi %eq3A_122, %eq3A_124 : i1
    %convert_element_type3A_125 = arith.extui %and3A : i1 to i32
    %cond3A_126 = arith.constant 0 : i32
    %cond3A_127 = arith.cmpi ne, %convert_element_type3A_125, %cond3A_126 : i32
    scf.if %cond3A_127 {
      "tpu.region"() ({
        %run_scoped3A = tpu.sem_alloc : memref<!tpu.dma_semaphore, #tpu.memory_space<semaphore_mem>>
        tpu.enqueue_dma source(%arg26 : memref<10000xf32, #tpu.memory_space<vmem_shared>>) target(%arg7 : memref<10000xf32, #tpu.memory_space<hbm>>) target_semaphore(%run_scoped3A : memref<!tpu.dma_semaphore, #tpu.memory_space<semaphore_mem>>)
        tpu.wait_dma2 semaphore(%run_scoped3A : memref<!tpu.dma_semaphore, #tpu.memory_space<semaphore_mem>>) src(%arg26 : memref<10000xf32, #tpu.memory_space<vmem_shared>>) dst(%arg7 : memref<10000xf32, #tpu.memory_space<hbm>>)
        tpu.yield
      }) : () -> ()
    } else {
    }
    %eq3A_128 = arith.constant 0 : i32
    %eq3A_129 = arith.cmpi eq, %arg1, %eq3A_128 : i32
    %eq3A_130 = arith.constant 1 : i32
    %eq3A_131 = arith.cmpi eq, %arg0, %eq3A_130 : i32
    %and3A_132 = arith.andi %eq3A_129, %eq3A_131 : i1
    %convert_element_type3A_133 = arith.extui %and3A_132 : i1 to i32
    %cond3A_134 = arith.constant 0 : i32
    %cond3A_135 = arith.cmpi ne, %convert_element_type3A_133, %cond3A_134 : i32
    scf.if %cond3A_135 {
      "tpu.region"() ({
        %run_scoped3A = tpu.sem_alloc : memref<!tpu.dma_semaphore, #tpu.memory_space<semaphore_mem>>
        tpu.enqueue_dma source(%arg26 : memref<10000xf32, #tpu.memory_space<vmem_shared>>) target(%arg8 : memref<10000xf32, #tpu.memory_space<hbm>>) target_semaphore(%run_scoped3A : memref<!tpu.dma_semaphore, #tpu.memory_space<semaphore_mem>>)
        tpu.wait_dma2 semaphore(%run_scoped3A : memref<!tpu.dma_semaphore, #tpu.memory_space<semaphore_mem>>) src(%arg26 : memref<10000xf32, #tpu.memory_space<vmem_shared>>) dst(%arg8 : memref<10000xf32, #tpu.memory_space<hbm>>)
        tpu.yield
      }) : () -> ()
    } else {
    }
    return
  }
}

#map = affine_map<(d0, d1) -> (0, 0)>
#map1 = affine_map<(d0, d1) -> (0, 0, 0)>
module attributes {stable_mosaic.version = 14 : i64} {
  func.func @_sc_agg_body(%arg0: i32, %arg1: i32, %arg2: memref<10000x128xf32, #tpu.memory_space<hbm>>, %arg3: memref<2500x2x128xi32, #tpu.memory_space<hbm>>, %arg4: memref<10000x128xf32, #tpu.memory_space<hbm>>, %arg5: memref<10000x128xf32, #tpu.memory_space<hbm>>, %arg6: memref<10000x128xf32, #tpu.memory_space<vmem_shared>>, %arg7: memref<128x128xf32, #tpu.memory_space<vmem>>, %arg8: memref<128x128xf32, #tpu.memory_space<vmem>>, %arg9: memref<128x128xf32, #tpu.memory_space<vmem>>, %arg10: memref<3x2x128xi32, #tpu.memory_space<vmem>>, %arg11: memref<!tpu.dma_semaphore, #tpu.memory_space<semaphore_mem>>, %arg12: memref<!tpu.dma_semaphore, #tpu.memory_space<semaphore_mem>>, %arg13: memref<!tpu.dma_semaphore, #tpu.memory_space<semaphore_mem>>, %arg14: memref<!tpu.dma_semaphore, #tpu.memory_space<semaphore_mem>>, %arg15: memref<!tpu.dma_semaphore, #tpu.memory_space<semaphore_mem>>, %arg16: memref<!tpu.dma_semaphore, #tpu.memory_space<semaphore_mem>>, %arg17: memref<!tpu.dma_semaphore, #tpu.memory_space<semaphore_mem>>, %arg18: memref<!tpu.dma_semaphore, #tpu.memory_space<semaphore_mem>>, %arg19: memref<!tpu.dma_semaphore, #tpu.memory_space<semaphore_mem>>) attributes {dimension_semantics = [#tpu.dimension_semantics<core_parallel>, #tpu.dimension_semantics<subcore_parallel>], iteration_bounds = array<i64: 2, 16>, scalar_prefetch = 0 : i64, scratch_operands = 14 : i64, tpu.core_type = #tpu.core_type<sc_vector_subcore>, window_params = [{transform_indices = #map}, {transform_indices = #map1}, {transform_indices = #map}, {transform_indices = #map}]} {
    %mul3A = arith.constant 16 : i32
    %mul3A_0 = arith.muli %arg0, %mul3A : i32
    %add3A = arith.addi %mul3A_0, %arg1 : i32
    %scan3A = arith.constant 0 : i32
    %scan3A_1 = arith.constant 128 : i32
    %scan3A_2 = arith.addi %scan3A, %scan3A_1 : i32
    %scan3A_3 = arith.constant 1 : i32
    scf.for %scan3A_104 = %scan3A to %scan3A_2 step %scan3A_3  : i32 {
      %mul3A_105 = arith.constant 1 : i32
      %mul3A_106 = arith.muli %scan3A_104, %mul3A_105 : i32
      %add3A_107 = arith.constant 0 : i32
      %add3A_108 = arith.addi %add3A_107, %mul3A_106 : i32
      %scan3A_109 = arith.constant 0 : i32
      %scan3A_110 = arith.constant 8 : i32
      %scan3A_111 = arith.addi %scan3A_109, %scan3A_110 : i32
      %scan3A_112 = arith.constant 1 : i32
      scf.for %scan3A_114 = %scan3A_109 to %scan3A_111 step %scan3A_112  : i32 {
        %mul3A_115 = arith.constant 16 : i32
        %mul3A_116 = arith.muli %scan3A_114, %mul3A_115 : i32
        %add3A_117 = arith.constant 0 : i32
        %add3A_118 = arith.addi %add3A_117, %mul3A_116 : i32
        %broadcast_in_dim3A = arith.constant 0.000000e+00 : f32
        %broadcast_in_dim3A_119 = vector.broadcast %broadcast_in_dim3A : f32 to vector<16xf32>
        %swap3A = arith.index_cast %add3A_108 : i32 to index
        %swap3A_120 = arith.index_cast %add3A_118 : i32 to index
        %swap3A_121 = tpu.vector_load %arg7[%swap3A, %swap3A_120] {strides = array<i32>} : memref<128x128xf32, #tpu.memory_space<vmem>>, vector<1x16xf32>,
        %swap3A_122 = vector.shape_cast %swap3A_121 : vector<1x16xf32> to vector<16xf32>
        %swap3A_123 = vector.shape_cast %broadcast_in_dim3A_119 : vector<16xf32> to vector<1x16xf32>
        tpu.vector_store %arg7[%swap3A, %swap3A_120], %swap3A_123 {strides = array<i32>} : memref<128x128xf32, #tpu.memory_space<vmem>>, vector<1x16xf32>,
      }
      %scan3A_113 = arith.constant 8 : i32
    }
    %scan3A_4 = arith.constant 128 : i32
    %mul3A_5 = arith.constant 624 : i32
    %mul3A_6 = arith.muli %arg1, %mul3A_5 : i32
    %scan3A_7 = arith.constant 0 : i32
    %scan3A_8 = arith.constant 5 : i32
    %scan3A_9 = arith.addi %scan3A_7, %scan3A_8 : i32
    %scan3A_10 = arith.constant 1 : i32
    scf.for %scan3A_104 = %scan3A_7 to %scan3A_9 step %scan3A_10  : i32 {
      %mul3A_105 = arith.constant 1 : i32
      %mul3A_106 = arith.muli %scan3A_104, %mul3A_105 : i32
      %add3A_107 = arith.constant 0 : i32
      %add3A_108 = arith.addi %add3A_107, %mul3A_106 : i32
      %mul3A_109 = arith.constant 128 : i32
      %mul3A_110 = arith.muli %add3A_108, %mul3A_109 : i32
      %add3A_111 = arith.addi %mul3A_6, %mul3A_110 : i32
      "tpu.region"() ({
        %run_scoped3A = tpu.sem_alloc : memref<!tpu.dma_semaphore, #tpu.memory_space<semaphore_mem>>
        %dma_start3A_112 = arith.constant 0 : i32
        %dma_start3A_113 = tpu.memref_slice %arg6[%add3A_111, %dma_start3A_112] : memref<10000x128xf32, #tpu.memory_space<vmem_shared>> -> memref<128x128xf32, #tpu.memory_space<vmem_shared>>
        %dma_start3A_114 = arith.constant 0 : i32
        %dma_start3A_115 = tpu.memref_slice %arg6[%add3A_111, %dma_start3A_114] : memref<10000x128xf32, #tpu.memory_space<vmem_shared>> -> memref<128x128xf32, #tpu.memory_space<vmem_shared>>
        tpu.enqueue_dma source(%arg7 : memref<128x128xf32, #tpu.memory_space<vmem>>) target(%dma_start3A_115 : memref<128x128xf32, #tpu.memory_space<vmem_shared>>) target_semaphore(%run_scoped3A : memref<!tpu.dma_semaphore, #tpu.memory_space<semaphore_mem>>)
        %dma_wait3A_116 = arith.constant 0 : i32
        %dma_wait3A_117 = tpu.memref_slice %arg6[%add3A_111, %dma_wait3A_116] : memref<10000x128xf32, #tpu.memory_space<vmem_shared>> -> memref<128x128xf32, #tpu.memory_space<vmem_shared>>
        %dma_wait3A_118 = arith.constant 0 : i32
        %dma_wait3A_119 = tpu.memref_slice %arg6[%add3A_111, %dma_wait3A_118] : memref<10000x128xf32, #tpu.memory_space<vmem_shared>> -> memref<128x128xf32, #tpu.memory_space<vmem_shared>>
        tpu.wait_dma2 semaphore(%run_scoped3A : memref<!tpu.dma_semaphore, #tpu.memory_space<semaphore_mem>>) src(%arg7 : memref<128x128xf32, #tpu.memory_space<vmem>>) dst(%dma_wait3A_119 : memref<128x128xf32, #tpu.memory_space<vmem_shared>>)
        tpu.yield
      }) : () -> ()
    }
    %scan3A_11 = arith.constant 5 : i32
    %barrier3A = arith.constant 0 : index
    tpu.barrier barrier_id(%barrier3A)
    %add3A_12 = arith.constant 0 : i32
    %add3A_13 = arith.addi %add3A_12, %add3A : i32
    %dma_start3A = arith.constant 0 : i32
    %dma_start3A_14 = arith.constant 0 : i32
    %dma_start3A_15 = arith.constant 0 : i32
    %dma_start3A_16 = tpu.memref_slice %arg10[%dma_start3A, %dma_start3A_14, %dma_start3A_15] : memref<3x2x128xi32, #tpu.memory_space<vmem>> -> memref<1x2x128xi32, #tpu.memory_space<vmem>>
    %dma_start3A_17 = tpu.memref_squeeze %dma_start3A_16 : memref<1x2x128xi32, #tpu.memory_space<vmem>> -> memref<2x128xi32, #tpu.memory_space<vmem>>
    %dma_start3A_18 = arith.constant 0 : i32
    %dma_start3A_19 = arith.constant 0 : i32
    %dma_start3A_20 = tpu.memref_slice %arg3[%add3A_13, %dma_start3A_18, %dma_start3A_19] : memref<2500x2x128xi32, #tpu.memory_space<hbm>> -> memref<1x2x128xi32, #tpu.memory_space<hbm>>
    %dma_start3A_21 = tpu.memref_squeeze %dma_start3A_20 : memref<1x2x128xi32, #tpu.memory_space<hbm>> -> memref<2x128xi32, #tpu.memory_space<hbm>>
    %dma_start3A_22 = arith.constant 0 : i32
    %dma_start3A_23 = arith.constant 0 : i32
    %dma_start3A_24 = tpu.memref_slice %arg10[%dma_start3A, %dma_start3A_22, %dma_start3A_23] : memref<3x2x128xi32, #tpu.memory_space<vmem>> -> memref<1x2x128xi32, #tpu.memory_space<vmem>>
    %dma_start3A_25 = tpu.memref_squeeze %dma_start3A_24 : memref<1x2x128xi32, #tpu.memory_space<vmem>> -> memref<2x128xi32, #tpu.memory_space<vmem>>
    %dma_start3A_26 = arith.constant 0 : i32
    %dma_start3A_27 = arith.constant 0 : i32
    %dma_start3A_28 = tpu.memref_slice %arg3[%add3A_13, %dma_start3A_26, %dma_start3A_27] : memref<2500x2x128xi32, #tpu.memory_space<hbm>> -> memref<1x2x128xi32, #tpu.memory_space<hbm>>
    %dma_start3A_29 = tpu.memref_squeeze %dma_start3A_28 : memref<1x2x128xi32, #tpu.memory_space<hbm>> -> memref<2x128xi32, #tpu.memory_space<hbm>>
    tpu.enqueue_dma source(%dma_start3A_29 : memref<2x128xi32, #tpu.memory_space<hbm>>) target(%dma_start3A_25 : memref<2x128xi32, #tpu.memory_space<vmem>>) target_semaphore(%arg11 : memref<!tpu.dma_semaphore, #tpu.memory_space<semaphore_mem>>)
    %add3A_30 = arith.constant 32 : i32
    %add3A_31 = arith.addi %add3A_30, %add3A : i32
    %dma_start3A_32 = arith.constant 1 : i32
    %dma_start3A_33 = arith.constant 0 : i32
    %dma_start3A_34 = arith.constant 0 : i32
    %dma_start3A_35 = tpu.memref_slice %arg10[%dma_start3A_32, %dma_start3A_33, %dma_start3A_34] : memref<3x2x128xi32, #tpu.memory_space<vmem>> -> memref<1x2x128xi32, #tpu.memory_space<vmem>>
    %dma_start3A_36 = tpu.memref_squeeze %dma_start3A_35 : memref<1x2x128xi32, #tpu.memory_space<vmem>> -> memref<2x128xi32, #tpu.memory_space<vmem>>
    %dma_start3A_37 = arith.constant 0 : i32
    %dma_start3A_38 = arith.constant 0 : i32
    %dma_start3A_39 = tpu.memref_slice %arg3[%add3A_31, %dma_start3A_37, %dma_start3A_38] : memref<2500x2x128xi32, #tpu.memory_space<hbm>> -> memref<1x2x128xi32, #tpu.memory_space<hbm>>
    %dma_start3A_40 = tpu.memref_squeeze %dma_start3A_39 : memref<1x2x128xi32, #tpu.memory_space<hbm>> -> memref<2x128xi32, #tpu.memory_space<hbm>>
    %dma_start3A_41 = arith.constant 0 : i32
    %dma_start3A_42 = arith.constant 0 : i32
    %dma_start3A_43 = tpu.memref_slice %arg10[%dma_start3A_32, %dma_start3A_41, %dma_start3A_42] : memref<3x2x128xi32, #tpu.memory_space<vmem>> -> memref<1x2x128xi32, #tpu.memory_space<vmem>>
    %dma_start3A_44 = tpu.memref_squeeze %dma_start3A_43 : memref<1x2x128xi32, #tpu.memory_space<vmem>> -> memref<2x128xi32, #tpu.memory_space<vmem>>
    %dma_start3A_45 = arith.constant 0 : i32
    %dma_start3A_46 = arith.constant 0 : i32
    %dma_start3A_47 = tpu.memref_slice %arg3[%add3A_31, %dma_start3A_45, %dma_start3A_46] : memref<2500x2x128xi32, #tpu.memory_space<hbm>> -> memref<1x2x128xi32, #tpu.memory_space<hbm>>
    %dma_start3A_48 = tpu.memref_squeeze %dma_start3A_47 : memref<1x2x128xi32, #tpu.memory_space<hbm>> -> memref<2x128xi32, #tpu.memory_space<hbm>>
    tpu.enqueue_dma source(%dma_start3A_48 : memref<2x128xi32, #tpu.memory_space<hbm>>) target(%dma_start3A_44 : memref<2x128xi32, #tpu.memory_space<vmem>>) target_semaphore(%arg12 : memref<!tpu.dma_semaphore, #tpu.memory_space<semaphore_mem>>)
    %dma_wait3A = arith.constant 0 : i32
    %dma_wait3A_49 = arith.constant 0 : i32
    %dma_wait3A_50 = arith.constant 0 : i32
    %dma_wait3A_51 = arith.constant 0 : i32
    %dma_wait3A_52 = tpu.memref_slice %arg10[%dma_wait3A_49, %dma_wait3A_50, %dma_wait3A_51] : memref<3x2x128xi32, #tpu.memory_space<vmem>> -> memref<1x2x128xi32, #tpu.memory_space<vmem>>
    %dma_wait3A_53 = tpu.memref_squeeze %dma_wait3A_52 : memref<1x2x128xi32, #tpu.memory_space<vmem>> -> memref<2x128xi32, #tpu.memory_space<vmem>>
    %dma_wait3A_54 = arith.constant 0 : i32
    %dma_wait3A_55 = arith.constant 0 : i32
    %dma_wait3A_56 = tpu.memref_slice %arg3[%dma_wait3A, %dma_wait3A_54, %dma_wait3A_55] : memref<2500x2x128xi32, #tpu.memory_space<hbm>> -> memref<1x2x128xi32, #tpu.memory_space<hbm>>
    %dma_wait3A_57 = tpu.memref_squeeze %dma_wait3A_56 : memref<1x2x128xi32, #tpu.memory_space<hbm>> -> memref<2x128xi32, #tpu.memory_space<hbm>>
    %dma_wait3A_58 = arith.constant 0 : i32
    %dma_wait3A_59 = arith.constant 0 : i32
    %dma_wait3A_60 = tpu.memref_slice %arg10[%dma_wait3A_49, %dma_wait3A_58, %dma_wait3A_59] : memref<3x2x128xi32, #tpu.memory_space<vmem>> -> memref<1x2x128xi32, #tpu.memory_space<vmem>>
    %dma_wait3A_61 = tpu.memref_squeeze %dma_wait3A_60 : memref<1x2x128xi32, #tpu.memory_space<vmem>> -> memref<2x128xi32, #tpu.memory_space<vmem>>
    %dma_wait3A_62 = arith.constant 0 : i32
    %dma_wait3A_63 = arith.constant 0 : i32
    %dma_wait3A_64 = tpu.memref_slice %arg3[%dma_wait3A, %dma_wait3A_62, %dma_wait3A_63] : memref<2500x2x128xi32, #tpu.memory_space<hbm>> -> memref<1x2x128xi32, #tpu.memory_space<hbm>>
    %dma_wait3A_65 = tpu.memref_squeeze %dma_wait3A_64 : memref<1x2x128xi32, #tpu.memory_space<hbm>> -> memref<2x128xi32, #tpu.memory_space<hbm>>
    tpu.wait_dma2 semaphore(%arg11 : memref<!tpu.dma_semaphore, #tpu.memory_space<semaphore_mem>>) src(%dma_wait3A_65 : memref<2x128xi32, #tpu.memory_space<hbm>>) dst(%dma_wait3A_61 : memref<2x128xi32, #tpu.memory_space<vmem>>)
    %dma_start3A_66 = arith.constant 0 : i32
    %dma_start3A_67 = arith.constant 0 : i32
    %dma_start3A_68 = arith.constant 0 : i32
    %dma_start3A_69 = tpu.memref_slice %arg10[%dma_start3A_66, %dma_start3A_67, %dma_start3A_68] : memref<3x2x128xi32, #tpu.memory_space<vmem>> -> memref<1x1x128xi32, #tpu.memory_space<vmem>>
    %dma_start3A_70 = tpu.memref_squeeze %dma_start3A_69 : memref<1x1x128xi32, #tpu.memory_space<vmem>> -> memref<128xi32, #tpu.memory_space<vmem>>
    %dma_start3A_71 = arith.constant 0 : i32
    %dma_start3A_72 = arith.constant 0 : i32
    %dma_start3A_73 = tpu.memref_slice %arg2[%dma_start3A_71, %dma_start3A_72] : memref<10000x128xf32, #tpu.memory_space<hbm>> -> memref<10000x128xf32, #tpu.memory_space<hbm>>
    tpu.enqueue_indirect_dma source(%dma_start3A_73 : memref<10000x128xf32, #tpu.memory_space<hbm>>) target(%arg7 : memref<128x128xf32, #tpu.memory_space<vmem>>) offsets(%dma_start3A_70 : memref<128xi32, #tpu.memory_space<vmem>>) semaphore(%arg14 : memref<!tpu.dma_semaphore, #tpu.memory_space<semaphore_mem>>)
    %scan3A_74 = arith.constant 0 : i32
    %scan3A_75 = arith.constant 26 : i32
    %scan3A_76 = arith.addi %scan3A_74, %scan3A_75 : i32
    %scan3A_77 = arith.constant 1 : i32
    scf.for %scan3A_104 = %scan3A_74 to %scan3A_76 step %scan3A_77  : i32 {
      %mul3A_105 = arith.constant 1 : i32
      %mul3A_106 = arith.muli %scan3A_104, %mul3A_105 : i32
      %add3A_107 = arith.constant 0 : i32
      %add3A_108 = arith.addi %add3A_107, %mul3A_106 : i32
      %mul3A_109 = arith.constant 3 : i32
      %mul3A_110 = arith.muli %mul3A_109, %add3A_108 : i32
      %add3A_111 = arith.constant 0 : i32
      %add3A_112 = arith.addi %mul3A_110, %add3A_111 : i32
      %dma_wait3A_113 = arith.constant 0 : i32
      %dma_wait3A_114 = arith.constant 1 : i32
      %dma_wait3A_115 = arith.constant 0 : i32
      %dma_wait3A_116 = arith.constant 0 : i32
      %dma_wait3A_117 = tpu.memref_slice %arg10[%dma_wait3A_114, %dma_wait3A_115, %dma_wait3A_116] : memref<3x2x128xi32, #tpu.memory_space<vmem>> -> memref<1x2x128xi32, #tpu.memory_space<vmem>>
      %dma_wait3A_118 = tpu.memref_squeeze %dma_wait3A_117 : memref<1x2x128xi32, #tpu.memory_space<vmem>> -> memref<2x128xi32, #tpu.memory_space<vmem>>
      %dma_wait3A_119 = arith.constant 0 : i32
      %dma_wait3A_120 = arith.constant 0 : i32
      %dma_wait3A_121 = tpu.memref_slice %arg3[%dma_wait3A_113, %dma_wait3A_119, %dma_wait3A_120] : memref<2500x2x128xi32, #tpu.memory_space<hbm>> -> memref<1x2x128xi32, #tpu.memory_space<hbm>>
      %dma_wait3A_122 = tpu.memref_squeeze %dma_wait3A_121 : memref<1x2x128xi32, #tpu.memory_space<hbm>> -> memref<2x128xi32, #tpu.memory_space<hbm>>
      %dma_wait3A_123 = arith.constant 0 : i32
      %dma_wait3A_124 = arith.constant 0 : i32
      %dma_wait3A_125 = tpu.memref_slice %arg10[%dma_wait3A_114, %dma_wait3A_123, %dma_wait3A_124] : memref<3x2x128xi32, #tpu.memory_space<vmem>> -> memref<1x2x128xi32, #tpu.memory_space<vmem>>
      %dma_wait3A_126 = tpu.memref_squeeze %dma_wait3A_125 : memref<1x2x128xi32, #tpu.memory_space<vmem>> -> memref<2x128xi32, #tpu.memory_space<vmem>>
      %dma_wait3A_127 = arith.constant 0 : i32
      %dma_wait3A_128 = arith.constant 0 : i32
      %dma_wait3A_129 = tpu.memref_slice %arg3[%dma_wait3A_113, %dma_wait3A_127, %dma_wait3A_128] : memref<2500x2x128xi32, #tpu.memory_space<hbm>> -> memref<1x2x128xi32, #tpu.memory_space<hbm>>
      %dma_wait3A_130 = tpu.memref_squeeze %dma_wait3A_129 : memref<1x2x128xi32, #tpu.memory_space<hbm>> -> memref<2x128xi32, #tpu.memory_space<hbm>>
      tpu.wait_dma2 semaphore(%arg12 : memref<!tpu.dma_semaphore, #tpu.memory_space<semaphore_mem>>) src(%dma_wait3A_130 : memref<2x128xi32, #tpu.memory_space<hbm>>) dst(%dma_wait3A_126 : memref<2x128xi32, #tpu.memory_space<vmem>>)
      %dma_start3A_131 = arith.constant 1 : i32
      %dma_start3A_132 = arith.constant 0 : i32
      %dma_start3A_133 = arith.constant 0 : i32
      %dma_start3A_134 = tpu.memref_slice %arg10[%dma_start3A_131, %dma_start3A_132, %dma_start3A_133] : memref<3x2x128xi32, #tpu.memory_space<vmem>> -> memref<1x1x128xi32, #tpu.memory_space<vmem>>
      %dma_start3A_135 = tpu.memref_squeeze %dma_start3A_134 : memref<1x1x128xi32, #tpu.memory_space<vmem>> -> memref<128xi32, #tpu.memory_space<vmem>>
      %dma_start3A_136 = arith.constant 0 : i32
      %dma_start3A_137 = arith.constant 0 : i32
      %dma_start3A_138 = tpu.memref_slice %arg2[%dma_start3A_136, %dma_start3A_137] : memref<10000x128xf32, #tpu.memory_space<hbm>> -> memref<10000x128xf32, #tpu.memory_space<hbm>>
      tpu.enqueue_indirect_dma source(%dma_start3A_138 : memref<10000x128xf32, #tpu.memory_space<hbm>>) target(%arg8 : memref<128x128xf32, #tpu.memory_space<vmem>>) offsets(%dma_start3A_135 : memref<128xi32, #tpu.memory_space<vmem>>) semaphore(%arg15 : memref<!tpu.dma_semaphore, #tpu.memory_space<semaphore_mem>>)
      %dma_wait3A_139 = arith.constant 0 : i32
      %dma_wait3A_140 = arith.constant 0 : i32
      %dma_wait3A_141 = arith.constant 0 : i32
      %dma_wait3A_142 = tpu.memref_slice %arg10[%dma_wait3A_139, %dma_wait3A_140, %dma_wait3A_141] : memref<3x2x128xi32, #tpu.memory_space<vmem>> -> memref<1x1x128xi32, #tpu.memory_space<vmem>>
      %dma_wait3A_143 = tpu.memref_squeeze %dma_wait3A_142 : memref<1x1x128xi32, #tpu.memory_space<vmem>> -> memref<128xi32, #tpu.memory_space<vmem>>
      %dma_wait3A_144 = arith.constant 0 : i32
      %dma_wait3A_145 = arith.constant 0 : i32
      %dma_wait3A_146 = tpu.memref_slice %arg2[%dma_wait3A_144, %dma_wait3A_145] : memref<10000x128xf32, #tpu.memory_space<hbm>> -> memref<10000x128xf32, #tpu.memory_space<hbm>>
      tpu.wait_indirect_dma semaphore(%arg14 : memref<!tpu.dma_semaphore, #tpu.memory_space<semaphore_mem>>) src(%dma_wait3A_146 : memref<10000x128xf32, #tpu.memory_space<hbm>>) dst(%arg7 : memref<128x128xf32, #tpu.memory_space<vmem>>)
      %dma_start3A_147 = arith.constant 0 : i32
      %dma_start3A_148 = arith.constant 1 : i32
      %dma_start3A_149 = arith.constant 0 : i32
      %dma_start3A_150 = tpu.memref_slice %arg10[%dma_start3A_147, %dma_start3A_148, %dma_start3A_149] : memref<3x2x128xi32, #tpu.memory_space<vmem>> -> memref<1x1x128xi32, #tpu.memory_space<vmem>>
      %dma_start3A_151 = tpu.memref_squeeze %dma_start3A_150 : memref<1x1x128xi32, #tpu.memory_space<vmem>> -> memref<128xi32, #tpu.memory_space<vmem>>
      %dma_start3A_152 = arith.constant 0 : i32
      %dma_start3A_153 = arith.constant 0 : i32
      %dma_start3A_154 = tpu.memref_slice %arg6[%dma_start3A_152, %dma_start3A_153] : memref<10000x128xf32, #tpu.memory_space<vmem_shared>> -> memref<10000x128xf32, #tpu.memory_space<vmem_shared>>
      tpu.enqueue_indirect_dma source(%arg7 : memref<128x128xf32, #tpu.memory_space<vmem>>) target(%dma_start3A_154 : memref<10000x128xf32, #tpu.memory_space<vmem_shared>>) offsets(%dma_start3A_151 : memref<128xi32, #tpu.memory_space<vmem>>) semaphore(%arg17 : memref<!tpu.dma_semaphore, #tpu.memory_space<semaphore_mem>>) {add = true}
      %gt3A = arith.constant 0 : i32
      %gt3A_155 = arith.cmpi sgt, %add3A_108, %gt3A : i32
      %convert_element_type3A_156 = arith.extui %gt3A_155 : i1 to i32
      %cond3A_157 = arith.constant 0 : i32
      %cond3A_158 = arith.cmpi ne, %convert_element_type3A_156, %cond3A_157 : i32
      scf.if %cond3A_158 {
        %dma_wait3A_283 = arith.constant 2 : i32
        %dma_wait3A_284 = arith.constant 1 : i32
        %dma_wait3A_285 = arith.constant 0 : i32
        %dma_wait3A_286 = tpu.memref_slice %arg10[%dma_wait3A_283, %dma_wait3A_284, %dma_wait3A_285] : memref<3x2x128xi32, #tpu.memory_space<vmem>> -> memref<1x1x128xi32, #tpu.memory_space<vmem>>
        %dma_wait3A_287 = tpu.memref_squeeze %dma_wait3A_286 : memref<1x1x128xi32, #tpu.memory_space<vmem>> -> memref<128xi32, #tpu.memory_space<vmem>>
        %dma_wait3A_288 = arith.constant 0 : i32
        %dma_wait3A_289 = arith.constant 0 : i32
        %dma_wait3A_290 = tpu.memref_slice %arg6[%dma_wait3A_288, %dma_wait3A_289] : memref<10000x128xf32, #tpu.memory_space<vmem_shared>> -> memref<10000x128xf32, #tpu.memory_space<vmem_shared>>
        tpu.wait_indirect_dma semaphore(%arg19 : memref<!tpu.dma_semaphore, #tpu.memory_space<semaphore_mem>>) src(%arg9 : memref<128x128xf32, #tpu.memory_space<vmem>>) dst(%dma_wait3A_290 : memref<10000x128xf32, #tpu.memory_space<vmem_shared>>)
      } else {
      }
      %add3A_159 = arith.constant 2 : i32
      %add3A_160 = arith.addi %add3A_112, %add3A_159 : i32
      %mul3A_161 = arith.constant 32 : i32
      %mul3A_162 = arith.muli %add3A_160, %mul3A_161 : i32
      %add3A_163 = arith.addi %mul3A_162, %add3A : i32
      %dma_start3A_164 = arith.constant 2 : i32
      %dma_start3A_165 = arith.constant 0 : i32
      %dma_start3A_166 = arith.constant 0 : i32
      %dma_start3A_167 = tpu.memref_slice %arg10[%dma_start3A_164, %dma_start3A_165, %dma_start3A_166] : memref<3x2x128xi32, #tpu.memory_space<vmem>> -> memref<1x2x128xi32, #tpu.memory_space<vmem>>
      %dma_start3A_168 = tpu.memref_squeeze %dma_start3A_167 : memref<1x2x128xi32, #tpu.memory_space<vmem>> -> memref<2x128xi32, #tpu.memory_space<vmem>>
      %dma_start3A_169 = arith.constant 0 : i32
      %dma_start3A_170 = arith.constant 0 : i32
      %dma_start3A_171 = tpu.memref_slice %arg3[%add3A_163, %dma_start3A_169, %dma_start3A_170] : memref<2500x2x128xi32, #tpu.memory_space<hbm>> -> memref<1x2x128xi32, #tpu.memory_space<hbm>>
      %dma_start3A_172 = tpu.memref_squeeze %dma_start3A_171 : memref<1x2x128xi32, #tpu.memory_space<hbm>> -> memref<2x128xi32, #tpu.memory_space<hbm>>
      %dma_start3A_173 = arith.constant 0 : i32
      %dma_start3A_174 = arith.constant 0 : i32
      %dma_start3A_175 = tpu.memref_slice %arg10[%dma_start3A_164, %dma_start3A_173, %dma_start3A_174] : memref<3x2x128xi32, #tpu.memory_space<vmem>> -> memref<1x2x128xi32, #tpu.memory_space<vmem>>
      %dma_start3A_176 = tpu.memref_squeeze %dma_start3A_175 : memref<1x2x128xi32, #tpu.memory_space<vmem>> -> memref<2x128xi32, #tpu.memory_space<vmem>>
      %dma_start3A_177 = arith.constant 0 : i32
      %dma_start3A_178 = arith.constant 0 : i32
      %dma_start3A_179 = tpu.memref_slice %arg3[%add3A_163, %dma_start3A_177, %dma_start3A_178] : memref<2500x2x128xi32, #tpu.memory_space<hbm>> -> memref<1x2x128xi32, #tpu.memory_space<hbm>>
      %dma_start3A_180 = tpu.memref_squeeze %dma_start3A_179 : memref<1x2x128xi32, #tpu.memory_space<hbm>> -> memref<2x128xi32, #tpu.memory_space<hbm>>
      tpu.enqueue_dma source(%dma_start3A_180 : memref<2x128xi32, #tpu.memory_space<hbm>>) target(%dma_start3A_176 : memref<2x128xi32, #tpu.memory_space<vmem>>) target_semaphore(%arg13 : memref<!tpu.dma_semaphore, #tpu.memory_space<semaphore_mem>>)
      %mul3A_181 = arith.constant 3 : i32
      %mul3A_182 = arith.muli %mul3A_181, %add3A_108 : i32
      %add3A_183 = arith.constant 1 : i32
      %add3A_184 = arith.addi %mul3A_182, %add3A_183 : i32
      %dma_wait3A_185 = arith.constant 0 : i32
      %dma_wait3A_186 = arith.constant 2 : i32
      %dma_wait3A_187 = arith.constant 0 : i32
      %dma_wait3A_188 = arith.constant 0 : i32
      %dma_wait3A_189 = tpu.memref_slice %arg10[%dma_wait3A_186, %dma_wait3A_187, %dma_wait3A_188] : memref<3x2x128xi32, #tpu.memory_space<vmem>> -> memref<1x2x128xi32, #tpu.memory_space<vmem>>
      %dma_wait3A_190 = tpu.memref_squeeze %dma_wait3A_189 : memref<1x2x128xi32, #tpu.memory_space<vmem>> -> memref<2x128xi32, #tpu.memory_space<vmem>>
      %dma_wait3A_191 = arith.constant 0 : i32
      %dma_wait3A_192 = arith.constant 0 : i32
      %dma_wait3A_193 = tpu.memref_slice %arg3[%dma_wait3A_185, %dma_wait3A_191, %dma_wait3A_192] : memref<2500x2x128xi32, #tpu.memory_space<hbm>> -> memref<1x2x128xi32, #tpu.memory_space<hbm>>
      %dma_wait3A_194 = tpu.memref_squeeze %dma_wait3A_193 : memref<1x2x128xi32, #tpu.memory_space<hbm>> -> memref<2x128xi32, #tpu.memory_space<hbm>>
      %dma_wait3A_195 = arith.constant 0 : i32
      %dma_wait3A_196 = arith.constant 0 : i32
      %dma_wait3A_197 = tpu.memref_slice %arg10[%dma_wait3A_186, %dma_wait3A_195, %dma_wait3A_196] : memref<3x2x128xi32, #tpu.memory_space<vmem>> -> memref<1x2x128xi32, #tpu.memory_space<vmem>>
      %dma_wait3A_198 = tpu.memref_squeeze %dma_wait3A_197 : memref<1x2x128xi32, #tpu.memory_space<vmem>> -> memref<2x128xi32, #tpu.memory_space<vmem>>
      %dma_wait3A_199 = arith.constant 0 : i32
      %dma_wait3A_200 = arith.constant 0 : i32
      %dma_wait3A_201 = tpu.memref_slice %arg3[%dma_wait3A_185, %dma_wait3A_199, %dma_wait3A_200] : memref<2500x2x128xi32, #tpu.memory_space<hbm>> -> memref<1x2x128xi32, #tpu.memory_space<hbm>>
      %dma_wait3A_202 = tpu.memref_squeeze %dma_wait3A_201 : memref<1x2x128xi32, #tpu.memory_space<hbm>> -> memref<2x128xi32, #tpu.memory_space<hbm>>
      tpu.wait_dma2 semaphore(%arg13 : memref<!tpu.dma_semaphore, #tpu.memory_space<semaphore_mem>>) src(%dma_wait3A_202 : memref<2x128xi32, #tpu.memory_space<hbm>>) dst(%dma_wait3A_198 : memref<2x128xi32, #tpu.memory_space<vmem>>)
      %dma_start3A_203 = arith.constant 2 : i32
      %dma_start3A_204 = arith.constant 0 : i32
      %dma_start3A_205 = arith.constant 0 : i32
      %dma_start3A_206 = tpu.memref_slice %arg10[%dma_start3A_203, %dma_start3A_204, %dma_start3A_205] : memref<3x2x128xi32, #tpu.memory_space<vmem>> -> memref<1x1x128xi32, #tpu.memory_space<vmem>>
      %dma_start3A_207 = tpu.memref_squeeze %dma_start3A_206 : memref<1x1x128xi32, #tpu.memory_space<vmem>> -> memref<128xi32, #tpu.memory_space<vmem>>
      %dma_start3A_208 = arith.constant 0 : i32
      %dma_start3A_209 = arith.constant 0 : i32
      %dma_start3A_210 = tpu.memref_slice %arg2[%dma_start3A_208, %dma_start3A_209] : memref<10000x128xf32, #tpu.memory_space<hbm>> -> memref<10000x128xf32, #tpu.memory_space<hbm>>
      tpu.enqueue_indirect_dma source(%dma_start3A_210 : memref<10000x128xf32, #tpu.memory_space<hbm>>) target(%arg9 : memref<128x128xf32, #tpu.memory_space<vmem>>) offsets(%dma_start3A_207 : memref<128xi32, #tpu.memory_space<vmem>>) semaphore(%arg16 : memref<!tpu.dma_semaphore, #tpu.memory_space<semaphore_mem>>)
      %dma_wait3A_211 = arith.constant 1 : i32
      %dma_wait3A_212 = arith.constant 0 : i32
      %dma_wait3A_213 = arith.constant 0 : i32
      %dma_wait3A_214 = tpu.memref_slice %arg10[%dma_wait3A_211, %dma_wait3A_212, %dma_wait3A_213] : memref<3x2x128xi32, #tpu.memory_space<vmem>> -> memref<1x1x128xi32, #tpu.memory_space<vmem>>
      %dma_wait3A_215 = tpu.memref_squeeze %dma_wait3A_214 : memref<1x1x128xi32, #tpu.memory_space<vmem>> -> memref<128xi32, #tpu.memory_space<vmem>>
      %dma_wait3A_216 = arith.constant 0 : i32
      %dma_wait3A_217 = arith.constant 0 : i32
      %dma_wait3A_218 = tpu.memref_slice %arg2[%dma_wait3A_216, %dma_wait3A_217] : memref<10000x128xf32, #tpu.memory_space<hbm>> -> memref<10000x128xf32, #tpu.memory_space<hbm>>
      tpu.wait_indirect_dma semaphore(%arg15 : memref<!tpu.dma_semaphore, #tpu.memory_space<semaphore_mem>>) src(%dma_wait3A_218 : memref<10000x128xf32, #tpu.memory_space<hbm>>) dst(%arg8 : memref<128x128xf32, #tpu.memory_space<vmem>>)
      %dma_start3A_219 = arith.constant 1 : i32
      %dma_start3A_220 = arith.constant 1 : i32
      %dma_start3A_221 = arith.constant 0 : i32
      %dma_start3A_222 = tpu.memref_slice %arg10[%dma_start3A_219, %dma_start3A_220, %dma_start3A_221] : memref<3x2x128xi32, #tpu.memory_space<vmem>> -> memref<1x1x128xi32, #tpu.memory_space<vmem>>
      %dma_start3A_223 = tpu.memref_squeeze %dma_start3A_222 : memref<1x1x128xi32, #tpu.memory_space<vmem>> -> memref<128xi32, #tpu.memory_space<vmem>>
      %dma_start3A_224 = arith.constant 0 : i32
      %dma_start3A_225 = arith.constant 0 : i32
      %dma_start3A_226 = tpu.memref_slice %arg6[%dma_start3A_224, %dma_start3A_225] : memref<10000x128xf32, #tpu.memory_space<vmem_shared>> -> memref<10000x128xf32, #tpu.memory_space<vmem_shared>>
      tpu.enqueue_indirect_dma source(%arg8 : memref<128x128xf32, #tpu.memory_space<vmem>>) target(%dma_start3A_226 : memref<10000x128xf32, #tpu.memory_space<vmem_shared>>) offsets(%dma_start3A_223 : memref<128xi32, #tpu.memory_space<vmem>>) semaphore(%arg18 : memref<!tpu.dma_semaphore, #tpu.memory_space<semaphore_mem>>) {add = true}
      %dma_wait3A_227 = arith.constant 0 : i32
      %dma_wait3A_228 = arith.constant 1 : i32
      %dma_wait3A_229 = arith.constant 0 : i32
      %dma_wait3A_230 = tpu.memref_slice %arg10[%dma_wait3A_227, %dma_wait3A_228, %dma_wait3A_229] : memref<3x2x128xi32, #tpu.memory_space<vmem>> -> memref<1x1x128xi32, #tpu.memory_space<vmem>>
      %dma_wait3A_231 = tpu.memref_squeeze %dma_wait3A_230 : memref<1x1x128xi32, #tpu.memory_space<vmem>> -> memref<128xi32, #tpu.memory_space<vmem>>
      %dma_wait3A_232 = arith.constant 0 : i32
      %dma_wait3A_233 = arith.constant 0 : i32
      %dma_wait3A_234 = tpu.memref_slice %arg6[%dma_wait3A_232, %dma_wait3A_233] : memref<10000x128xf32, #tpu.memory_space<vmem_shared>> -> memref<10000x128xf32, #tpu.memory_space<vmem_shared>>
      tpu.wait_indirect_dma semaphore(%arg17 : memref<!tpu.dma_semaphore, #tpu.memory_space<semaphore_mem>>) src(%arg7 : memref<128x128xf32, #tpu.memory_space<vmem>>) dst(%dma_wait3A_234 : memref<10000x128xf32, #tpu.memory_space<vmem_shared>>)
      %lt3A_235 = arith.constant 25 : i32
      %lt3A_236 = arith.cmpi slt, %add3A_108, %lt3A_235 : i32
      %lt3A_237 = arith.constant 4 : i32
      %lt3A_238 = arith.cmpi slt, %add3A, %lt3A_237 : i32
      %or3A = arith.ori %lt3A_236, %lt3A_238 : i1
      %convert_element_type3A_239 = arith.extui %or3A : i1 to i32
      %cond3A_240 = arith.constant 0 : i32
      %cond3A_241 = arith.cmpi ne, %convert_element_type3A_239, %cond3A_240 : i32
      scf.if %cond3A_241 {
        %add3A_283 = arith.constant 2 : i32
        %add3A_284 = arith.addi %add3A_184, %add3A_283 : i32
        %mul3A_285 = arith.constant 32 : i32
        %mul3A_286 = arith.muli %add3A_284, %mul3A_285 : i32
        %add3A_287 = arith.addi %mul3A_286, %add3A : i32
        %dma_start3A_288 = arith.constant 0 : i32
        %dma_start3A_289 = arith.constant 0 : i32
        %dma_start3A_290 = arith.constant 0 : i32
        %dma_start3A_291 = tpu.memref_slice %arg10[%dma_start3A_288, %dma_start3A_289, %dma_start3A_290] : memref<3x2x128xi32, #tpu.memory_space<vmem>> -> memref<1x2x128xi32, #tpu.memory_space<vmem>>
        %dma_start3A_292 = tpu.memref_squeeze %dma_start3A_291 : memref<1x2x128xi32, #tpu.memory_space<vmem>> -> memref<2x128xi32, #tpu.memory_space<vmem>>
        %dma_start3A_293 = arith.constant 0 : i32
        %dma_start3A_294 = arith.constant 0 : i32
        %dma_start3A_295 = tpu.memref_slice %arg3[%add3A_287, %dma_start3A_293, %dma_start3A_294] : memref<2500x2x128xi32, #tpu.memory_space<hbm>> -> memref<1x2x128xi32, #tpu.memory_space<hbm>>
        %dma_start3A_296 = tpu.memref_squeeze %dma_start3A_295 : memref<1x2x128xi32, #tpu.memory_space<hbm>> -> memref<2x128xi32, #tpu.memory_space<hbm>>
        %dma_start3A_297 = arith.constant 0 : i32
        %dma_start3A_298 = arith.constant 0 : i32
        %dma_start3A_299 = tpu.memref_slice %arg10[%dma_start3A_288, %dma_start3A_297, %dma_start3A_298] : memref<3x2x128xi32, #tpu.memory_space<vmem>> -> memref<1x2x128xi32, #tpu.memory_space<vmem>>
        %dma_start3A_300 = tpu.memref_squeeze %dma_start3A_299 : memref<1x2x128xi32, #tpu.memory_space<vmem>> -> memref<2x128xi32, #tpu.memory_space<vmem>>
        %dma_start3A_301 = arith.constant 0 : i32
        %dma_start3A_302 = arith.constant 0 : i32
        %dma_start3A_303 = tpu.memref_slice %arg3[%add3A_287, %dma_start3A_301, %dma_start3A_302] : memref<2500x2x128xi32, #tpu.memory_space<hbm>> -> memref<1x2x128xi32, #tpu.memory_space<hbm>>
        %dma_start3A_304 = tpu.memref_squeeze %dma_start3A_303 : memref<1x2x128xi32, #tpu.memory_space<hbm>> -> memref<2x128xi32, #tpu.memory_space<hbm>>
        tpu.enqueue_dma source(%dma_start3A_304 : memref<2x128xi32, #tpu.memory_space<hbm>>) target(%dma_start3A_300 : memref<2x128xi32, #tpu.memory_space<vmem>>) target_semaphore(%arg11 : memref<!tpu.dma_semaphore, #tpu.memory_space<semaphore_mem>>)
      } else {
      }
      %mul3A_242 = arith.constant 3 : i32
      %mul3A_243 = arith.muli %mul3A_242, %add3A_108 : i32
      %add3A_244 = arith.constant 2 : i32
      %add3A_245 = arith.addi %mul3A_243, %add3A_244 : i32
      %lt3A_246 = arith.constant 25 : i32
      %lt3A_247 = arith.cmpi slt, %add3A_108, %lt3A_246 : i32
      %lt3A_248 = arith.constant 4 : i32
      %lt3A_249 = arith.cmpi slt, %add3A, %lt3A_248 : i32
      %or3A_250 = arith.ori %lt3A_247, %lt3A_249 : i1
      %convert_element_type3A_251 = arith.extui %or3A_250 : i1 to i32
      %cond3A_252 = arith.constant 0 : i32
      %cond3A_253 = arith.cmpi ne, %convert_element_type3A_251, %cond3A_252 : i32
      scf.if %cond3A_253 {
        %dma_wait3A_283 = arith.constant 0 : i32
        %dma_wait3A_284 = arith.constant 0 : i32
        %dma_wait3A_285 = arith.constant 0 : i32
        %dma_wait3A_286 = arith.constant 0 : i32
        %dma_wait3A_287 = tpu.memref_slice %arg10[%dma_wait3A_284, %dma_wait3A_285, %dma_wait3A_286] : memref<3x2x128xi32, #tpu.memory_space<vmem>> -> memref<1x2x128xi32, #tpu.memory_space<vmem>>
        %dma_wait3A_288 = tpu.memref_squeeze %dma_wait3A_287 : memref<1x2x128xi32, #tpu.memory_space<vmem>> -> memref<2x128xi32, #tpu.memory_space<vmem>>
        %dma_wait3A_289 = arith.constant 0 : i32
        %dma_wait3A_290 = arith.constant 0 : i32
        %dma_wait3A_291 = tpu.memref_slice %arg3[%dma_wait3A_283, %dma_wait3A_289, %dma_wait3A_290] : memref<2500x2x128xi32, #tpu.memory_space<hbm>> -> memref<1x2x128xi32, #tpu.memory_space<hbm>>
        %dma_wait3A_292 = tpu.memref_squeeze %dma_wait3A_291 : memref<1x2x128xi32, #tpu.memory_space<hbm>> -> memref<2x128xi32, #tpu.memory_space<hbm>>
        %dma_wait3A_293 = arith.constant 0 : i32
        %dma_wait3A_294 = arith.constant 0 : i32
        %dma_wait3A_295 = tpu.memref_slice %arg10[%dma_wait3A_284, %dma_wait3A_293, %dma_wait3A_294] : memref<3x2x128xi32, #tpu.memory_space<vmem>> -> memref<1x2x128xi32, #tpu.memory_space<vmem>>
        %dma_wait3A_296 = tpu.memref_squeeze %dma_wait3A_295 : memref<1x2x128xi32, #tpu.memory_space<vmem>> -> memref<2x128xi32, #tpu.memory_space<vmem>>
        %dma_wait3A_297 = arith.constant 0 : i32
        %dma_wait3A_298 = arith.constant 0 : i32
        %dma_wait3A_299 = tpu.memref_slice %arg3[%dma_wait3A_283, %dma_wait3A_297, %dma_wait3A_298] : memref<2500x2x128xi32, #tpu.memory_space<hbm>> -> memref<1x2x128xi32, #tpu.memory_space<hbm>>
        %dma_wait3A_300 = tpu.memref_squeeze %dma_wait3A_299 : memref<1x2x128xi32, #tpu.memory_space<hbm>> -> memref<2x128xi32, #tpu.memory_space<hbm>>
        tpu.wait_dma2 semaphore(%arg11 : memref<!tpu.dma_semaphore, #tpu.memory_space<semaphore_mem>>) src(%dma_wait3A_300 : memref<2x128xi32, #tpu.memory_space<hbm>>) dst(%dma_wait3A_296 : memref<2x128xi32, #tpu.memory_space<vmem>>)
        %dma_start3A_301 = arith.constant 0 : i32
        %dma_start3A_302 = arith.constant 0 : i32
        %dma_start3A_303 = arith.constant 0 : i32
        %dma_start3A_304 = tpu.memref_slice %arg10[%dma_start3A_301, %dma_start3A_302, %dma_start3A_303] : memref<3x2x128xi32, #tpu.memory_space<vmem>> -> memref<1x1x128xi32, #tpu.memory_space<vmem>>
        %dma_start3A_305 = tpu.memref_squeeze %dma_start3A_304 : memref<1x1x128xi32, #tpu.memory_space<vmem>> -> memref<128xi32, #tpu.memory_space<vmem>>
        %dma_start3A_306 = arith.constant 0 : i32
        %dma_start3A_307 = arith.constant 0 : i32
        %dma_start3A_308 = tpu.memref_slice %arg2[%dma_start3A_306, %dma_start3A_307] : memref<10000x128xf32, #tpu.memory_space<hbm>> -> memref<10000x128xf32, #tpu.memory_space<hbm>>
        tpu.enqueue_indirect_dma source(%dma_start3A_308 : memref<10000x128xf32, #tpu.memory_space<hbm>>) target(%arg7 : memref<128x128xf32, #tpu.memory_space<vmem>>) offsets(%dma_start3A_305 : memref<128xi32, #tpu.memory_space<vmem>>) semaphore(%arg14 : memref<!tpu.dma_semaphore, #tpu.memory_space<semaphore_mem>>)
      } else {
      }
      %dma_wait3A_254 = arith.constant 2 : i32
      %dma_wait3A_255 = arith.constant 0 : i32
      %dma_wait3A_256 = arith.constant 0 : i32
      %dma_wait3A_257 = tpu.memref_slice %arg10[%dma_wait3A_254, %dma_wait3A_255, %dma_wait3A_256] : memref<3x2x128xi32, #tpu.memory_space<vmem>> -> memref<1x1x128xi32, #tpu.memory_space<vmem>>
      %dma_wait3A_258 = tpu.memref_squeeze %dma_wait3A_257 : memref<1x1x128xi32, #tpu.memory_space<vmem>> -> memref<128xi32, #tpu.memory_space<vmem>>
      %dma_wait3A_259 = arith.constant 0 : i32
      %dma_wait3A_260 = arith.constant 0 : i32
      %dma_wait3A_261 = tpu.memref_slice %arg2[%dma_wait3A_259, %dma_wait3A_260] : memref<10000x128xf32, #tpu.memory_space<hbm>> -> memref<10000x128xf32, #tpu.memory_space<hbm>>
      tpu.wait_indirect_dma semaphore(%arg16 : memref<!tpu.dma_semaphore, #tpu.memory_space<semaphore_mem>>) src(%dma_wait3A_261 : memref<10000x128xf32, #tpu.memory_space<hbm>>) dst(%arg9 : memref<128x128xf32, #tpu.memory_space<vmem>>)
      %dma_start3A_262 = arith.constant 2 : i32
      %dma_start3A_263 = arith.constant 1 : i32
      %dma_start3A_264 = arith.constant 0 : i32
      %dma_start3A_265 = tpu.memref_slice %arg10[%dma_start3A_262, %dma_start3A_263, %dma_start3A_264] : memref<3x2x128xi32, #tpu.memory_space<vmem>> -> memref<1x1x128xi32, #tpu.memory_space<vmem>>
      %dma_start3A_266 = tpu.memref_squeeze %dma_start3A_265 : memref<1x1x128xi32, #tpu.memory_space<vmem>> -> memref<128xi32, #tpu.memory_space<vmem>>
      %dma_start3A_267 = arith.constant 0 : i32
      %dma_start3A_268 = arith.constant 0 : i32
      %dma_start3A_269 = tpu.memref_slice %arg6[%dma_start3A_267, %dma_start3A_268] : memref<10000x128xf32, #tpu.memory_space<vmem_shared>> -> memref<10000x128xf32, #tpu.memory_space<vmem_shared>>
      tpu.enqueue_indirect_dma source(%arg9 : memref<128x128xf32, #tpu.memory_space<vmem>>) target(%dma_start3A_269 : memref<10000x128xf32, #tpu.memory_space<vmem_shared>>) offsets(%dma_start3A_266 : memref<128xi32, #tpu.memory_space<vmem>>) semaphore(%arg19 : memref<!tpu.dma_semaphore, #tpu.memory_space<semaphore_mem>>) {add = true}
      %dma_wait3A_270 = arith.constant 1 : i32
      %dma_wait3A_271 = arith.constant 1 : i32
      %dma_wait3A_272 = arith.constant 0 : i32
      %dma_wait3A_273 = tpu.memref_slice %arg10[%dma_wait3A_270, %dma_wait3A_271, %dma_wait3A_272] : memref<3x2x128xi32, #tpu.memory_space<vmem>> -> memref<1x1x128xi32, #tpu.memory_space<vmem>>
      %dma_wait3A_274 = tpu.memref_squeeze %dma_wait3A_273 : memref<1x1x128xi32, #tpu.memory_space<vmem>> -> memref<128xi32, #tpu.memory_space<vmem>>
      %dma_wait3A_275 = arith.constant 0 : i32
      %dma_wait3A_276 = arith.constant 0 : i32
      %dma_wait3A_277 = tpu.memref_slice %arg6[%dma_wait3A_275, %dma_wait3A_276] : memref<10000x128xf32, #tpu.memory_space<vmem_shared>> -> memref<10000x128xf32, #tpu.memory_space<vmem_shared>>
      tpu.wait_indirect_dma semaphore(%arg18 : memref<!tpu.dma_semaphore, #tpu.memory_space<semaphore_mem>>) src(%arg8 : memref<128x128xf32, #tpu.memory_space<vmem>>) dst(%dma_wait3A_277 : memref<10000x128xf32, #tpu.memory_space<vmem_shared>>)
      %lt3A_278 = arith.constant 25 : i32
      %lt3A_279 = arith.cmpi slt, %add3A_108, %lt3A_278 : i32
      %convert_element_type3A_280 = arith.extui %lt3A_279 : i1 to i32
      %cond3A_281 = arith.constant 0 : i32
      %cond3A_282 = arith.cmpi ne, %convert_element_type3A_280, %cond3A_281 : i32
      scf.if %cond3A_282 {
        %add3A_283 = arith.constant 2 : i32
        %add3A_284 = arith.addi %add3A_245, %add3A_283 : i32
        %mul3A_285 = arith.constant 32 : i32
        %mul3A_286 = arith.muli %add3A_284, %mul3A_285 : i32
        %add3A_287 = arith.addi %mul3A_286, %add3A : i32
        %dma_start3A_288 = arith.constant 1 : i32
        %dma_start3A_289 = arith.constant 0 : i32
        %dma_start3A_290 = arith.constant 0 : i32
        %dma_start3A_291 = tpu.memref_slice %arg10[%dma_start3A_288, %dma_start3A_289, %dma_start3A_290] : memref<3x2x128xi32, #tpu.memory_space<vmem>> -> memref<1x2x128xi32, #tpu.memory_space<vmem>>
        %dma_start3A_292 = tpu.memref_squeeze %dma_start3A_291 : memref<1x2x128xi32, #tpu.memory_space<vmem>> -> memref<2x128xi32, #tpu.memory_space<vmem>>
        %dma_start3A_293 = arith.constant 0 : i32
        %dma_start3A_294 = arith.constant 0 : i32
        %dma_start3A_295 = tpu.memref_slice %arg3[%add3A_287, %dma_start3A_293, %dma_start3A_294] : memref<2500x2x128xi32, #tpu.memory_space<hbm>> -> memref<1x2x128xi32, #tpu.memory_space<hbm>>
        %dma_start3A_296 = tpu.memref_squeeze %dma_start3A_295 : memref<1x2x128xi32, #tpu.memory_space<hbm>> -> memref<2x128xi32, #tpu.memory_space<hbm>>
        %dma_start3A_297 = arith.constant 0 : i32
        %dma_start3A_298 = arith.constant 0 : i32
        %dma_start3A_299 = tpu.memref_slice %arg10[%dma_start3A_288, %dma_start3A_297, %dma_start3A_298] : memref<3x2x128xi32, #tpu.memory_space<vmem>> -> memref<1x2x128xi32, #tpu.memory_space<vmem>>
        %dma_start3A_300 = tpu.memref_squeeze %dma_start3A_299 : memref<1x2x128xi32, #tpu.memory_space<vmem>> -> memref<2x128xi32, #tpu.memory_space<vmem>>
        %dma_start3A_301 = arith.constant 0 : i32
        %dma_start3A_302 = arith.constant 0 : i32
        %dma_start3A_303 = tpu.memref_slice %arg3[%add3A_287, %dma_start3A_301, %dma_start3A_302] : memref<2500x2x128xi32, #tpu.memory_space<hbm>> -> memref<1x2x128xi32, #tpu.memory_space<hbm>>
        %dma_start3A_304 = tpu.memref_squeeze %dma_start3A_303 : memref<1x2x128xi32, #tpu.memory_space<hbm>> -> memref<2x128xi32, #tpu.memory_space<hbm>>
        tpu.enqueue_dma source(%dma_start3A_304 : memref<2x128xi32, #tpu.memory_space<hbm>>) target(%dma_start3A_300 : memref<2x128xi32, #tpu.memory_space<vmem>>) target_semaphore(%arg12 : memref<!tpu.dma_semaphore, #tpu.memory_space<semaphore_mem>>)
      } else {
      }
    }
    %scan3A_78 = arith.constant 26 : i32
    %lt3A = arith.constant 4 : i32
    %lt3A_79 = arith.cmpi slt, %add3A, %lt3A : i32
    %convert_element_type3A = arith.extui %lt3A_79 : i1 to i32
    %cond3A = arith.constant 0 : i32
    %cond3A_80 = arith.cmpi ne, %convert_element_type3A, %cond3A : i32
    scf.if %cond3A_80 {
      %dma_wait3A_104 = arith.constant 0 : i32
      %dma_wait3A_105 = arith.constant 0 : i32
      %dma_wait3A_106 = arith.constant 0 : i32
      %dma_wait3A_107 = tpu.memref_slice %arg10[%dma_wait3A_104, %dma_wait3A_105, %dma_wait3A_106] : memref<3x2x128xi32, #tpu.memory_space<vmem>> -> memref<1x1x128xi32, #tpu.memory_space<vmem>>
      %dma_wait3A_108 = tpu.memref_squeeze %dma_wait3A_107 : memref<1x1x128xi32, #tpu.memory_space<vmem>> -> memref<128xi32, #tpu.memory_space<vmem>>
      %dma_wait3A_109 = arith.constant 0 : i32
      %dma_wait3A_110 = arith.constant 0 : i32
      %dma_wait3A_111 = tpu.memref_slice %arg2[%dma_wait3A_109, %dma_wait3A_110] : memref<10000x128xf32, #tpu.memory_space<hbm>> -> memref<10000x128xf32, #tpu.memory_space<hbm>>
      tpu.wait_indirect_dma semaphore(%arg14 : memref<!tpu.dma_semaphore, #tpu.memory_space<semaphore_mem>>) src(%dma_wait3A_111 : memref<10000x128xf32, #tpu.memory_space<hbm>>) dst(%arg7 : memref<128x128xf32, #tpu.memory_space<vmem>>)
      %dma_start3A_112 = arith.constant 0 : i32
      %dma_start3A_113 = arith.constant 1 : i32
      %dma_start3A_114 = arith.constant 0 : i32
      %dma_start3A_115 = tpu.memref_slice %arg10[%dma_start3A_112, %dma_start3A_113, %dma_start3A_114] : memref<3x2x128xi32, #tpu.memory_space<vmem>> -> memref<1x1x128xi32, #tpu.memory_space<vmem>>
      %dma_start3A_116 = tpu.memref_squeeze %dma_start3A_115 : memref<1x1x128xi32, #tpu.memory_space<vmem>> -> memref<128xi32, #tpu.memory_space<vmem>>
      %dma_start3A_117 = arith.constant 0 : i32
      %dma_start3A_118 = arith.constant 0 : i32
      %dma_start3A_119 = tpu.memref_slice %arg6[%dma_start3A_117, %dma_start3A_118] : memref<10000x128xf32, #tpu.memory_space<vmem_shared>> -> memref<10000x128xf32, #tpu.memory_space<vmem_shared>>
      tpu.enqueue_indirect_dma source(%arg7 : memref<128x128xf32, #tpu.memory_space<vmem>>) target(%dma_start3A_119 : memref<10000x128xf32, #tpu.memory_space<vmem_shared>>) offsets(%dma_start3A_116 : memref<128xi32, #tpu.memory_space<vmem>>) semaphore(%arg17 : memref<!tpu.dma_semaphore, #tpu.memory_space<semaphore_mem>>) {add = true}
    } else {
    }
    %dma_wait3A_81 = arith.constant 2 : i32
    %dma_wait3A_82 = arith.constant 1 : i32
    %dma_wait3A_83 = arith.constant 0 : i32
    %dma_wait3A_84 = tpu.memref_slice %arg10[%dma_wait3A_81, %dma_wait3A_82, %dma_wait3A_83] : memref<3x2x128xi32, #tpu.memory_space<vmem>> -> memref<1x1x128xi32, #tpu.memory_space<vmem>>
    %dma_wait3A_85 = tpu.memref_squeeze %dma_wait3A_84 : memref<1x1x128xi32, #tpu.memory_space<vmem>> -> memref<128xi32, #tpu.memory_space<vmem>>
    %dma_wait3A_86 = arith.constant 0 : i32
    %dma_wait3A_87 = arith.constant 0 : i32
    %dma_wait3A_88 = tpu.memref_slice %arg6[%dma_wait3A_86, %dma_wait3A_87] : memref<10000x128xf32, #tpu.memory_space<vmem_shared>> -> memref<10000x128xf32, #tpu.memory_space<vmem_shared>>
    tpu.wait_indirect_dma semaphore(%arg19 : memref<!tpu.dma_semaphore, #tpu.memory_space<semaphore_mem>>) src(%arg9 : memref<128x128xf32, #tpu.memory_space<vmem>>) dst(%dma_wait3A_88 : memref<10000x128xf32, #tpu.memory_space<vmem_shared>>)
    %lt3A_89 = arith.constant 4 : i32
    %lt3A_90 = arith.cmpi slt, %add3A, %lt3A_89 : i32
    %convert_element_type3A_91 = arith.extui %lt3A_90 : i1 to i32
    %cond3A_92 = arith.constant 0 : i32
    %cond3A_93 = arith.cmpi ne, %convert_element_type3A_91, %cond3A_92 : i32
    scf.if %cond3A_93 {
      %dma_wait3A_104 = arith.constant 0 : i32
      %dma_wait3A_105 = arith.constant 1 : i32
      %dma_wait3A_106 = arith.constant 0 : i32
      %dma_wait3A_107 = tpu.memref_slice %arg10[%dma_wait3A_104, %dma_wait3A_105, %dma_wait3A_106] : memref<3x2x128xi32, #tpu.memory_space<vmem>> -> memref<1x1x128xi32, #tpu.memory_space<vmem>>
      %dma_wait3A_108 = tpu.memref_squeeze %dma_wait3A_107 : memref<1x1x128xi32, #tpu.memory_space<vmem>> -> memref<128xi32, #tpu.memory_space<vmem>>
      %dma_wait3A_109 = arith.constant 0 : i32
      %dma_wait3A_110 = arith.constant 0 : i32
      %dma_wait3A_111 = tpu.memref_slice %arg6[%dma_wait3A_109, %dma_wait3A_110] : memref<10000x128xf32, #tpu.memory_space<vmem_shared>> -> memref<10000x128xf32, #tpu.memory_space<vmem_shared>>
      tpu.wait_indirect_dma semaphore(%arg17 : memref<!tpu.dma_semaphore, #tpu.memory_space<semaphore_mem>>) src(%arg7 : memref<128x128xf32, #tpu.memory_space<vmem>>) dst(%dma_wait3A_111 : memref<10000x128xf32, #tpu.memory_space<vmem_shared>>)
    } else {
    }
    %barrier3A_94 = arith.constant 0 : index
    tpu.barrier barrier_id(%barrier3A_94)
    %eq3A = arith.constant 0 : i32
    %eq3A_95 = arith.cmpi eq, %arg0, %eq3A : i32
    %convert_element_type3A_96 = arith.extui %eq3A_95 : i1 to i32
    %cond3A_97 = arith.constant 0 : i32
    %cond3A_98 = arith.cmpi ne, %convert_element_type3A_96, %cond3A_97 : i32
    scf.if %cond3A_98 {
      "tpu.region"() ({
        %run_scoped3A = tpu.sem_alloc : memref<!tpu.dma_semaphore, #tpu.memory_space<semaphore_mem>>
        %dma_start3A_114 = arith.constant 0 : i32
        %dma_start3A_115 = tpu.memref_slice %arg4[%mul3A_6, %dma_start3A_114] : memref<10000x128xf32, #tpu.memory_space<hbm>> -> memref<512x128xf32, #tpu.memory_space<hbm>>
        %dma_start3A_116 = arith.constant 0 : i32
        %dma_start3A_117 = tpu.memref_slice %arg6[%mul3A_6, %dma_start3A_116] : memref<10000x128xf32, #tpu.memory_space<vmem_shared>> -> memref<512x128xf32, #tpu.memory_space<vmem_shared>>
        tpu.enqueue_dma source(%dma_start3A_117 : memref<512x128xf32, #tpu.memory_space<vmem_shared>>) target(%dma_start3A_115 : memref<512x128xf32, #tpu.memory_space<hbm>>) target_semaphore(%run_scoped3A : memref<!tpu.dma_semaphore, #tpu.memory_space<semaphore_mem>>)
        %dma_wait3A_118 = arith.constant 0 : i32
        %dma_wait3A_119 = tpu.memref_slice %arg4[%mul3A_6, %dma_wait3A_118] : memref<10000x128xf32, #tpu.memory_space<hbm>> -> memref<512x128xf32, #tpu.memory_space<hbm>>
        %dma_wait3A_120 = arith.constant 0 : i32
        %dma_wait3A_121 = tpu.memref_slice %arg6[%mul3A_6, %dma_wait3A_120] : memref<10000x128xf32, #tpu.memory_space<vmem_shared>> -> memref<512x128xf32, #tpu.memory_space<vmem_shared>>
        tpu.wait_dma2 semaphore(%run_scoped3A : memref<!tpu.dma_semaphore, #tpu.memory_space<semaphore_mem>>) src(%dma_wait3A_121 : memref<512x128xf32, #tpu.memory_space<vmem_shared>>) dst(%dma_wait3A_119 : memref<512x128xf32, #tpu.memory_space<hbm>>)
        tpu.yield
      }) : () -> ()
      %lt3A_104 = arith.constant 15 : i32
      %lt3A_105 = arith.cmpi slt, %arg1, %lt3A_104 : i32
      %convert_element_type3A_106 = arith.extui %lt3A_105 : i1 to i32
      %cond3A_107 = arith.constant 0 : i32
      %cond3A_108 = arith.cmpi ne, %convert_element_type3A_106, %cond3A_107 : i32
      scf.if %cond3A_108 {
        %add3A_114 = arith.constant 512 : i32
        %add3A_115 = arith.addi %mul3A_6, %add3A_114 : i32
        %add3A_116 = arith.constant 512 : i32
        %add3A_117 = arith.addi %mul3A_6, %add3A_116 : i32
        "tpu.region"() ({
          %run_scoped3A = tpu.sem_alloc : memref<!tpu.dma_semaphore, #tpu.memory_space<semaphore_mem>>
          %dma_start3A_118 = arith.constant 0 : i32
          %dma_start3A_119 = tpu.memref_slice %arg4[%add3A_117, %dma_start3A_118] : memref<10000x128xf32, #tpu.memory_space<hbm>> -> memref<112x128xf32, #tpu.memory_space<hbm>>
          %dma_start3A_120 = arith.constant 0 : i32
          %dma_start3A_121 = tpu.memref_slice %arg6[%add3A_115, %dma_start3A_120] : memref<10000x128xf32, #tpu.memory_space<vmem_shared>> -> memref<112x128xf32, #tpu.memory_space<vmem_shared>>
          tpu.enqueue_dma source(%dma_start3A_121 : memref<112x128xf32, #tpu.memory_space<vmem_shared>>) target(%dma_start3A_119 : memref<112x128xf32, #tpu.memory_space<hbm>>) target_semaphore(%run_scoped3A : memref<!tpu.dma_semaphore, #tpu.memory_space<semaphore_mem>>)
          %dma_wait3A_122 = arith.constant 0 : i32
          %dma_wait3A_123 = tpu.memref_slice %arg4[%add3A_117, %dma_wait3A_122] : memref<10000x128xf32, #tpu.memory_space<hbm>> -> memref<112x128xf32, #tpu.memory_space<hbm>>
          %dma_wait3A_124 = arith.constant 0 : i32
          %dma_wait3A_125 = tpu.memref_slice %arg6[%add3A_115, %dma_wait3A_124] : memref<10000x128xf32, #tpu.memory_space<vmem_shared>> -> memref<112x128xf32, #tpu.memory_space<vmem_shared>>
          tpu.wait_dma2 semaphore(%run_scoped3A : memref<!tpu.dma_semaphore, #tpu.memory_space<semaphore_mem>>) src(%dma_wait3A_125 : memref<112x128xf32, #tpu.memory_space<vmem_shared>>) dst(%dma_wait3A_123 : memref<112x128xf32, #tpu.memory_space<hbm>>)
          tpu.yield
        }) : () -> ()
      } else {
      }
      %eq3A_109 = arith.constant 15 : i32
      %eq3A_110 = arith.cmpi eq, %arg1, %eq3A_109 : i32
      %convert_element_type3A_111 = arith.extui %eq3A_110 : i1 to i32
      %cond3A_112 = arith.constant 0 : i32
      %cond3A_113 = arith.cmpi ne, %convert_element_type3A_111, %cond3A_112 : i32
      scf.if %cond3A_113 {
        %add3A_114 = arith.constant 512 : i32
        %add3A_115 = arith.addi %mul3A_6, %add3A_114 : i32
        %add3A_116 = arith.constant 512 : i32
        %add3A_117 = arith.addi %mul3A_6, %add3A_116 : i32
        "tpu.region"() ({
          %run_scoped3A = tpu.sem_alloc : memref<!tpu.dma_semaphore, #tpu.memory_space<semaphore_mem>>
          %dma_start3A_118 = arith.constant 0 : i32
          %dma_start3A_119 = tpu.memref_slice %arg4[%add3A_117, %dma_start3A_118] : memref<10000x128xf32, #tpu.memory_space<hbm>> -> memref<128x128xf32, #tpu.memory_space<hbm>>
          %dma_start3A_120 = arith.constant 0 : i32
          %dma_start3A_121 = tpu.memref_slice %arg6[%add3A_115, %dma_start3A_120] : memref<10000x128xf32, #tpu.memory_space<vmem_shared>> -> memref<128x128xf32, #tpu.memory_space<vmem_shared>>
          tpu.enqueue_dma source(%dma_start3A_121 : memref<128x128xf32, #tpu.memory_space<vmem_shared>>) target(%dma_start3A_119 : memref<128x128xf32, #tpu.memory_space<hbm>>) target_semaphore(%run_scoped3A : memref<!tpu.dma_semaphore, #tpu.memory_space<semaphore_mem>>)
          %dma_wait3A_122 = arith.constant 0 : i32
          %dma_wait3A_123 = tpu.memref_slice %arg4[%add3A_117, %dma_wait3A_122] : memref<10000x128xf32, #tpu.memory_space<hbm>> -> memref<128x128xf32, #tpu.memory_space<hbm>>
          %dma_wait3A_124 = arith.constant 0 : i32
          %dma_wait3A_125 = tpu.memref_slice %arg6[%add3A_115, %dma_wait3A_124] : memref<10000x128xf32, #tpu.memory_space<vmem_shared>> -> memref<128x128xf32, #tpu.memory_space<vmem_shared>>
          tpu.wait_dma2 semaphore(%run_scoped3A : memref<!tpu.dma_semaphore, #tpu.memory_space<semaphore_mem>>) src(%dma_wait3A_125 : memref<128x128xf32, #tpu.memory_space<vmem_shared>>) dst(%dma_wait3A_123 : memref<128x128xf32, #tpu.memory_space<hbm>>)
          tpu.yield
        }) : () -> ()
      } else {
      }
    } else {
    }
    %eq3A_99 = arith.constant 1 : i32
    %eq3A_100 = arith.cmpi eq, %arg0, %eq3A_99 : i32
    %convert_element_type3A_101 = arith.extui %eq3A_100 : i1 to i32
    %cond3A_102 = arith.constant 0 : i32
    %cond3A_103 = arith.cmpi ne, %convert_element_type3A_101, %cond3A_102 : i32
    scf.if %cond3A_103 {
      "tpu.region"() ({
        %run_scoped3A = tpu.sem_alloc : memref<!tpu.dma_semaphore, #tpu.memory_space<semaphore_mem>>
        %dma_start3A_114 = arith.constant 0 : i32
        %dma_start3A_115 = tpu.memref_slice %arg5[%mul3A_6, %dma_start3A_114] : memref<10000x128xf32, #tpu.memory_space<hbm>> -> memref<512x128xf32, #tpu.memory_space<hbm>>
        %dma_start3A_116 = arith.constant 0 : i32
        %dma_start3A_117 = tpu.memref_slice %arg6[%mul3A_6, %dma_start3A_116] : memref<10000x128xf32, #tpu.memory_space<vmem_shared>> -> memref<512x128xf32, #tpu.memory_space<vmem_shared>>
        tpu.enqueue_dma source(%dma_start3A_117 : memref<512x128xf32, #tpu.memory_space<vmem_shared>>) target(%dma_start3A_115 : memref<512x128xf32, #tpu.memory_space<hbm>>) target_semaphore(%run_scoped3A : memref<!tpu.dma_semaphore, #tpu.memory_space<semaphore_mem>>)
        %dma_wait3A_118 = arith.constant 0 : i32
        %dma_wait3A_119 = tpu.memref_slice %arg5[%mul3A_6, %dma_wait3A_118] : memref<10000x128xf32, #tpu.memory_space<hbm>> -> memref<512x128xf32, #tpu.memory_space<hbm>>
        %dma_wait3A_120 = arith.constant 0 : i32
        %dma_wait3A_121 = tpu.memref_slice %arg6[%mul3A_6, %dma_wait3A_120] : memref<10000x128xf32, #tpu.memory_space<vmem_shared>> -> memref<512x128xf32, #tpu.memory_space<vmem_shared>>
        tpu.wait_dma2 semaphore(%run_scoped3A : memref<!tpu.dma_semaphore, #tpu.memory_space<semaphore_mem>>) src(%dma_wait3A_121 : memref<512x128xf32, #tpu.memory_space<vmem_shared>>) dst(%dma_wait3A_119 : memref<512x128xf32, #tpu.memory_space<hbm>>)
        tpu.yield
      }) : () -> ()
      %lt3A_104 = arith.constant 15 : i32
      %lt3A_105 = arith.cmpi slt, %arg1, %lt3A_104 : i32
      %convert_element_type3A_106 = arith.extui %lt3A_105 : i1 to i32
      %cond3A_107 = arith.constant 0 : i32
      %cond3A_108 = arith.cmpi ne, %convert_element_type3A_106, %cond3A_107 : i32
      scf.if %cond3A_108 {
        %add3A_114 = arith.constant 512 : i32
        %add3A_115 = arith.addi %mul3A_6, %add3A_114 : i32
        %add3A_116 = arith.constant 512 : i32
        %add3A_117 = arith.addi %mul3A_6, %add3A_116 : i32
        "tpu.region"() ({
          %run_scoped3A = tpu.sem_alloc : memref<!tpu.dma_semaphore, #tpu.memory_space<semaphore_mem>>
          %dma_start3A_118 = arith.constant 0 : i32
          %dma_start3A_119 = tpu.memref_slice %arg5[%add3A_117, %dma_start3A_118] : memref<10000x128xf32, #tpu.memory_space<hbm>> -> memref<112x128xf32, #tpu.memory_space<hbm>>
          %dma_start3A_120 = arith.constant 0 : i32
          %dma_start3A_121 = tpu.memref_slice %arg6[%add3A_115, %dma_start3A_120] : memref<10000x128xf32, #tpu.memory_space<vmem_shared>> -> memref<112x128xf32, #tpu.memory_space<vmem_shared>>
          tpu.enqueue_dma source(%dma_start3A_121 : memref<112x128xf32, #tpu.memory_space<vmem_shared>>) target(%dma_start3A_119 : memref<112x128xf32, #tpu.memory_space<hbm>>) target_semaphore(%run_scoped3A : memref<!tpu.dma_semaphore, #tpu.memory_space<semaphore_mem>>)
          %dma_wait3A_122 = arith.constant 0 : i32
          %dma_wait3A_123 = tpu.memref_slice %arg5[%add3A_117, %dma_wait3A_122] : memref<10000x128xf32, #tpu.memory_space<hbm>> -> memref<112x128xf32, #tpu.memory_space<hbm>>
          %dma_wait3A_124 = arith.constant 0 : i32
          %dma_wait3A_125 = tpu.memref_slice %arg6[%add3A_115, %dma_wait3A_124] : memref<10000x128xf32, #tpu.memory_space<vmem_shared>> -> memref<112x128xf32, #tpu.memory_space<vmem_shared>>
          tpu.wait_dma2 semaphore(%run_scoped3A : memref<!tpu.dma_semaphore, #tpu.memory_space<semaphore_mem>>) src(%dma_wait3A_125 : memref<112x128xf32, #tpu.memory_space<vmem_shared>>) dst(%dma_wait3A_123 : memref<112x128xf32, #tpu.memory_space<hbm>>)
          tpu.yield
        }) : () -> ()
      } else {
      }
      %eq3A_109 = arith.constant 15 : i32
      %eq3A_110 = arith.cmpi eq, %arg1, %eq3A_109 : i32
      %convert_element_type3A_111 = arith.extui %eq3A_110 : i1 to i32
      %cond3A_112 = arith.constant 0 : i32
      %cond3A_113 = arith.cmpi ne, %convert_element_type3A_111, %cond3A_112 : i32
      scf.if %cond3A_113 {
        %add3A_114 = arith.constant 512 : i32
        %add3A_115 = arith.addi %mul3A_6, %add3A_114 : i32
        %add3A_116 = arith.constant 512 : i32
        %add3A_117 = arith.addi %mul3A_6, %add3A_116 : i32
        "tpu.region"() ({
          %run_scoped3A = tpu.sem_alloc : memref<!tpu.dma_semaphore, #tpu.memory_space<semaphore_mem>>
          %dma_start3A_118 = arith.constant 0 : i32
          %dma_start3A_119 = tpu.memref_slice %arg5[%add3A_117, %dma_start3A_118] : memref<10000x128xf32, #tpu.memory_space<hbm>> -> memref<128x128xf32, #tpu.memory_space<hbm>>
          %dma_start3A_120 = arith.constant 0 : i32
          %dma_start3A_121 = tpu.memref_slice %arg6[%add3A_115, %dma_start3A_120] : memref<10000x128xf32, #tpu.memory_space<vmem_shared>> -> memref<128x128xf32, #tpu.memory_space<vmem_shared>>
          tpu.enqueue_dma source(%dma_start3A_121 : memref<128x128xf32, #tpu.memory_space<vmem_shared>>) target(%dma_start3A_119 : memref<128x128xf32, #tpu.memory_space<hbm>>) target_semaphore(%run_scoped3A : memref<!tpu.dma_semaphore, #tpu.memory_space<semaphore_mem>>)
          %dma_wait3A_122 = arith.constant 0 : i32
          %dma_wait3A_123 = tpu.memref_slice %arg5[%add3A_117, %dma_wait3A_122] : memref<10000x128xf32, #tpu.memory_space<hbm>> -> memref<128x128xf32, #tpu.memory_space<hbm>>
          %dma_wait3A_124 = arith.constant 0 : i32
          %dma_wait3A_125 = tpu.memref_slice %arg6[%add3A_115, %dma_wait3A_124] : memref<10000x128xf32, #tpu.memory_space<vmem_shared>> -> memref<128x128xf32, #tpu.memory_space<vmem_shared>>
          tpu.wait_dma2 semaphore(%run_scoped3A : memref<!tpu.dma_semaphore, #tpu.memory_space<semaphore_mem>>) src(%dma_wait3A_125 : memref<128x128xf32, #tpu.memory_space<vmem_shared>>) dst(%dma_wait3A_123 : memref<128x128xf32, #tpu.memory_space<hbm>>)
          tpu.yield
        }) : () -> ()
      } else {
      }
    } else {
    }
    return
  }
}

module attributes {stable_mosaic.version = 14 : i64} {
  func.func @_dense_r_body(%arg0: i32, %arg1: memref<400x128xf32, #tpu.memory_space<vmem>>, %arg2: memref<128x128xf32, #tpu.memory_space<vmem>>, %arg3: memref<1x128xf32, #tpu.memory_space<vmem>>, %arg4: memref<400x128xf32, #tpu.memory_space<vmem>>) attributes {dimension_semantics = [#tpu.dimension_semantics<arbitrary>], iteration_bounds = array<i64: 25>, scalar_prefetch = 0 : i64, scratch_operands = 0 : i64, tpu.core_type = #tpu.core_type<tc>, window_params = [{transform_indices = @transform_0, window_bounds = array<i64: 400, 128>}, {pipeline_mode = #tpu.pipeline_mode<synchronous>, transform_indices = @transform_1, window_bounds = array<i64: 128, 128>}, {pipeline_mode = #tpu.pipeline_mode<synchronous>, transform_indices = @transform_2, window_bounds = array<i64: 1, 128>}, {transform_indices = @transform_3, window_bounds = array<i64: 400, 128>}]} {
    %get3A = arith.constant 0 : index
    %get3A_0 = arith.constant 0 : index
    %get3A_1 = vector.load %arg1[%get3A, %get3A_0] : memref<400x128xf32, #tpu.memory_space<vmem>>, vector<400x128xf32>
    %get3A_2 = arith.constant 0 : index
    %get3A_3 = arith.constant 0 : index
    %get3A_4 = vector.load %arg2[%get3A_2, %get3A_3] : memref<128x128xf32, #tpu.memory_space<vmem>>, vector<128x128xf32>
    %dot_general3A = arith.constant dense<0.000000e+00> : vector<400x128xf32>
    %dot_general3A_5 = tpu.matmul %get3A_1, %get3A_4, %dot_general3A {dimension_numbers = #tpu.dot_dimension_numbers<[1], [1], [0], [0], [0, 0, 1, 0], [], []>, precision = #tpu.contract_precision<fp32>, transpose_lhs_hint = false} : vector<400x128xf32>, vector<128x128xf32>, vector<400x128xf32> -> vector<400x128xf32>
    %get3A_6 = arith.constant 0 : index
    %get3A_7 = arith.constant 0 : index
    %get3A_8 = vector.load %arg3[%get3A_6, %get3A_7] : memref<1x128xf32, #tpu.memory_space<vmem>>, vector<1x128xf32>
    %add3A = vector.broadcast %get3A_8 : vector<1x128xf32> to vector<400x128xf32>
    %add3A_9 = arith.addf %dot_general3A_5, %add3A : vector<400x128xf32>
    %swap3A = arith.constant 0 : index
    %swap3A_10 = arith.constant 0 : index
    %swap3A_11 = vector.load %arg4[%swap3A, %swap3A_10] : memref<400x128xf32, #tpu.memory_space<vmem>>, vector<400x128xf32>
    tpu.vector_store %arg4[%swap3A, %swap3A_10], %add3A_9 {strides = array<i32>} : memref<400x128xf32, #tpu.memory_space<vmem>>, vector<400x128xf32>,
    return
  }
  func.func @transform_0(%arg0: i32) -> (i32, i32) {
    %c0_i32 = arith.constant 0 : i32
    %c0_i32_0 = arith.constant 0 : i32
    return %arg0, %c0_i32 : i32, i32
  }
  func.func @transform_1(%arg0: i32) -> (i32, i32) {
    %c0_i32 = arith.constant 0 : i32
    %c0_i32_0 = arith.constant 0 : i32
    %c0_i32_1 = arith.constant 0 : i32
    return %c0_i32, %c0_i32_0 : i32, i32
  }
  func.func @transform_2(%arg0: i32) -> (i32, i32) {
    %c0_i32 = arith.constant 0 : i32
    %c0_i32_0 = arith.constant 0 : i32
    %c0_i32_1 = arith.constant 0 : i32
    return %c0_i32, %c0_i32_0 : i32, i32
  }
  func.func @transform_3(%arg0: i32) -> (i32, i32) {
    %c0_i32 = arith.constant 0 : i32
    %c0_i32_0 = arith.constant 0 : i32
    return %arg0, %c0_i32 : i32, i32
  }
}

module attributes {stable_mosaic.version = 14 : i64} {
  func.func @_dense_l_body(%arg0: i32, %arg1: memref<400x128xf32, #tpu.memory_space<vmem>>, %arg2: memref<400x128xf32, #tpu.memory_space<vmem>>, %arg3: memref<400x1xf32, #tpu.memory_space<vmem>>, %arg4: memref<400x1xf32, #tpu.memory_space<vmem>>, %arg5: memref<400x128xf32, #tpu.memory_space<vmem>>, %arg6: memref<128x128xf32, #tpu.memory_space<vmem>>, %arg7: memref<400x128xf32, #tpu.memory_space<vmem>>) attributes {dimension_semantics = [#tpu.dimension_semantics<arbitrary>], iteration_bounds = array<i64: 25>, scalar_prefetch = 0 : i64, scratch_operands = 0 : i64, tpu.core_type = #tpu.core_type<tc>, window_params = [{transform_indices = @transform_0, window_bounds = array<i64: 400, 128>}, {transform_indices = @transform_1, window_bounds = array<i64: 400, 128>}, {transform_indices = @transform_2, window_bounds = array<i64: 400, 1>}, {transform_indices = @transform_3, window_bounds = array<i64: 400, 1>}, {transform_indices = @transform_4, window_bounds = array<i64: 400, 128>}, {pipeline_mode = #tpu.pipeline_mode<synchronous>, transform_indices = @transform_5, window_bounds = array<i64: 128, 128>}, {transform_indices = @transform_6, window_bounds = array<i64: 400, 128>}]} {
    %get3A = arith.constant 0 : index
    %get3A_0 = arith.constant 0 : index
    %get3A_1 = vector.load %arg3[%get3A, %get3A_0] : memref<400x1xf32, #tpu.memory_space<vmem>>, vector<400x1xf32>
    %get3A_2 = arith.constant 0 : index
    %get3A_3 = arith.constant 0 : index
    %get3A_4 = vector.load %arg4[%get3A_2, %get3A_3] : memref<400x1xf32, #tpu.memory_space<vmem>>, vector<400x1xf32>
    %add3A = arith.addf %get3A_1, %get3A_4 : vector<400x1xf32>
    %max3A = arith.constant 1.000000e+00 : f32
    %max3A_5 = vector.broadcast %max3A : f32 to vector<400x1xf32>
    %max3A_6 = arith.maximumf %add3A, %max3A_5 : vector<400x1xf32>
    %div3A = arith.constant 1.000000e+00 : f32
    %div3A_7 = vector.broadcast %div3A : f32 to vector<400x1xf32>
    %div3A_8 = arith.divf %div3A_7, %max3A_6 : vector<400x1xf32>
    %get3A_9 = arith.constant 0 : index
    %get3A_10 = arith.constant 0 : index
    %get3A_11 = vector.load %arg1[%get3A_9, %get3A_10] : memref<400x128xf32, #tpu.memory_space<vmem>>, vector<400x128xf32>
    %get3A_12 = arith.constant 0 : index
    %get3A_13 = arith.constant 0 : index
    %get3A_14 = vector.load %arg2[%get3A_12, %get3A_13] : memref<400x128xf32, #tpu.memory_space<vmem>>, vector<400x128xf32>
    %add3A_15 = arith.addf %get3A_11, %get3A_14 : vector<400x128xf32>
    %mul3A = vector.broadcast %div3A_8 : vector<400x1xf32> to vector<400x128xf32>
    %mul3A_16 = arith.mulf %add3A_15, %mul3A : vector<400x128xf32>
    %get3A_17 = arith.constant 0 : index
    %get3A_18 = arith.constant 0 : index
    %get3A_19 = vector.load %arg6[%get3A_17, %get3A_18] : memref<128x128xf32, #tpu.memory_space<vmem>>, vector<128x128xf32>
    %dot_general3A = arith.constant dense<0.000000e+00> : vector<400x128xf32>
    %dot_general3A_20 = tpu.matmul %mul3A_16, %get3A_19, %dot_general3A {dimension_numbers = #tpu.dot_dimension_numbers<[1], [1], [0], [0], [0, 0, 1, 0], [], []>, precision = #tpu.contract_precision<fp32>, transpose_lhs_hint = false} : vector<400x128xf32>, vector<128x128xf32>, vector<400x128xf32> -> vector<400x128xf32>
    %get3A_21 = arith.constant 0 : index
    %get3A_22 = arith.constant 0 : index
    %get3A_23 = vector.load %arg5[%get3A_21, %get3A_22] : memref<400x128xf32, #tpu.memory_space<vmem>>, vector<400x128xf32>
    %add3A_24 = arith.addf %dot_general3A_20, %get3A_23 : vector<400x128xf32>
    %max3A_25 = arith.constant 0.000000e+00 : f32
    %max3A_26 = vector.broadcast %max3A_25 : f32 to vector<400x128xf32>
    %max3A_27 = arith.maximumf %add3A_24, %max3A_26 : vector<400x128xf32>
    %swap3A = arith.constant 0 : index
    %swap3A_28 = arith.constant 0 : index
    %swap3A_29 = vector.load %arg7[%swap3A, %swap3A_28] : memref<400x128xf32, #tpu.memory_space<vmem>>, vector<400x128xf32>
    tpu.vector_store %arg7[%swap3A, %swap3A_28], %max3A_27 {strides = array<i32>} : memref<400x128xf32, #tpu.memory_space<vmem>>, vector<400x128xf32>,
    return
  }
  func.func @transform_0(%arg0: i32) -> (i32, i32) {
    %c0_i32 = arith.constant 0 : i32
    %c0_i32_0 = arith.constant 0 : i32
    return %arg0, %c0_i32 : i32, i32
  }
  func.func @transform_1(%arg0: i32) -> (i32, i32) {
    %c0_i32 = arith.constant 0 : i32
    %c0_i32_0 = arith.constant 0 : i32
    return %arg0, %c0_i32 : i32, i32
  }
  func.func @transform_2(%arg0: i32) -> (i32, i32) {
    %c0_i32 = arith.constant 0 : i32
    %c0_i32_0 = arith.constant 0 : i32
    return %arg0, %c0_i32 : i32, i32
  }
  func.func @transform_3(%arg0: i32) -> (i32, i32) {
    %c0_i32 = arith.constant 0 : i32
    %c0_i32_0 = arith.constant 0 : i32
    return %arg0, %c0_i32 : i32, i32
  }
  func.func @transform_4(%arg0: i32) -> (i32, i32) {
    %c0_i32 = arith.constant 0 : i32
    %c0_i32_0 = arith.constant 0 : i32
    return %arg0, %c0_i32 : i32, i32
  }
  func.func @transform_5(%arg0: i32) -> (i32, i32) {
    %c0_i32 = arith.constant 0 : i32
    %c0_i32_0 = arith.constant 0 : i32
    %c0_i32_1 = arith.constant 0 : i32
    return %c0_i32, %c0_i32_0 : i32, i32
  }
  func.func @transform_6(%arg0: i32) -> (i32, i32) {
    %c0_i32 = arith.constant 0 : i32
    %c0_i32_0 = arith.constant 0 : i32
    return %arg0, %c0_i32 : i32, i32
  }
}

module attributes {stable_mosaic.version = 14 : i64} {
  func.func @_dense_l_body(%arg0: i32, %arg1: memref<400x128xf32, #tpu.memory_space<vmem>>, %arg2: memref<400x128xf32, #tpu.memory_space<vmem>>, %arg3: memref<400x1xf32, #tpu.memory_space<vmem>>, %arg4: memref<400x1xf32, #tpu.memory_space<vmem>>, %arg5: memref<400x128xf32, #tpu.memory_space<vmem>>, %arg6: memref<128x128xf32, #tpu.memory_space<vmem>>, %arg7: memref<400x128xf32, #tpu.memory_space<vmem>>) attributes {dimension_semantics = [#tpu.dimension_semantics<arbitrary>], iteration_bounds = array<i64: 25>, scalar_prefetch = 0 : i64, scratch_operands = 0 : i64, tpu.core_type = #tpu.core_type<tc>, window_params = [{transform_indices = @transform_0, window_bounds = array<i64: 400, 128>}, {transform_indices = @transform_1, window_bounds = array<i64: 400, 128>}, {transform_indices = @transform_2, window_bounds = array<i64: 400, 1>}, {transform_indices = @transform_3, window_bounds = array<i64: 400, 1>}, {transform_indices = @transform_4, window_bounds = array<i64: 400, 128>}, {pipeline_mode = #tpu.pipeline_mode<synchronous>, transform_indices = @transform_5, window_bounds = array<i64: 128, 128>}, {transform_indices = @transform_6, window_bounds = array<i64: 400, 128>}]} {
    %get3A = arith.constant 0 : index
    %get3A_0 = arith.constant 0 : index
    %get3A_1 = vector.load %arg3[%get3A, %get3A_0] : memref<400x1xf32, #tpu.memory_space<vmem>>, vector<400x1xf32>
    %get3A_2 = arith.constant 0 : index
    %get3A_3 = arith.constant 0 : index
    %get3A_4 = vector.load %arg4[%get3A_2, %get3A_3] : memref<400x1xf32, #tpu.memory_space<vmem>>, vector<400x1xf32>
    %add3A = arith.addf %get3A_1, %get3A_4 : vector<400x1xf32>
    %max3A = arith.constant 1.000000e+00 : f32
    %max3A_5 = vector.broadcast %max3A : f32 to vector<400x1xf32>
    %max3A_6 = arith.maximumf %add3A, %max3A_5 : vector<400x1xf32>
    %div3A = arith.constant 1.000000e+00 : f32
    %div3A_7 = vector.broadcast %div3A : f32 to vector<400x1xf32>
    %div3A_8 = arith.divf %div3A_7, %max3A_6 : vector<400x1xf32>
    %get3A_9 = arith.constant 0 : index
    %get3A_10 = arith.constant 0 : index
    %get3A_11 = vector.load %arg1[%get3A_9, %get3A_10] : memref<400x128xf32, #tpu.memory_space<vmem>>, vector<400x128xf32>
    %get3A_12 = arith.constant 0 : index
    %get3A_13 = arith.constant 0 : index
    %get3A_14 = vector.load %arg2[%get3A_12, %get3A_13] : memref<400x128xf32, #tpu.memory_space<vmem>>, vector<400x128xf32>
    %add3A_15 = arith.addf %get3A_11, %get3A_14 : vector<400x128xf32>
    %mul3A = vector.broadcast %div3A_8 : vector<400x1xf32> to vector<400x128xf32>
    %mul3A_16 = arith.mulf %add3A_15, %mul3A : vector<400x128xf32>
    %get3A_17 = arith.constant 0 : index
    %get3A_18 = arith.constant 0 : index
    %get3A_19 = vector.load %arg6[%get3A_17, %get3A_18] : memref<128x128xf32, #tpu.memory_space<vmem>>, vector<128x128xf32>
    %dot_general3A = arith.constant dense<0.000000e+00> : vector<400x128xf32>
    %dot_general3A_20 = tpu.matmul %mul3A_16, %get3A_19, %dot_general3A {dimension_numbers = #tpu.dot_dimension_numbers<[1], [1], [0], [0], [0, 0, 1, 0], [], []>, precision = #tpu.contract_precision<fp32>, transpose_lhs_hint = false} : vector<400x128xf32>, vector<128x128xf32>, vector<400x128xf32> -> vector<400x128xf32>
    %get3A_21 = arith.constant 0 : index
    %get3A_22 = arith.constant 0 : index
    %get3A_23 = vector.load %arg5[%get3A_21, %get3A_22] : memref<400x128xf32, #tpu.memory_space<vmem>>, vector<400x128xf32>
    %add3A_24 = arith.addf %dot_general3A_20, %get3A_23 : vector<400x128xf32>
    %swap3A = arith.constant 0 : index
    %swap3A_25 = arith.constant 0 : index
    %swap3A_26 = vector.load %arg7[%swap3A, %swap3A_25] : memref<400x128xf32, #tpu.memory_space<vmem>>, vector<400x128xf32>
    tpu.vector_store %arg7[%swap3A, %swap3A_25], %add3A_24 {strides = array<i32>} : memref<400x128xf32, #tpu.memory_space<vmem>>, vector<400x128xf32>,
    return
  }
  func.func @transform_0(%arg0: i32) -> (i32, i32) {
    %c0_i32 = arith.constant 0 : i32
    %c0_i32_0 = arith.constant 0 : i32
    return %arg0, %c0_i32 : i32, i32
  }
  func.func @transform_1(%arg0: i32) -> (i32, i32) {
    %c0_i32 = arith.constant 0 : i32
    %c0_i32_0 = arith.constant 0 : i32
    return %arg0, %c0_i32 : i32, i32
  }
  func.func @transform_2(%arg0: i32) -> (i32, i32) {
    %c0_i32 = arith.constant 0 : i32
    %c0_i32_0 = arith.constant 0 : i32
    return %arg0, %c0_i32 : i32, i32
  }
  func.func @transform_3(%arg0: i32) -> (i32, i32) {
    %c0_i32 = arith.constant 0 : i32
    %c0_i32_0 = arith.constant 0 : i32
    return %arg0, %c0_i32 : i32, i32
  }
  func.func @transform_4(%arg0: i32) -> (i32, i32) {
    %c0_i32 = arith.constant 0 : i32
    %c0_i32_0 = arith.constant 0 : i32
    return %arg0, %c0_i32 : i32, i32
  }
  func.func @transform_5(%arg0: i32) -> (i32, i32) {
    %c0_i32 = arith.constant 0 : i32
    %c0_i32_0 = arith.constant 0 : i32
    %c0_i32_1 = arith.constant 0 : i32
    return %c0_i32, %c0_i32_0 : i32, i32
  }
  func.func @transform_6(%arg0: i32) -> (i32, i32) {
    %c0_i32 = arith.constant 0 : i32
    %c0_i32_0 = arith.constant 0 : i32
    return %arg0, %c0_i32 : i32, i32
  }
}

</mosaic_0001>

<sc_bundles>
// kernel: kernel.11.cloned.1.call-start
scs
__scs_entry_jumppad:
0x0: {  	(pc) =	sbr.rel $0x88, $3  }
0x1: {  	(tag) =	ssettag $0x0;
	lr =	simm.s32 $0x1  }
0x2: {  	[smem:$0x3F99] =	sst lr;
	_ =	strace $0xD0000000  }
0x3: {  	_ = 	snop  }
0x4: {  	_ = 	snop  }
0x5: {  	_ = 	snop  }
0x6: {  	_ = 	snop  }
0x7: {  	_ = 	snop  }
__scs_overlays_trampoline_lowered:
0x8: {  	[smem:$0x3FA8] =	sst s0  }
0x9: {  	[smem:$0x3FA9] =	sst s1  }
0xa: {  	[smem:$0x3FAA] =	sst s2  }
0xb: {  	[smem:$0x3FAB] =	sst s3  }
0xc: {  	[smem:$0x3FAC] =	sst s4  }
0xd: {  	[smem:$0x3FAD] =	sst s5  }
0xe: {  	[smem:$0x3FAE] =	sst s6  }
0xf: {  	[smem:$0x3FAF] =	sst s7  }
0x10: {  	[smem:$0x3FB0] =	sst s8  }
0x11: {  	[smem:$0x3FB1] =	sst s9;
	s0 =	simm.s32 @!p0 $0x0  }
0x12: {  	s1 =	sld [smem:$0x3F97];
	s0 =	simm.s32 @p0 $0x1  }
0x13: {  	[smem:$0x3FB2] =	sst s0;
	s0 =	simm.s32 @!p1 $0x0  }
0x14: {  	s2 =	sld [smem:$0x3F96];
	s0 =	simm.s32 @p1 $0x1  }
0x15: {  	[smem:$0x3FB3] =	sst s0;
	s0 =	simm.s32 @!p2 $0x0  }
0x16: {  	s3 =	sld [smem:$0x3FDB];
	s0 =	simm.s32 @p2 $0x1  }
0x17: {  	s4 =	simm.s32 $0x1BF5;
	[smem:$0x3FB5] =	sst s0  }
0x18: {  	s0 =	sld [smem:$0x3F98];
	_ =	swait.ge [sflag:s4], $0x0  }
0x19: {  	s7 =	sld [smem:$0x3F99]  }
0x1a: {  	s8 =	sadd.s32 $0xFFFFE003, lr  }
0x1b: {  	s9 =	sadd.s32 $0xFFFFFEF7, lr;
	s5 =	simm.s32 $0xFFFFFFFF;
	p2 =	slt.u32 s8, $0xFFFFF086  }
0x1c: {  	p1 =	slt.u32 s9, $0xF7A;
	s5 =	simm.s32 @!p2 $0x0  }
0x1d: {  	s5 =	simm.s32 @p1 $0x1;
	p0 =	seq.s32 s7, s2  }
0x1e: {  	s7 =	smul.u32 @!p0 $0xF7A, s2;
	p2 =	seq.s32 @!p0 s5, $0x0  }
0x1f: {  	s9 =	smul.u32 $0xF7A, s1;
	s8 =	simm.s32 @!p0 $0x1BF5;
	p2 =	por !p2, p0  }
0x20: {  	[sflag:s8] =	ssyncset.s32 @!p0 $0xFFFFF086;
	s6 =	sadd.s32 @!p0 s3, s7;
	s7 =	simm.s32 @!p0 $0x108  }
0x21: {  	s3 =	sadd.s32 s3, s9;
	s6 =	sadd.s32 @!p0 $0x88, s6;
	s7 =	simm.s32 @p2 $0x1082  }
0x22: {  	[simem:s7], [sflag:s8] =	dma.local @!p0 [hbm:s6], $0xF7A  }
0x23: {  	s9 =	sor.u32 $0xD0000000, s2;
	s6 =	simm.s32 $0x108;
	_ =	swait.ge @!p0 [sflag:s8], $0x0  }
0x24: {  	s3 =	sadd.s32 $0x88, s3;
	s6 =	simm.s32 @!p1 $0x1082;
	[sflag:s4] =	ssyncset.s32 $0xFFFFF086  }
0x25: {  	[simem:s6], [sflag:s4] =	dma.local [hbm:s3], $0xF7A  }
0x26: {  	[smem:$0x3F99] =	sst s1;
	(tag) =	ssettag s2;
	_ =	strace s9  }
0x27: {  	s1 =	sld [smem:$0x3FA9]  }
0x28: {  	s2 =	sld [smem:$0x3FAA]  }
0x29: {  	s4 =	sld [smem:$0x3FAC]  }
0x2a: {  	p0 =	seq.s32 s5, $0x0;
	s5 =	sld [smem:$0x3FAD]  }
0x2b: {  	s6 =	sld [smem:$0x3FAE]  }
0x2c: {  	s7 =	sld [smem:$0x3FAF]  }
0x2d: {  	s3 =	simm.s32 $0x108;
	s8 =	sld [smem:$0x3FB0]  }
0x2e: {  	s3 =	simm.s32 @!p0 $0x1082;
	s9 =	sld [smem:$0x3FB1]  }
0x2f: {  	lr =	sadd.s32 s0, s3;
	s0 =	sld [smem:$0x3FA8]  }
0x30: {  	s3 =	sld [smem:$0x3FAB]  }
0x31: {  	[smem:$0x3FB4] =	sst s10  }
0x32: {  	s10 =	sld [smem:$0x3FB2];
	_ =	sdelay $0x3  }
0x33: {  	p0 =	seq.s32 s10, $0x1;
	s10 =	sld [smem:$0x3FB4];
	_ =	sdelay $0x3  }
0x34: {  	[smem:$0x3FB4] =	sst s10  }
0x35: {  	s10 =	sld [smem:$0x3FB3];
	_ =	sdelay $0x3  }
0x36: {  	p1 =	seq.s32 s10, $0x1;
	s10 =	sld [smem:$0x3FB4];
	_ =	sdelay $0x3  }
0x37: {  	[smem:$0x3FB4] =	sst s10  }
0x38: {  	s10 =	sld [smem:$0x3FB5]  }
0x39: {  	_ = 	snop;
	(pc) =	sbr.ind lr, $3  }
0x3a: {  	_ = 	snop  }
0x3b: {  	_ = 	snop  }
0x3c: {  	p2 =	seq.s32 s10, $0x1;
	s10 =	sld [smem:$0x3FB4]  }
0x3d: {  	_ =	shalt  }
0x3e: {  	_ =	shalt  }
0x3f: {  	_ =	shalt  }
0x40: {  	_ =	shalt  }
0x41: {  	_ =	shalt  }
0x42: {  	_ =	shalt  }
0x43: {  	_ =	shalt  }
0x44: {  	_ =	shalt  }
0x45: {  	_ =	shalt  }
0x46: {  	_ =	shalt  }
0x47: {  	_ =	shalt  }
0x48: {  	_ =	shalt  }
0x49: {  	_ =	shalt  }
0x4a: {  	_ =	shalt  }
0x4b: {  	_ =	shalt  }
0x4c: {  	_ =	shalt  }
0x4d: {  	_ =	shalt  }
0x4e: {  	_ =	shalt  }
0x4f: {  	_ =	shalt  }
0x50: {  	_ =	shalt  }
0x51: {  	_ =	shalt  }
0x52: {  	_ =	shalt  }
0x53: {  	_ =	shalt  }
0x54: {  	_ =	shalt  }
0x55: {  	_ =	shalt  }
0x56: {  	_ =	shalt  }
0x57: {  	_ =	shalt  }
0x58: {  	_ =	shalt  }
0x59: {  	_ =	shalt  }
0x5a: {  	_ =	shalt  }
0x5b: {  	_ =	shalt  }
0x5c: {  	_ =	shalt  }
0x5d: {  	_ =	shalt  }
0x5e: {  	_ =	shalt  }
0x5f: {  	_ =	shalt  }
0x60: {  	_ =	shalt  }
0x61: {  	_ =	shalt  }
0x62: {  	_ =	shalt  }
0x63: {  	_ =	shalt  }
0x64: {  	_ =	shalt  }
0x65: {  	_ =	shalt  }
0x66: {  	_ =	shalt  }
0x67: {  	_ =	shalt  }
0x68: {  	_ =	shalt  }
0x69: {  	_ =	shalt  }
0x6a: {  	_ =	shalt  }
0x6b: {  	_ =	shalt  }
0x6c: {  	_ =	shalt  }
0x6d: {  	_ =	shalt  }
0x6e: {  	_ =	shalt  }
0x6f: {  	_ =	shalt  }
0x70: {  	_ =	shalt  }
0x71: {  	_ =	shalt  }
0x72: {  	_ =	shalt  }
0x73: {  	_ =	shalt  }
0x74: {  	_ =	shalt  }
0x75: {  	_ =	shalt  }
0x76: {  	_ =	shalt  }
0x77: {  	_ =	shalt  }
0x78: {  	_ =	shalt  }
0x79: {  	_ =	shalt  }
0x7a: {  	_ =	shalt  }
0x7b: {  	_ =	shalt  }
0x7c: {  	_ =	shalt  }
0x7d: {  	_ =	shalt  }
0x7e: {  	_ =	shalt  }
0x7f: {  	_ =	shalt  }
0x80: {  	_ =	shalt  }
0x81: {  	_ =	shalt  }
0x82: {  	_ =	shalt  }
0x83: {  	_ =	shalt  }
0x84: {  	_ =	shalt  }
0x85: {  	_ =	shalt  }
0x86: {  	_ =	shalt  }
0x87: {  	_ =	shalt  }
.Lfunc_end0:
.L_simem_size_0:
called_computation.1_lowered:
.L_overlay_start_0:
0x88: {  	s2 =	sld [smem:$0x3FD9]  }
0x89: {  	s3 =	sld [smem:$0x3FFE];
	_ =	sdelay $0x1  }
0x8a: {  	s1 =	srdreg.scid  }
0x8b: {  	s0 =	sand.u32 $0x1, s1  }
0x8c: {  	s17 =	sshll.u32 s0, $0xA;
	s2 =	sadd.s32 s3, s2  }
0x8d: {  	s2 =	sadd.s32 s2, s17  }
0x8e: {  	[smem:$0x3FC0] =	sst s2  }
0x8f: {  	_ = 	snop  }
0x90: {  	s2 =	sld [smem:$0x3FC8];
	(tm) =	ssettm $0x1  }
0x91: {  	s18 =	sld [smem:$0x3FFB];
	_ =	sdelay $0x3  }
0x92: {  	_ =	strace s18  }
0x93: {  	s3 =	sld [smem:$0x3FFC];
	_ =	sdelay $0x3  }
0x94: {  	_ =	strace s3  }
0x95: {  	s3 =	sld [smem:$0x3FFD];
	_ =	sdelay $0x3  }
0x96: {  	_ =	strace s3  }
0x97: {  	_ =	strace $0x8FFFFFFF  }
0x98: {  	s19 =	sld [smem:$0x3FDB];
	_ =	sdelay $0x1  }
0x99: {  	s4 =	simm.s32 $_scs_section_size  }
0x9a: {  	s5 =	simm.s32 $_size__tile_overlayer_lowered;
	s6 =	simm.s32 $_tile_overlayer_lowered  }
0x9b: {  	s22 =	simm.s32 $0x1BFF;
	s21 =	sshll.u32 s6, $0x1;
	s3 =	sadd.s32 s4, s19  }
0x9c: {  	s7 =	simm.s32 $0x0;
	s20 =	sshll.u32 s5, $0x1;
	s5 =	sadd.s32 s21, s3  }
0x9d: {  	[timem:s7], [sflag:s22] =	dma.local [hbm:s5], s20  }
0x9e: {  	_ =	swait.ge [sflag:s22], s20  }
0x9f: {  	s4 =	ssub.s32 $0x0, s20;
	[sflag:s22] =	ssyncset.done $0x0  }
0xa0: {  	[sflag:s22] =	ssyncadd.s32 s4;
	_ =	sdelay $0x1  }
0xa1: {  	s23 =	simm.s32 $0x1B8B  }
0xa2: {  	_ =	swait.ge [sflag:s23], $0x1  }
0xa3: {  	[sflag:s23] =	ssyncset.done $0x0  }
0xa4: {  	s25 =	simm.s32 $0x1B8E;
	s24 =	sld [smem:$0x3FFE];
	[sflag:s23] =	ssyncadd.s32 $0xFFFFFFFF  }
0xa5: {  	s26 =	simm.s32 $execute0_lowered;
	[smem:$0x3FD2] =	sst s25  }
0xa6: {  	s5 =	sshll.u32 s26, $0x1;
	_ =	strace $0x80000049;
	[dreg:$0x1] =	wrdreg $0xFFFFFFFF  }
0xa7: {  	s28 =	simm.s32 $_size_execute0_lowered;
	s3 =	sadd.s32 s3, s5;
	[dreg:$0x0] =	wrdreg $0x0  }
0xa8: {  	s5 =	sshll.u32 s28, $0x1;
	[dreg:$0x2] =	wrdreg s3  }
0xa9: {  	[dreg:$0x3] =	wrdreg s5  }
0xaa: {  	[dreg:$0x4] =	wrdreg $0xC0  }
0xab: {  	_ =	task [dreg:s7], $0x5FFFF  }
0xac: {  	[dreg:$0x1] =	wrdreg $0xFFFFFFFF  }
0xad: {  	[dreg:$0x0] =	wrdreg $0x60  }
0xae: {  	[dreg:$0x2] =	wrdreg s24  }
0xaf: {  	[dreg:$0x3] =	wrdreg s2  }
0xb0: {  	[dreg:$0x4] =	wrdreg $0x0  }
0xb1: {  	[dreg:$0x5] =	wrdreg $0x9  }
0xb2: {  	_ =	task.clear_ibuf [dreg:s7], $0x6FFFF;
	_ =	strace $0x90000049  }
0xb3: {  	s29 =	simm.s32 $0x9;
	_ =	strace $0x8000004B  }
0xb4: {  	_ =	swait.ge [sflag:s29], $0x1  }
0xb5: {  	[sflag:s29] =	ssyncadd.s32 $0xFFFFFFFF  }
0xb6: {  	_ =	strace $0x9000004B  }
0xb7: {  	_ =	sfence  }
0xb8: {  	s30 =	sld [smem:$0x0];
	_ =	sdelay $0x2  }
0xb9: {  	s31 =	sshll.u32 s1, $0xD;
	s1 =	sshrl.u32 s1, $0x2  }
0xba: {  	s3 =	sand.u32 $0x4000, s31;
	s1 =	sadd.s32 s1, s30  }
0xbb: {  	s0 =	sor.u32 s3, s0;
	s1 =	sshll.u32 s1, $0x11  }
0xbc: {  	s0 =	sor.u32 s1, s0  }
0xbd: {  	s0 =	sadd.s32 $0x8F2B, s0  }
0xbe: {  	[sflag:s0] =	ssyncadd.remote.s32 $0x1  }
0xbf: {  	_ =	sfence.sel $0xFFFF  }
0xc0: {  	[dreg:$0x0] =	wrdreg $0xFFFFFFFF;
	(pc) =	sbr.abs _section_cstart, $3  }
0xc1: {  	[dreg:$0x1] =	wrdreg $0xFFFFFFFF  }
0xc2: {  	_ =	task.clear_ibuf [dreg:s7], $0x2FFFF;
	_ =	strace $0x9FFFFFFF  }
0xc3: {  	(tm) =	ssettm $0x7FFFFFFF  }
tec
execute0_lowered:
.L_overlay_start_1:
0x0: {  	(tag) =	ssettag $0x1  }
0x1: {  	s0 =	rddreg [dreg:$0x0]  }
0x2: {  	s3 =	rddreg [dreg:$0x1]  }
0x3: {  	s1 =	rddreg [dreg:$0x2];
	s2 =	simm.s32 $0x0  }
0x4: {  	s5 =	srdreg.scid;
	s16 =	stileid.u32;
	s28 =	simm.s32 $0x1F880  }
0x5: {  	s29 =	simm.s32 $0x1F980;
	s30 =	simm.s32 $0x1;
	s31 =	simm.s32 $0x80  }
0x6: {  	[smem:$0x7FF] =	sst s2;
	s4 =	sadd.s32 $0x3600, s0;
	s10 =	smul.u32 $0x4E000, s16  }
0x7: {  	s7 =	sand.u32 $0x1, s5;
	s8 =	sadd.s32 $0x2A800, s0;
	s19 =	smul.u32 $0x270, s16  }
0x8: {  	s12 =	sadd.s32 $0x51A00, s0;
	s22 =	smul.u32 $0x2700, s16;
	s26 =	sadd.s32 $0x134800, s1  }
0x9: {  	_ =	strace $0x8000004A;
	s5 =	ssub.s32 $0x2, s7;
	s9 =	sshll.u32 s7, $0x4  }
0xa: {  	p0 =	seq.s32 s7, $0x1;
	[dreg:$0x9] =	wrdreg s26;
	s6 =	sshrl.u32 s5, $0x1  }
0xb: {  	s14 =	sor.u32 s16, s9;
	s20 =	sshrl.u32 s10, $0x2;
	s9 =	sadd.s32 $0x200, s19  }
0xc: {  	s23 =	sadd.s32 s8, s22;
	p3 =	seq.s32 @p0 s16, $0xF;
	p6 =	seq.s32 @!p0 s16, $0xF  }
0xd: {  	s10 =	simm.s32 $0x1F900;
	s13 =	ssub.s32 s5, s6;
	s21 =	sshll.u32 s14, $0x5  }
0xe: {  	s5 =	sadd.s32 s20, s1;
	[dreg:$0x6] =	wrdreg s23;
	s24 =	sshll.u32 s9, $0x7  }
0xf: {  	s15 =	sshll.u32 s9, $0x4;
	s9 =	sadd.s32 $0x51100, s0;
	s0 =	sadd.s32 $0x78300, s0  }
0x10: {  	s23 =	sshll.u32 s16, $0x5;
	p1 =	slt.u32 s14, $0x4;
	[dreg:$0xb] =	wrdreg s9  }
0x11: {  	p2 =	sgt.u32 s14, $0x3;
	p4 =	por !p3, !p0;
	[dreg:$0xe] =	wrdreg s0  }
0x12: {  	p5 =	por !p6, p0;
	s25 =	sadd.s32 s24, s1;
	[dreg:$0xa] =	wrdreg s5  }
0x13: {  	p6 =	por p6, p0;
	s8 =	sadd.s32 s8, s15;
	[dreg:$0x7] =	wrdreg s25  }
0x14: {  	s14 =	simm.s32 $0x1B880;
	s17 =	sadd.s32 s12, s15;
	[dreg:$0x8] =	wrdreg s8  }
0x15: {  	s16 =	simm.s32 $0x7;
	s18 =	smax.u32 s13, $0x1;
	[dreg:$0xd] =	wrdreg s17  }
0x16: {  	s6 =	sadd.s32 s3, s21;
	s19 =	sadd.s32 $0x4000, s5;
	[dreg:$0xf] =	wrdreg s18  }
0x17: {  	s20 =	sadd.s32 $0x8000, s5;
	s21 =	sadd.s32 $0xC000, s5;
	[dreg:$0x10] =	wrdreg s19  }
0x18: {  	s5 =	sadd.s32 $0x10000, s5;
	s13 =	simm.s32 $0x3;
	[dreg:$0x11] =	wrdreg s20  }
0x19: {  	s15 =	simm.s32 $0x1FA00;
	s11 =	sadd.s32 $0x400, s6;
	[dreg:$0x12] =	wrdreg s21  }
0x1a: {  	[dreg:$0x13] =	wrdreg s5;
	s24 =	sadd.s32 $0x800, s6;
	s25 =	sadd.s32 $0xC00, s6  }
0x1b: {  	[dreg:$0x4] =	wrdreg s6;
	s26 =	sadd.s32 $0x1000, s6;
	s8 =	simm.s32 $0x4  }
0x1c: {  	s17 =	simm.s32 $0x6;
	s18 =	simm.s32 $0x1FB00;
	[dreg:$0x5] =	wrdreg s11  }
0x1d: {  	s19 =	simm.s32 $0x8;
	s20 =	simm.s32 $0x9;
	[dreg:$0x14] =	wrdreg s24  }
0x1e: {  	s21 =	simm.s32 $0x0;
	s11 =	sadd.s32 s12, s22;
	[dreg:$0x15] =	wrdreg s25  }
.Ltmp0:
0x1f: {  	s22 =	sshll.u32 s7, $0x9;
	[dreg:$0x16] =	wrdreg s26;
	(pc) =	sbr.rel .LBB2_1-.Ltmp0, $4  }
0x20: {  	s25 =	simm.s32 $0x13880;
	s7 =	simm.s32 $0x17880;
	s0 =	sadd.s32 s22, s3  }
0x21: {  	s12 =	simm.s32 $0x1FA80;
	s23 =	sadd.s32 s23, s0;
	s0 =	simm.s32 @!p4 $0x0  }
0x22: {  	[dreg:$0xc] =	wrdreg s11;
	s3 =	simm.s32 $0x5;
	s0 =	simm.s32 @p4 $0x1  }
0x23: {  	v0 =	vimm.f32 $0.0e+00;
	p4 =	por p3, !p0;
	[smem:$0x7FD] =	sst s0;
	s0 =	simm.s32 $0x2  }
.LBB2_6:
0x24: {  	s6 =	simm.s32 @!p2 $0x4  }
0x25: {  	_ =	swait.ge @!p2 [sflag:s6], $0x4000  }
0x26: {  	s22 =	simm.s32 @!p2 $0x1F900;
	[sflag:s6] =	ssyncset.done @!p2 $0x0  }
0x27: {  	s24 =	simm.s32 @!p2 $0x13880;
	[sflag:s6] =	ssyncadd.s32 @!p2 $0xFFFFC000;
	s6 =	simm.s32 @!p2 $0x80  }
0x28: {  	[spmem:s1] =	stream.indirect.scatter.add.f32 @!p2 [tilespmem:s24], [sflag:$0x7], $0x80, s22, s6, $0xb8;
	[tilespmem:$0x1FB80] =	vst v63  }
0x29: {  	s6 =	simm.s32 @!p2 $0x9  }
0x2a: {  	_ =	swait.ge @!p2 [sflag:s6], $0x4000  }
0x2b: {  	s22 =	simm.s32 @!p2 $0x7;
	[sflag:s6] =	ssyncset.done @!p2 $0x0  }
0x2c: {  	s22 =	simm.s32 @p2 $0x9;
	[sflag:s6] =	ssyncadd.s32 @!p2 $0xFFFFC000  }
0x2d: {  	_ =	swait.ge [sflag:s22], $0x4000  }
0x2e: {  	[sflag:s22] =	ssyncset.done $0x0  }
0x2f: {  	[sflag:s22] =	ssyncadd.s32 $0xFFFFC000  }
0x30: {  	s9 =	stileid.u32;
	[bflag:$0x0] =	sbarrier.arrive $0xFFFF  }
0x31: {  	s6 =	sshll.u32 @p0 s9, $0x6;
	s24 =	rddreg [dreg:$0xa]  }
0x32: {  	s6 =	sor.u32 @p0 $0x1C0A, s6;
	s5 =	rddreg [dreg:$0xc];
	s22 =	sshrl.u32 @p0 s24, $0x3  }
0x33: {  	[hbm:s5], [sflag:s6] =	dma.local @p0 [spmem:s22], $0x2000  }
0x34: {  	s22 =	simm.s32 @p0 $0xA  }
0x35: {  	_ =	swait.ge @p0 [sflag:s22], $0x2000  }
0x36: {  	s11 =	sld [smem:$0x7FD];
	_ =	sdelay $0x2  }
0x37: {  	[sflag:s22] =	ssyncset.done @p0 $0x0;
	s5 =	rddreg [dreg:$0x9];
	p3 =	seq.s32 s11, $0x1  }
0x38: {  	[sflag:s22] =	ssyncadd.s32 @p0 $0xFFFFE000;
	s11 =	rddreg [dreg:$0xe];
	s22 =	sshrl.u32 @!p3 s5, $0x3  }
0x39: {  	[hbm:s11], [sflag:s6] =	dma.local @!p3 [spmem:s22], $0x800  }
0x3a: {  	s22 =	simm.s32 @!p3 $0xA  }
0x3b: {  	_ =	swait.ge @!p3 [sflag:s22], $0x800  }
0x3c: {  	[sflag:s22] =	ssyncset.done @!p3 $0x0;
	s11 =	rddreg [dreg:$0x7]  }
0x3d: {  	s26 =	rddreg [dreg:$0xd];
	[sflag:s22] =	ssyncadd.s32 @!p3 $0xFFFFF800;
	s22 =	sshrl.u32 @!p4 s11, $0x3  }
0x3e: {  	[hbm:s26], [sflag:s6] =	dma.local @!p4 [spmem:s22], $0x700  }
0x3f: {  	s6 =	simm.s32 @!p4 $0xA  }
0x40: {  	_ =	swait.ge @!p4 [sflag:s6], $0x700  }
0x41: {  	s22 =	sshll.u32 @!p0 s9, $0x6;
	[sflag:s6] =	ssyncset.done @!p4 $0x0;
	s9 =	rddreg [dreg:$0x6]  }
0x42: {  	[sflag:s6] =	ssyncadd.s32 @!p4 $0xFFFFF900;
	s6 =	sor.u32 @!p0 $0x1C0A, s22;
	s22 =	sshrl.u32 @!p0 s24, $0x3  }
0x43: {  	[hbm:s9], [sflag:s6] =	dma.local @!p0 [spmem:s22], $0x2000  }
0x44: {  	s22 =	simm.s32 @!p0 $0xA  }
0x45: {  	_ =	swait.ge @!p0 [sflag:s22], $0x2000  }
0x46: {  	[sflag:s22] =	ssyncset.done @!p0 $0x0  }
0x47: {  	[sflag:s22] =	ssyncadd.s32 @!p0 $0xFFFFE000;
	s22 =	sshrl.u32 @!p5 s5, $0x3;
	s5 =	rddreg [dreg:$0xb]  }
0x48: {  	[hbm:s5], [sflag:s6] =	dma.local @!p5 [spmem:s22], $0x800  }
0x49: {  	s22 =	simm.s32 @!p5 $0xA  }
0x4a: {  	_ =	swait.ge @!p5 [sflag:s22], $0x800  }
0x4b: {  	[sflag:s22] =	ssyncset.done @!p5 $0x0  }
0x4c: {  	s9 =	rddreg [dreg:$0x8];
	[sflag:s22] =	ssyncadd.s32 @!p5 $0xFFFFF800;
	s22 =	sshrl.u32 @!p6 s11, $0x3  }
0x4d: {  	[hbm:s9], [sflag:s6] =	dma.local @!p6 [spmem:s22], $0x700  }
0x4e: {  	s6 =	simm.s32 @!p6 $0xA  }
0x4f: {  	_ =	swait.ge @!p6 [sflag:s6], $0x700  }
0x50: {  	s21 =	sadd.s32 $0x1, s21;
	s26 =	rddreg [dreg:$0xf]  }
0x51: {  	p3 =	sne.s32 s21, s26  }
.Ltmp1:
0x52: {  	_ = 	snop;
	(pc) =	sbr.rel @!p3 .LBB2_7-.Ltmp1, $3  }
0x53: {  	_ =	sdelay $0x1  }
0x54: {  	[sflag:s6] =	ssyncset.done @!p6 $0x0  }
0x55: {  	[sflag:s6] =	ssyncadd.s32 @!p6 $0xFFFFF900  }
.LBB2_1:
0x56: {  	s22 =	simm.s32 $0x0;
	s24 =	simm.s32 $0x200  }
.LBB2_2:
0x57: {  	p3 =	sne.s32 s24, $0xFE00;
	[tilespmem:s22+$0x138F0] =	vst v0  }
0x58: {  	[tilespmem:s22+$0x13880] =	vst v0  }
0x59: {  	[tilespmem:s22+$0x13890] =	vst v0  }
.Ltmp2:
0x5a: {  	[tilespmem:s22+$0x138A0] =	vst v0;
	(pc) =	sbr.rel @p3 .LBB2_2-.Ltmp2, $4  }
0x5b: {  	[tilespmem:s22+$0x138B0] =	vst v0  }
0x5c: {  	[tilespmem:s22+$0x138C0] =	vst v0  }
0x5d: {  	[tilespmem:s22+$0x138D0] =	vst v0  }
0x5e: {  	[tilespmem:s22+$0x138E0] =	vst v0;
	s22 =	sshra.s32 s24, $0x2;
	s24 =	sadd.s32 $0x200, s24  }
0x5f: {  	[tilespmem:s22+$0x138F0] =	vst v0  }
0x60: {  	[tilespmem:s22+$0x13880] =	vst v0  }
0x61: {  	[tilespmem:s22+$0x13890] =	vst v0  }
0x62: {  	[tilespmem:s22+$0x138A0] =	vst v0  }
0x63: {  	[tilespmem:s22+$0x138B0] =	vst v0  }
0x64: {  	[tilespmem:s22+$0x138C0] =	vst v0  }
0x65: {  	[tilespmem:s22+$0x138D0] =	vst v0  }
0x66: {  	[tilespmem:s22+$0x138E0] =	vst v0;
	s5 =	rddreg [dreg:$0xa];
	s6 =	simm.s32 $0xA  }
0x67: {  	[spmem:s5] =	stream.linear.scatter [tilespmem:s25], [sflag:$0xA], $0x4000, $0x38;
	[tilespmem:$0x1FB80] =	vst v63  }
0x68: {  	_ =	swait.ge [sflag:s6], $0x4000  }
0x69: {  	[sflag:s6] =	ssyncset.done $0x0  }
0x6a: {  	s11 =	rddreg [dreg:$0x10];
	[sflag:s6] =	ssyncadd.s32 $0xFFFFC000  }
0x6b: {  	[spmem:s11] =	stream.linear.scatter [tilespmem:s25], [sflag:$0xA], $0x4000, $0x38;
	[tilespmem:$0x1FB80] =	vst v63  }
0x6c: {  	_ =	swait.ge [sflag:s6], $0x4000  }
0x6d: {  	[sflag:s6] =	ssyncset.done $0x0  }
0x6e: {  	s22 =	rddreg [dreg:$0x11];
	[sflag:s6] =	ssyncadd.s32 $0xFFFFC000  }
0x6f: {  	[spmem:s22] =	stream.linear.scatter [tilespmem:s25], [sflag:$0xA], $0x4000, $0x38;
	[tilespmem:$0x1FB80] =	vst v63  }
0x70: {  	_ =	swait.ge [sflag:s6], $0x4000  }
0x71: {  	[sflag:s6] =	ssyncset.done $0x0  }
0x72: {  	s24 =	rddreg [dreg:$0x12];
	[sflag:s6] =	ssyncadd.s32 $0xFFFFC000  }
0x73: {  	[spmem:s24] =	stream.linear.scatter [tilespmem:s25], [sflag:$0xA], $0x4000, $0x38;
	[tilespmem:$0x1FB80] =	vst v63  }
0x74: {  	_ =	swait.ge [sflag:s6], $0x4000  }
0x75: {  	[sflag:s6] =	ssyncset.done $0x0  }
0x76: {  	s26 =	rddreg [dreg:$0x13];
	[sflag:s6] =	ssyncadd.s32 $0xFFFFC000  }
0x77: {  	[spmem:s26] =	stream.linear.scatter [tilespmem:s25], [sflag:$0xA], $0x4000, $0x38;
	[tilespmem:$0x1FB80] =	vst v63  }
0x78: {  	_ =	swait.ge [sflag:s6], $0x4000  }
0x79: {  	[sflag:s6] =	ssyncset.done $0x0  }
0x7a: {  	[sflag:s6] =	ssyncadd.s32 $0xFFFFC000  }
0x7b: {  	[bflag:$0x0] =	sbarrier.arrive $0xFFFF  }
0x7c: {  	s9 =	rddreg [dreg:$0x4]  }
0x7d: {  	[tilespmem:s28], [sflag:$0x1] =	stream.linear.gather [hbm4b:s9+s2], $0x100, $0x38;
	[tilespmem:$0x1FB80] =	vst v63  }
0x7e: {  	s11 =	rddreg [dreg:$0x5]  }
0x7f: {  	[tilespmem:s29], [sflag:$0x2] =	stream.linear.gather [hbm4b:s11+s2], $0x100, $0x38;
	[tilespmem:$0x1FB80] =	vst v63  }
0x80: {  	_ =	swait.ge [sflag:s30], $0x100  }
0x81: {  	[sflag:s30] =	ssyncset.done $0x0  }
0x82: {  	[sflag:s30] =	ssyncadd.s32 $0xFFFFFF00  }
0x83: {  	[tilespmem:s25], [sflag:$0x4] =	stream.indirect.gather [hbm4b:s4+s31], $0x80, s28, s31, $0xb8;
	[tilespmem:$0x1FB80] =	vst v63  }
0x84: {  	_ =	swait.ge [sflag:s0], $0x100  }
0x85: {  	[sflag:s0] =	ssyncset.done $0x0  }
0x86: {  	[sflag:s0] =	ssyncadd.s32 $0xFFFFFF00  }
0x87: {  	[tilespmem:s7], [sflag:$0x5] =	stream.indirect.gather [hbm4b:s4+s31], $0x80, s29, s31, $0xb8;
	[tilespmem:$0x1FB80] =	vst v63  }
0x88: {  	_ =	swait.ge [sflag:s8], $0x4000  }
0x89: {  	[sflag:s8] =	ssyncset.done $0x0  }
0x8a: {  	[sflag:s8] =	ssyncadd.s32 $0xFFFFC000  }
0x8b: {  	[spmem:s1] =	stream.indirect.scatter.add.f32 [tilespmem:s25], [sflag:$0x7], $0x80, s10, s31, $0xb8;
	[tilespmem:$0x1FB80] =	vst v63  }
0x8c: {  	s22 =	rddreg [dreg:$0x14]  }
0x8d: {  	[tilespmem:s12], [sflag:$0x3] =	stream.linear.gather [hbm4b:s22+s2], $0x100, $0x38;
	[tilespmem:$0x1FB80] =	vst v63  }
0x8e: {  	_ =	swait.ge [sflag:s13], $0x100  }
0x8f: {  	[sflag:s13] =	ssyncset.done $0x0  }
0x90: {  	[sflag:s13] =	ssyncadd.s32 $0xFFFFFF00  }
0x91: {  	[tilespmem:s14], [sflag:$0x6] =	stream.indirect.gather [hbm4b:s4+s31], $0x80, s12, s31, $0xb8;
	[tilespmem:$0x1FB80] =	vst v63  }
0x92: {  	_ =	swait.ge [sflag:s3], $0x4000  }
0x93: {  	[sflag:s3] =	ssyncset.done $0x0  }
0x94: {  	[sflag:s3] =	ssyncadd.s32 $0xFFFFC000  }
0x95: {  	[spmem:s1] =	stream.indirect.scatter.add.f32 [tilespmem:s7], [sflag:$0x8], $0x80, s15, s31, $0xb8;
	[tilespmem:$0x1FB80] =	vst v63  }
0x96: {  	_ =	swait.ge [sflag:s16], $0x4000  }
0x97: {  	[sflag:s16] =	ssyncset.done $0x0  }
0x98: {  	s24 =	rddreg [dreg:$0x15];
	[sflag:s16] =	ssyncadd.s32 $0xFFFFC000  }
0x99: {  	[tilespmem:s28], [sflag:$0x1] =	stream.linear.gather [hbm4b:s24+s2], $0x100, $0x38;
	[tilespmem:$0x1FB80] =	vst v63  }
0x9a: {  	_ =	swait.ge [sflag:s30], $0x100  }
0x9b: {  	[sflag:s30] =	ssyncset.done $0x0  }
0x9c: {  	[sflag:s30] =	ssyncadd.s32 $0xFFFFFF00  }
0x9d: {  	[tilespmem:s25], [sflag:$0x4] =	stream.indirect.gather [hbm4b:s4+s31], $0x80, s28, s31, $0xb8;
	[tilespmem:$0x1FB80] =	vst v63  }
0x9e: {  	_ =	swait.ge [sflag:s17], $0x4000  }
0x9f: {  	[sflag:s17] =	ssyncset.done $0x0  }
0xa0: {  	[sflag:s17] =	ssyncadd.s32 $0xFFFFC000  }
0xa1: {  	[spmem:s1] =	stream.indirect.scatter.add.f32 [tilespmem:s14], [sflag:$0x9], $0x80, s18, s31, $0xb8;
	[tilespmem:$0x1FB80] =	vst v63  }
0xa2: {  	_ =	swait.ge [sflag:s19], $0x4000  }
0xa3: {  	[sflag:s19] =	ssyncset.done $0x0  }
0xa4: {  	s22 =	simm.s32 $0xFFFEE000;
	s26 =	rddreg [dreg:$0x16];
	[sflag:s19] =	ssyncadd.s32 $0xFFFFC000  }
0xa5: {  	[tilespmem:s29], [sflag:$0x2] =	stream.linear.gather [hbm4b:s26+s2], $0x100, $0x38;
	[tilespmem:$0x1FB80] =	vst v63  }
.LBB2_4:
0xa6: {  	_ =	swait.ge [sflag:s0], $0x100  }
0xa7: {  	[sflag:s0] =	ssyncset.done $0x0  }
0xa8: {  	[sflag:s0] =	ssyncadd.s32 $0xFFFFFF00  }
0xa9: {  	[tilespmem:s7], [sflag:$0x5] =	stream.indirect.gather [hbm4b:s4+s31], $0x80, s29, s31, $0xb8;
	[tilespmem:$0x1FB80] =	vst v63  }
0xaa: {  	_ =	swait.ge [sflag:s8], $0x4000  }
0xab: {  	[sflag:s8] =	ssyncset.done $0x0  }
0xac: {  	[sflag:s8] =	ssyncadd.s32 $0xFFFFC000  }
0xad: {  	[spmem:s1] =	stream.indirect.scatter.add.f32 [tilespmem:s25], [sflag:$0x7], $0x80, s10, s31, $0xb8;
	[tilespmem:$0x1FB80] =	vst v63  }
0xae: {  	_ =	swait.ge [sflag:s20], $0x4000  }
0xaf: {  	s24 =	sadd.s32 s22, s23;
	[sflag:s20] =	ssyncset.done $0x0  }
0xb0: {  	s6 =	sadd.s32 $0x13400, s24;
	[sflag:s20] =	ssyncadd.s32 $0xFFFFC000  }
0xb1: {  	[tilespmem:s12], [sflag:$0x3] =	stream.linear.gather [hbm4b:s6+s2], $0x100, $0x38;
	[tilespmem:$0x1FB80] =	vst v63  }
0xb2: {  	_ =	swait.ge [sflag:s13], $0x100  }
0xb3: {  	[sflag:s13] =	ssyncset.done $0x0  }
0xb4: {  	[sflag:s13] =	ssyncadd.s32 $0xFFFFFF00  }
0xb5: {  	[tilespmem:s14], [sflag:$0x6] =	stream.indirect.gather [hbm4b:s4+s31], $0x80, s12, s31, $0xb8;
	[tilespmem:$0x1FB80] =	vst v63  }
0xb6: {  	_ =	swait.ge [sflag:s3], $0x4000  }
0xb7: {  	[sflag:s3] =	ssyncset.done $0x0  }
0xb8: {  	[sflag:s3] =	ssyncadd.s32 $0xFFFFC000  }
0xb9: {  	[spmem:s1] =	stream.indirect.scatter.add.f32 [tilespmem:s7], [sflag:$0x8], $0x80, s15, s31, $0xb8;
	[tilespmem:$0x1FB80] =	vst v63  }
0xba: {  	p3 =	seq.s32 @!p1 s22, $0x0;
	_ =	swait.ge [sflag:s16], $0x4000  }
0xbb: {  	p3 =	por p1, !p3;
	[sflag:s16] =	ssyncset.done $0x0  }
0xbc: {  	s6 =	sadd.s32 @p3 $0x13800, s24;
	[sflag:s16] =	ssyncadd.s32 $0xFFFFC000  }
0xbd: {  	[tilespmem:s28], [sflag:$0x1] =	stream.linear.gather @p3 [hbm4b:s6+s2], $0x100, $0x38;
	[tilespmem:$0x1FB80] =	vst v63  }
0xbe: {  	_ =	swait.ge @p3 [sflag:s30], $0x100  }
0xbf: {  	[sflag:s30] =	ssyncset.done @p3 $0x0  }
0xc0: {  	[sflag:s30] =	ssyncadd.s32 @p3 $0xFFFFFF00  }
0xc1: {  	[tilespmem:s25], [sflag:$0x4] =	stream.indirect.gather @p3 [hbm4b:s4+s31], $0x80, s28, s31, $0xb8;
	[tilespmem:$0x1FB80] =	vst v63  }
0xc2: {  	_ =	swait.ge [sflag:s17], $0x4000  }
0xc3: {  	p3 =	seq.s32 s22, $0x0;
	[sflag:s17] =	ssyncset.done $0x0  }
.Ltmp3:
0xc4: {  	[sflag:s17] =	ssyncadd.s32 $0xFFFFC000;
	(pc) =	sbr.rel @p3 .LBB2_6-.Ltmp3, $4  }
0xc5: {  	[spmem:s1] =	stream.indirect.scatter.add.f32 [tilespmem:s14], [sflag:$0x9], $0x80, s18, s31, $0xb8;
	[tilespmem:$0x1FB80] =	vst v63  }
0xc6: {  	_ =	swait.ge [sflag:s19], $0x4000  }
0xc7: {  	[sflag:s19] =	ssyncset.done $0x0  }
0xc8: {  	[sflag:s19] =	ssyncadd.s32 $0xFFFFC000  }
.Ltmp4:
0xc9: {  	(pc) =	sbr.rel .LBB2_4-.Ltmp4, $3  }
0xca: {  	_ =	sdelay $0x1  }
0xcb: {  	s6 =	sadd.s32 $0x13C00, s24;
	s22 =	sadd.s32 $0xC00, s22  }
0xcc: {  	[tilespmem:s29], [sflag:$0x2] =	stream.linear.gather [hbm4b:s6+s2], $0x100, $0x38;
	[tilespmem:$0x1FB80] =	vst v63  }
.LBB2_7:
0xcd: {  	_ =	sfence.sel $0x180000  }
0xce: {  	[bflag:$0x0] =	sbarrier.arrive $0xFFFF  }
0xcf: {  	_ =	strace $0x9000004A  }
0xd0: {  	s0 =	stileid.u32;
	[bflag:$0x2] =	sbarrier.arrive $0xFFFF  }
0xd1: {  	p0 =	sne.s32 s0, $0x0;
	s0 =	rddreg [dreg:$0x3]  }
0xd2: {  	s0 =	sadd.s32 @!p0 $0x100000, s0  }
0xd3: {  	[sflag:s0] =	ssyncadd.tile.s32 @!p0 $0x1;
	_ =	shalt  }
.Lfunc_end2:
_tile_overlayer_lowered:
.L_overlay_start_2:
0xd4: {  	(tag) =	ssettag $0x2  }
0xd5: {  	s0 =	rddreg [dreg:$0x0];
	s2 =	stileid.u32  }
0xd6: {  	s1 =	rddreg [dreg:$0x1];
	p0 =	sne.s32 s2, $0x0  }
0xd7: {  	s3 =	rddreg [dreg:$0x2];
	[bflag:$0x3] =	sbarrier.arrive $0xFFFF;
	s2 =	simm.s32 @!p0 $0x1C0A  }
0xd8: {  	[timem:s3], [sflag:s2] =	dma.local @!p0 [hbm:s0], s1  }
0xd9: {  	s0 =	simm.s32 @!p0 $0xA  }
0xda: {  	_ =	swait.ge @!p0 [sflag:s0], s1  }
0xdb: {  	s1 =	ssub.s32 @!p0 $0x0, s1;
	[sflag:s0] =	ssyncset.done @!p0 $0x0  }
0xdc: {  	[sflag:s0] =	ssyncadd.s32 @!p0 s1  }
0xdd: {  	[bflag:$0x3] =	sbarrier.arrive $0xFFFF  }
0xde: {  	_ =	shalt  }

// kernel: kernel.8.cloned.1.call-start
scs
__scs_entry_jumppad:
0x0: {  	(pc) =	sbr.rel $0x88, $3  }
0x1: {  	(tag) =	ssettag $0x0;
	lr =	simm.s32 $0x1  }
0x2: {  	[smem:$0x3F99] =	sst lr;
	_ =	strace $0xD0000000  }
0x3: {  	_ = 	snop  }
0x4: {  	_ = 	snop  }
0x5: {  	_ = 	snop  }
0x6: {  	_ = 	snop  }
0x7: {  	_ = 	snop  }
__scs_overlays_trampoline_lowered:
0x8: {  	[smem:$0x3FA8] =	sst s0  }
0x9: {  	[smem:$0x3FA9] =	sst s1  }
0xa: {  	[smem:$0x3FAA] =	sst s2  }
0xb: {  	[smem:$0x3FAB] =	sst s3  }
0xc: {  	[smem:$0x3FAC] =	sst s4  }
0xd: {  	[smem:$0x3FAD] =	sst s5  }
0xe: {  	[smem:$0x3FAE] =	sst s6  }
0xf: {  	[smem:$0x3FAF] =	sst s7  }
0x10: {  	[smem:$0x3FB0] =	sst s8  }
0x11: {  	[smem:$0x3FB1] =	sst s9;
	s0 =	simm.s32 @!p0 $0x0  }
0x12: {  	s1 =	sld [smem:$0x3F97];
	s0 =	simm.s32 @p0 $0x1  }
0x13: {  	[smem:$0x3FB2] =	sst s0;
	s0 =	simm.s32 @!p1 $0x0  }
0x14: {  	s2 =	sld [smem:$0x3F96];
	s0 =	simm.s32 @p1 $0x1  }
0x15: {  	[smem:$0x3FB3] =	sst s0;
	s0 =	simm.s32 @!p2 $0x0  }
0x16: {  	s3 =	sld [smem:$0x3FDB];
	s0 =	simm.s32 @p2 $0x1  }
0x17: {  	s4 =	simm.s32 $0x1BF5;
	[smem:$0x3FB5] =	sst s0  }
0x18: {  	s0 =	sld [smem:$0x3F98];
	_ =	swait.ge [sflag:s4], $0x0  }
0x19: {  	s7 =	sld [smem:$0x3F99]  }
0x1a: {  	s8 =	sadd.s32 $0xFFFFE003, lr  }
0x1b: {  	s9 =	sadd.s32 $0xFFFFFEF7, lr;
	s5 =	simm.s32 $0xFFFFFFFF;
	p2 =	slt.u32 s8, $0xFFFFF086  }
0x1c: {  	p1 =	slt.u32 s9, $0xF7A;
	s5 =	simm.s32 @!p2 $0x0  }
0x1d: {  	s5 =	simm.s32 @p1 $0x1;
	p0 =	seq.s32 s7, s2  }
0x1e: {  	s7 =	smul.u32 @!p0 $0xF7A, s2;
	p2 =	seq.s32 @!p0 s5, $0x0  }
0x1f: {  	s9 =	smul.u32 $0xF7A, s1;
	s8 =	simm.s32 @!p0 $0x1BF5;
	p2 =	por !p2, p0  }
0x20: {  	[sflag:s8] =	ssyncset.s32 @!p0 $0xFFFFF086;
	s6 =	sadd.s32 @!p0 s3, s7;
	s7 =	simm.s32 @!p0 $0x108  }
0x21: {  	s3 =	sadd.s32 s3, s9;
	s6 =	sadd.s32 @!p0 $0x88, s6;
	s7 =	simm.s32 @p2 $0x1082  }
0x22: {  	[simem:s7], [sflag:s8] =	dma.local @!p0 [hbm:s6], $0xF7A  }
0x23: {  	s9 =	sor.u32 $0xD0000000, s2;
	s6 =	simm.s32 $0x108;
	_ =	swait.ge @!p0 [sflag:s8], $0x0  }
0x24: {  	s3 =	sadd.s32 $0x88, s3;
	s6 =	simm.s32 @!p1 $0x1082;
	[sflag:s4] =	ssyncset.s32 $0xFFFFF086  }
0x25: {  	[simem:s6], [sflag:s4] =	dma.local [hbm:s3], $0xF7A  }
0x26: {  	[smem:$0x3F99] =	sst s1;
	(tag) =	ssettag s2;
	_ =	strace s9  }
0x27: {  	s1 =	sld [smem:$0x3FA9]  }
0x28: {  	s2 =	sld [smem:$0x3FAA]  }
0x29: {  	s4 =	sld [smem:$0x3FAC]  }
0x2a: {  	p0 =	seq.s32 s5, $0x0;
	s5 =	sld [smem:$0x3FAD]  }
0x2b: {  	s6 =	sld [smem:$0x3FAE]  }
0x2c: {  	s7 =	sld [smem:$0x3FAF]  }
0x2d: {  	s3 =	simm.s32 $0x108;
	s8 =	sld [smem:$0x3FB0]  }
0x2e: {  	s3 =	simm.s32 @!p0 $0x1082;
	s9 =	sld [smem:$0x3FB1]  }
0x2f: {  	lr =	sadd.s32 s0, s3;
	s0 =	sld [smem:$0x3FA8]  }
0x30: {  	s3 =	sld [smem:$0x3FAB]  }
0x31: {  	[smem:$0x3FB4] =	sst s10  }
0x32: {  	s10 =	sld [smem:$0x3FB2];
	_ =	sdelay $0x3  }
0x33: {  	p0 =	seq.s32 s10, $0x1;
	s10 =	sld [smem:$0x3FB4];
	_ =	sdelay $0x3  }
0x34: {  	[smem:$0x3FB4] =	sst s10  }
0x35: {  	s10 =	sld [smem:$0x3FB3];
	_ =	sdelay $0x3  }
0x36: {  	p1 =	seq.s32 s10, $0x1;
	s10 =	sld [smem:$0x3FB4];
	_ =	sdelay $0x3  }
0x37: {  	[smem:$0x3FB4] =	sst s10  }
0x38: {  	s10 =	sld [smem:$0x3FB5]  }
0x39: {  	_ = 	snop;
	(pc) =	sbr.ind lr, $3  }
0x3a: {  	_ = 	snop  }
0x3b: {  	_ = 	snop  }
0x3c: {  	p2 =	seq.s32 s10, $0x1;
	s10 =	sld [smem:$0x3FB4]  }
0x3d: {  	_ =	shalt  }
0x3e: {  	_ =	shalt  }
0x3f: {  	_ =	shalt  }
0x40: {  	_ =	shalt  }
0x41: {  	_ =	shalt  }
0x42: {  	_ =	shalt  }
0x43: {  	_ =	shalt  }
0x44: {  	_ =	shalt  }
0x45: {  	_ =	shalt  }
0x46: {  	_ =	shalt  }
0x47: {  	_ =	shalt  }
0x48: {  	_ =	shalt  }
0x49: {  	_ =	shalt  }
0x4a: {  	_ =	shalt  }
0x4b: {  	_ =	shalt  }
0x4c: {  	_ =	shalt  }
0x4d: {  	_ =	shalt  }
0x4e: {  	_ =	shalt  }
0x4f: {  	_ =	shalt  }
0x50: {  	_ =	shalt  }
0x51: {  	_ =	shalt  }
0x52: {  	_ =	shalt  }
0x53: {  	_ =	shalt  }
0x54: {  	_ =	shalt  }
0x55: {  	_ =	shalt  }
0x56: {  	_ =	shalt  }
0x57: {  	_ =	shalt  }
0x58: {  	_ =	shalt  }
0x59: {  	_ =	shalt  }
0x5a: {  	_ =	shalt  }
0x5b: {  	_ =	shalt  }
0x5c: {  	_ =	shalt  }
0x5d: {  	_ =	shalt  }
0x5e: {  	_ =	shalt  }
0x5f: {  	_ =	shalt  }
0x60: {  	_ =	shalt  }
0x61: {  	_ =	shalt  }
0x62: {  	_ =	shalt  }
0x63: {  	_ =	shalt  }
0x64: {  	_ =	shalt  }
0x65: {  	_ =	shalt  }
0x66: {  	_ =	shalt  }
0x67: {  	_ =	shalt  }
0x68: {  	_ =	shalt  }
0x69: {  	_ =	shalt  }
0x6a: {  	_ =	shalt  }
0x6b: {  	_ =	shalt  }
0x6c: {  	_ =	shalt  }
0x6d: {  	_ =	shalt  }
0x6e: {  	_ =	shalt  }
0x6f: {  	_ =	shalt  }
0x70: {  	_ =	shalt  }
0x71: {  	_ =	shalt  }
0x72: {  	_ =	shalt  }
0x73: {  	_ =	shalt  }
0x74: {  	_ =	shalt  }
0x75: {  	_ =	shalt  }
0x76: {  	_ =	shalt  }
0x77: {  	_ =	shalt  }
0x78: {  	_ =	shalt  }
0x79: {  	_ =	shalt  }
0x7a: {  	_ =	shalt  }
0x7b: {  	_ =	shalt  }
0x7c: {  	_ =	shalt  }
0x7d: {  	_ =	shalt  }
0x7e: {  	_ =	shalt  }
0x7f: {  	_ =	shalt  }
0x80: {  	_ =	shalt  }
0x81: {  	_ =	shalt  }
0x82: {  	_ =	shalt  }
0x83: {  	_ =	shalt  }
0x84: {  	_ =	shalt  }
0x85: {  	_ =	shalt  }
0x86: {  	_ =	shalt  }
0x87: {  	_ =	shalt  }
.Lfunc_end0:
.L_simem_size_0:
called_computation_lowered:
.L_overlay_start_0:
0x88: {  	s2 =	sld [smem:$0x3FD9]  }
0x89: {  	s3 =	sld [smem:$0x3FFE];
	_ =	sdelay $0x1  }
0x8a: {  	s1 =	srdreg.scid  }
0x8b: {  	s0 =	sand.u32 $0x1, s1  }
0x8c: {  	s17 =	sshll.u32 s0, $0xA;
	s2 =	sadd.s32 s3, s2  }
0x8d: {  	s2 =	sadd.s32 s2, s17  }
0x8e: {  	[smem:$0x3FC0] =	sst s2  }
0x8f: {  	_ = 	snop  }
0x90: {  	s2 =	sld [smem:$0x3FC9]  }
0x91: {  	s18 =	sld [smem:$0x3FC8]  }
0x92: {  	s4 =	sld [smem:$0x3FD0];
	(tm) =	ssettm $0x1  }
0x93: {  	s5 =	sld [smem:$0x3FFB];
	_ =	sdelay $0x3  }
0x94: {  	_ =	strace s5  }
0x95: {  	s5 =	sld [smem:$0x3FFC];
	_ =	sdelay $0x3  }
0x96: {  	_ =	strace s5  }
0x97: {  	s5 =	sld [smem:$0x3FFD];
	_ =	sdelay $0x3  }
0x98: {  	_ =	strace s5  }
0x99: {  	_ =	strace $0x8FFFFFFF  }
0x9a: {  	s19 =	sld [smem:$0x3FDB];
	_ =	sdelay $0x1  }
0x9b: {  	s6 =	simm.s32 $_scs_section_size  }
0x9c: {  	s7 =	simm.s32 $_size__tile_overlayer_lowered;
	s8 =	simm.s32 $_tile_overlayer_lowered  }
0x9d: {  	s22 =	simm.s32 $0x1BFF;
	s21 =	sshll.u32 s8, $0x1;
	s5 =	sadd.s32 s6, s19  }
0x9e: {  	s9 =	simm.s32 $0x0;
	s20 =	sshll.u32 s7, $0x1;
	s7 =	sadd.s32 s21, s5  }
0x9f: {  	[timem:s9], [sflag:s22] =	dma.local [hbm:s7], s20  }
0xa0: {  	_ =	swait.ge [sflag:s22], s20  }
0xa1: {  	s6 =	ssub.s32 $0x0, s20;
	[sflag:s22] =	ssyncset.done $0x0  }
0xa2: {  	[sflag:s22] =	ssyncadd.s32 s6;
	_ =	sdelay $0x1  }
0xa3: {  	s23 =	simm.s32 $0x1B8B  }
0xa4: {  	_ =	swait.ge [sflag:s23], $0x1  }
0xa5: {  	[sflag:s23] =	ssyncset.done $0x0  }
0xa6: {  	s25 =	simm.s32 $0x1B8E;
	s24 =	sld [smem:$0x3FFE];
	[sflag:s23] =	ssyncadd.s32 $0xFFFFFFFF  }
0xa7: {  	s26 =	simm.s32 $execute0_lowered;
	[smem:$0x3FD2] =	sst s25  }
0xa8: {  	s7 =	sshll.u32 s26, $0x1;
	_ =	strace $0x80000046;
	[dreg:$0x1] =	wrdreg $0xFFFFFFFF  }
0xa9: {  	s28 =	simm.s32 $_size_execute0_lowered;
	s5 =	sadd.s32 s5, s7;
	[dreg:$0x0] =	wrdreg $0x0  }
0xaa: {  	s7 =	sshll.u32 s28, $0x1;
	[dreg:$0x2] =	wrdreg s5  }
0xab: {  	[dreg:$0x3] =	wrdreg s7  }
0xac: {  	[dreg:$0x4] =	wrdreg $0xC0  }
0xad: {  	_ =	task [dreg:s9], $0x5FFFF  }
0xae: {  	[dreg:$0x1] =	wrdreg $0xFFFFFFFF  }
0xaf: {  	[dreg:$0x0] =	wrdreg $0x60  }
0xb0: {  	[dreg:$0x2] =	wrdreg s2  }
0xb1: {  	[dreg:$0x3] =	wrdreg s18  }
0xb2: {  	[dreg:$0x4] =	wrdreg s4  }
0xb3: {  	[dreg:$0x5] =	wrdreg s24  }
0xb4: {  	[dreg:$0x6] =	wrdreg $0x0  }
0xb5: {  	[dreg:$0x7] =	wrdreg $0x1FB800  }
0xb6: {  	[dreg:$0x8] =	wrdreg $0x9  }
0xb7: {  	_ =	task.clear_ibuf [dreg:s9], $0x9FFFF;
	_ =	strace $0x90000046  }
0xb8: {  	s29 =	simm.s32 $0x9;
	_ =	strace $0x80000048  }
0xb9: {  	_ =	swait.ge [sflag:s29], $0x1  }
0xba: {  	[sflag:s29] =	ssyncadd.s32 $0xFFFFFFFF  }
0xbb: {  	_ =	strace $0x90000048  }
0xbc: {  	_ =	sfence  }
0xbd: {  	s30 =	sld [smem:$0x0];
	_ =	sdelay $0x2  }
0xbe: {  	s31 =	sshll.u32 s1, $0xD;
	s1 =	sshrl.u32 s1, $0x2  }
0xbf: {  	s3 =	sand.u32 $0x4000, s31;
	s1 =	sadd.s32 s1, s30  }
0xc0: {  	s0 =	sor.u32 s3, s0;
	s1 =	sshll.u32 s1, $0x11  }
0xc1: {  	s0 =	sor.u32 s1, s0  }
0xc2: {  	s0 =	sadd.s32 $0x8F2B, s0  }
0xc3: {  	[sflag:s0] =	ssyncadd.remote.s32 $0x1  }
0xc4: {  	_ =	sfence.sel $0xFFFF  }
0xc5: {  	[dreg:$0x0] =	wrdreg $0xFFFFFFFF;
	(pc) =	sbr.abs _section_cstart, $3  }
0xc6: {  	[dreg:$0x1] =	wrdreg $0xFFFFFFFF  }
0xc7: {  	_ =	task.clear_ibuf [dreg:s9], $0x2FFFF;
	_ =	strace $0x9FFFFFFF  }
0xc8: {  	(tm) =	ssettm $0x7FFFFFFF  }
0xc9: {  	_ =	shalt  }
tec
execute0_lowered:
.L_overlay_start_1:
0x0: {  	(tag) =	ssettag $0x1  }
0x1: {  	s0 =	rddreg [dreg:$0x0]  }
0x2: {  	s1 =	rddreg [dreg:$0x1]  }
0x3: {  	s2 =	rddreg [dreg:$0x3]  }
0x4: {  	s3 =	rddreg [dreg:$0x4]  }
0x5: {  	s4 =	rddreg [dreg:$0x5];
	s5 =	simm.s32 $0x0  }
0x6: {  	s6 =	srdreg.scid;
	s15 =	stileid.u32;
	s28 =	simm.s32 $0x1F880  }
0x7: {  	s30 =	simm.s32 $0x1F980;
	s31 =	simm.s32 $0x1;
	[smem:$0x7FF] =	sst s5  }
0x8: {  	s7 =	sadd.s32 $0x4200, s2;
	s8 =	sadd.s32 $0x2B400, s2;
	s6 =	sand.u32 $0x1, s6  }
0x9: {  	s9 =	sadd.s32 $0x3600, s2;
	s12 =	smul.u32 $0x4E000, s15;
	s13 =	sadd.s32 $0x3C00, s2  }
0xa: {  	s22 =	smul.u32 $0x270, s15;
	_ =	strace $0x80000047;
	[dreg:$0x7] =	wrdreg s9  }
0xb: {  	s25 =	smul.u32 $0x2700, s15;
	s16 =	sadd.s32 $0x134800, s3;
	[dreg:$0x8] =	wrdreg s13  }
0xc: {  	p1 =	seq.s32 s15, $0x0;
	s17 =	sadd.s32 $0x2AB00, s2;
	[dreg:$0xf] =	wrdreg s16  }
0xd: {  	s2 =	sadd.s32 $0x51D00, s2;
	s21 =	ssub.s32 $0x2, s6;
	[dreg:$0x10] =	wrdreg s17  }
0xe: {  	s11 =	sshll.u32 s6, $0x4;
	p0 =	seq.s32 s6, $0x1;
	[dreg:$0x13] =	wrdreg s2  }
0xf: {  	s20 =	sor.u32 s6, s15;
	p4 =	sne.s32 s6, $0x0;
	s2 =	simm.s32 $0x2  }
0x10: {  	s16 =	simm.s32 $0x1B880;
	s17 =	simm.s32 $0x5;
	s10 =	sshrl.u32 s21, $0x1  }
0x11: {  	s11 =	sor.u32 s15, s11;
	s23 =	sshrl.u32 s12, $0x2;
	s13 =	sadd.s32 $0x200, s22  }
0x12: {  	s26 =	sadd.s32 s7, s25;
	s18 =	sadd.s32 s8, s25;
	p1 =	por !p1, !p0  }
0x13: {  	p5 =	sne.s32 s20, $0x0;
	s12 =	simm.s32 $0x1FDF8;
	s20 =	simm.s32 $0xA  }
0x14: {  	s10 =	ssub.s32 s21, s10;
	s24 =	sshll.u32 s11, $0x5;
	s9 =	sadd.s32 s23, s3  }
0x15: {  	[dreg:$0xc] =	wrdreg s26;
	s29 =	sshll.u32 s13, $0x7;
	s13 =	sshll.u32 s13, $0x4  }
0x16: {  	[dreg:$0x11] =	wrdreg s18;
	p1 =	por !p1, !p1;
	s21 =	sshll.u32 s6, $0x9  }
0x17: {  	s23 =	sshll.u32 s15, $0x5;
	p2 =	slt.u32 s11, $0x4;
	p3 =	sgt.u32 s11, $0x3  }
0x18: {  	s6 =	simm.s32 $0x17880;
	s11 =	simm.s32 $0x1F900;
	s18 =	simm.s32 $0x1FA00  }
0x19: {  	s14 =	sadd.s32 s1, s24;
	s7 =	sadd.s32 s7, s13;
	[dreg:$0x9] =	wrdreg s9  }
0x1a: {  	s19 =	sadd.s32 s8, s13;
	s22 =	smax.u32 s10, $0x1;
	[dreg:$0xa] =	wrdreg s14  }
0x1b: {  	s1 =	sadd.s32 s21, s1;
	s24 =	sadd.s32 $0x4000, s9;
	[dreg:$0xe] =	wrdreg s7  }
0x1c: {  	s25 =	sadd.s32 $0x8000, s9;
	s26 =	sadd.s32 $0xC000, s9;
	[dreg:$0x12] =	wrdreg s19  }
0x1d: {  	s8 =	simm.s32 $0x4;
	s10 =	simm.s32 $0x3;
	[dreg:$0x14] =	wrdreg s22  }
0x1e: {  	s13 =	simm.s32 $0x0;
	s14 =	sadd.s32 $0x400, s14;
	[dreg:$0x15] =	wrdreg s24  }
0x1f: {  	s7 =	simm.s32 @!p1 $0x0;
	s21 =	sadd.s32 s23, s1;
	[dreg:$0x16] =	wrdreg s25  }
0x20: {  	[dreg:$0x17] =	wrdreg s26;
	s7 =	simm.s32 @p1 $0x1;
	p1 =	seq.s32 @!p4 s15, $0xF  }
0x21: {  	s26 =	simm.s32 $0x13880;
	s19 =	simm.s32 $0x7;
	p6 =	por !p1, p4  }
0x22: {  	s22 =	simm.s32 $0x6;
	s23 =	simm.s32 $0x1FB00;
	s1 =	simm.s32 @!p6 $0x0  }
0x23: {  	s24 =	simm.s32 $0x8;
	p1 =	por p1, p4;
	s1 =	simm.s32 @p6 $0x1  }
0x24: {  	p6 =	seq.s32 @p0 s15, $0xF;
	[smem:$0x7F9] =	sst s1;
	s1 =	simm.s32 @!p1 $0x0  }
0x25: {  	[dreg:$0xb] =	wrdreg s14;
	s1 =	simm.s32 @p1 $0x1;
	p1 =	por !p6, !p0  }
0x26: {  	s14 =	sadd.s32 s29, s3;
	[smem:$0x7FA] =	sst s1;
	s1 =	simm.s32 @!p1 $0x0  }
0x27: {  	[dreg:$0xd] =	wrdreg s14;
	s1 =	simm.s32 @p1 $0x1;
	p1 =	por p6, !p0  }
.Ltmp0:
0x28: {  	[smem:$0x7FB] =	sst s1;
	s1 =	simm.s32 @!p1 $0x0;
	(pc) =	sbr.rel .LBB2_1-.Ltmp0, $4  }
0x29: {  	[smem:$0x7F8] =	sst s7;
	s1 =	simm.s32 @p1 $0x1;
	p1 =	sne.s32 s15, $0x0  }
0x2a: {  	s29 =	sadd.s32 $0x10000, s9;
	[smem:$0x7FC] =	sst s1;
	s1 =	simm.s32 @!p1 $0x0  }
0x2b: {  	s25 =	simm.s32 $0xB;
	[dreg:$0x18] =	wrdreg s29;
	s1 =	simm.s32 @p1 $0x1  }
0x2c: {  	v0 =	vimm.f32 $0.0e+00;
	v1 =	vimm.f32 $1.000000000e+00;
	s14 =	simm.s32 $0x1FA80;
	[smem:$0x7FD] =	sst s1;
	s1 =	simm.s32 $0x80  }
.LBB2_6:
0x2d: {  	s9 =	simm.s32 @!p3 $0x4  }
0x2e: {  	_ =	swait.ge @!p3 [sflag:s9], $0x4000  }
0x2f: {  	s13 =	simm.s32 @!p3 $0x1F900;
	[sflag:s9] =	ssyncset.done @!p3 $0x0  }
0x30: {  	s15 =	simm.s32 @!p3 $0x13880;
	[sflag:s9] =	ssyncadd.s32 @!p3 $0xFFFFC000;
	s9 =	simm.s32 @!p3 $0x80  }
0x31: {  	[spmem:s3] =	stream.indirect.scatter.add.f32 @!p3 [tilespmem:s15], [sflag:$0x7], $0x80, s13, s9, $0xb8;
	[tilespmem:$0x1FE78] =	vst v63  }
0x32: {  	s15 =	simm.s32 @!p3 $0x1FDF8  }
0x33: {  	[spmem:s4] =	stream.indirect.scatter.add.f32 @!p3 [tilespmem:s15], [sflag:$0xA], $0x1, s13, s9, $0xb8;
	[tilespmem:$0x1FE78] =	vst v63  }
0x34: {  	s9 =	simm.s32 @!p3 $0x9  }
0x35: {  	_ =	swait.ge @!p3 [sflag:s9], $0x4000  }
0x36: {  	[sflag:s9] =	ssyncset.done @!p3 $0x0  }
0x37: {  	[sflag:s9] =	ssyncadd.s32 @!p3 $0xFFFFC000;
	s9 =	simm.s32 @!p3 $0xC  }
0x38: {  	_ =	swait.ge @!p3 [sflag:s9], $0x80  }
0x39: {  	s13 =	simm.s32 @!p3 $0x7;
	[sflag:s9] =	ssyncset.done @!p3 $0x0  }
0x3a: {  	s13 =	simm.s32 @p3 $0x9;
	[sflag:s9] =	ssyncadd.s32 @!p3 $0xFFFFFF80  }
0x3b: {  	_ =	swait.ge [sflag:s13], $0x4000  }
0x3c: {  	s9 =	simm.s32 @!p3 $0xA;
	[sflag:s13] =	ssyncset.done $0x0  }
0x3d: {  	s9 =	simm.s32 @p3 $0xC;
	[sflag:s13] =	ssyncadd.s32 $0xFFFFC000  }
0x3e: {  	_ =	swait.ge [sflag:s9], $0x80  }
0x3f: {  	[sflag:s9] =	ssyncset.done $0x0  }
0x40: {  	[sflag:s9] =	ssyncadd.s32 $0xFFFFFF80  }
0x41: {  	s7 =	stileid.u32;
	[bflag:$0x0] =	sbarrier.arrive $0xFFFF  }
0x42: {  	s9 =	sshll.u32 @!p4 s7, $0x6;
	s28 =	rddreg [dreg:$0x9]  }
0x43: {  	s9 =	sor.u32 @!p4 $0x1C0D, s9;
	s7 =	rddreg [dreg:$0xc];
	s13 =	sshrl.u32 @!p4 s28, $0x3  }
0x44: {  	[hbm:s7], [sflag:s9] =	dma.local @!p4 [spmem:s13], $0x2000  }
0x45: {  	s13 =	simm.s32 @!p4 $0xD  }
0x46: {  	_ =	swait.ge @!p4 [sflag:s13], $0x2000  }
0x47: {  	[sflag:s13] =	ssyncset.done @!p4 $0x0  }
0x48: {  	[sflag:s13] =	ssyncadd.s32 @!p4 $0xFFFFE000;
	s13 =	sld [smem:$0x7F9];
	_ =	sdelay $0x2  }
0x49: {  	s29 =	rddreg [dreg:$0xf];
	p1 =	seq.s32 s13, $0x1  }
0x4a: {  	s7 =	rddreg [dreg:$0x10];
	s13 =	sshrl.u32 @!p1 s29, $0x3  }
0x4b: {  	[hbm:s7], [sflag:s9] =	dma.local @!p1 [spmem:s13], $0x800  }
0x4c: {  	s13 =	simm.s32 @!p1 $0xD  }
0x4d: {  	_ =	swait.ge @!p1 [sflag:s13], $0x800  }
0x4e: {  	s15 =	sld [smem:$0x7FA];
	_ =	sdelay $0x1  }
0x4f: {  	[sflag:s13] =	ssyncset.done @!p1 $0x0  }
0x50: {  	s7 =	rddreg [dreg:$0xd];
	[sflag:s13] =	ssyncadd.s32 @!p1 $0xFFFFF800;
	p1 =	seq.s32 s15, $0x1  }
0x51: {  	s15 =	rddreg [dreg:$0xe];
	s13 =	sshrl.u32 @!p1 s7, $0x3  }
0x52: {  	[hbm:s15], [sflag:s9] =	dma.local @!p1 [spmem:s13], $0x700  }
0x53: {  	s9 =	simm.s32 @!p1 $0xD  }
0x54: {  	s13 =	stileid.u32;
	_ =	swait.ge @!p1 [sflag:s9], $0x700  }
0x55: {  	s13 =	sshll.u32 @p0 s13, $0x6;
	[sflag:s9] =	ssyncset.done @!p1 $0x0;
	s15 =	rddreg [dreg:$0x11]  }
0x56: {  	[sflag:s9] =	ssyncadd.s32 @!p1 $0xFFFFF900;
	s9 =	sor.u32 @p0 $0x1C0D, s13;
	s13 =	sshrl.u32 @p0 s28, $0x3  }
0x57: {  	[hbm:s15], [sflag:s9] =	dma.local @p0 [spmem:s13], $0x2000  }
0x58: {  	s13 =	simm.s32 @p0 $0xD  }
0x59: {  	_ =	swait.ge @p0 [sflag:s13], $0x2000  }
0x5a: {  	s15 =	sld [smem:$0x7FB];
	_ =	sdelay $0x2  }
0x5b: {  	[sflag:s13] =	ssyncset.done @p0 $0x0;
	p1 =	seq.s32 s15, $0x1  }
0x5c: {  	[sflag:s13] =	ssyncadd.s32 @p0 $0xFFFFE000;
	s15 =	rddreg [dreg:$0x13];
	s13 =	sshrl.u32 @!p1 s29, $0x3  }
0x5d: {  	[hbm:s15], [sflag:s9] =	dma.local @!p1 [spmem:s13], $0x800  }
0x5e: {  	s13 =	simm.s32 @!p1 $0xD  }
0x5f: {  	_ =	swait.ge @!p1 [sflag:s13], $0x800  }
0x60: {  	s29 =	sld [smem:$0x7FC];
	_ =	sdelay $0x1  }
0x61: {  	[sflag:s13] =	ssyncset.done @!p1 $0x0  }
0x62: {  	[sflag:s13] =	ssyncadd.s32 @!p1 $0xFFFFF800;
	p1 =	seq.s32 s29, $0x1  }
0x63: {  	s13 =	sshrl.u32 @!p1 s7, $0x3;
	s7 =	rddreg [dreg:$0x12]  }
0x64: {  	[hbm:s7], [sflag:s9] =	dma.local @!p1 [spmem:s13], $0x700  }
0x65: {  	s9 =	simm.s32 @!p1 $0xD  }
0x66: {  	s7 =	stileid.u32;
	_ =	swait.ge @!p1 [sflag:s9], $0x700  }
0x67: {  	s13 =	sshll.u32 @!p5 s7, $0x6;
	[sflag:s9] =	ssyncset.done @!p1 $0x0;
	s15 =	rddreg [dreg:$0x7]  }
0x68: {  	[sflag:s9] =	ssyncadd.s32 @!p1 $0xFFFFF900;
	s9 =	sor.u32 @!p5 $0x1C0D, s13;
	s13 =	sshrl.u32 @!p5 s4, $0x3  }
0x69: {  	[hbm:s15], [sflag:s9] =	dma.local @!p5 [spmem:s13], $0x4F0  }
0x6a: {  	s9 =	simm.s32 @!p5 $0xD  }
0x6b: {  	_ =	swait.ge @!p5 [sflag:s9], $0x4F0  }
0x6c: {  	s13 =	sld [smem:$0x7F8];
	_ =	sdelay $0x2  }
0x6d: {  	[sflag:s9] =	ssyncset.done @!p5 $0x0;
	s15 =	rddreg [dreg:$0x8];
	p6 =	seq.s32 s13, $0x1  }
0x6e: {  	[sflag:s9] =	ssyncadd.s32 @!p5 $0xFFFFFB10;
	s9 =	sshrl.u32 @p6 s4, $0x3;
	s13 =	simm.s32 @p6 $0x1C0D  }
0x6f: {  	[hbm:s15], [sflag:s13] =	dma.local @p6 [spmem:s9], $0x4F0  }
0x70: {  	s9 =	simm.s32 @p6 $0xD  }
0x71: {  	_ =	swait.ge @p6 [sflag:s9], $0x4F0  }
0x72: {  	s15 =	rddreg [dreg:$0x19]  }
0x73: {  	s29 =	rddreg [dreg:$0x14];
	s13 =	sadd.s32 $0x1, s15  }
0x74: {  	p1 =	sne.s32 s13, s29  }
.Ltmp1:
0x75: {  	_ = 	snop;
	(pc) =	sbr.rel @!p1 .LBB2_7-.Ltmp1, $3  }
0x76: {  	_ =	sdelay $0x1  }
0x77: {  	[sflag:s9] =	ssyncset.done @p6 $0x0  }
0x78: {  	s28 =	simm.s32 $0x1F880;
	[sflag:s9] =	ssyncadd.s32 @p6 $0xFFFFFB10  }
.LBB2_1:
0x79: {  	[dreg:$0x19] =	wrdreg s13;
	s13 =	simm.s32 $0x0;
	s15 =	simm.s32 $0x200  }
.LBB2_2:
0x7a: {  	p1 =	sne.s32 s15, $0xFE00;
	[tilespmem:s13+$0x138F0] =	vst v0  }
0x7b: {  	[tilespmem:s13+$0x13880] =	vst v0  }
0x7c: {  	[tilespmem:s13+$0x13890] =	vst v0  }
.Ltmp2:
0x7d: {  	[tilespmem:s13+$0x138A0] =	vst v0;
	(pc) =	sbr.rel @p1 .LBB2_2-.Ltmp2, $4  }
0x7e: {  	[tilespmem:s13+$0x138B0] =	vst v0  }
0x7f: {  	[tilespmem:s13+$0x138C0] =	vst v0  }
0x80: {  	[tilespmem:s13+$0x138D0] =	vst v0  }
0x81: {  	[tilespmem:s13+$0x138E0] =	vst v0;
	s13 =	sshra.s32 s15, $0x2;
	s15 =	sadd.s32 $0x200, s15  }
0x82: {  	[tilespmem:s13+$0x138F0] =	vst v0  }
0x83: {  	[tilespmem:s13+$0x13880] =	vst v0  }
0x84: {  	[tilespmem:s13+$0x13890] =	vst v0  }
0x85: {  	[tilespmem:s13+$0x138A0] =	vst v0  }
0x86: {  	[tilespmem:s13+$0x138B0] =	vst v0  }
0x87: {  	[tilespmem:s13+$0x138C0] =	vst v0  }
0x88: {  	[tilespmem:s13+$0x138D0] =	vst v0  }
0x89: {  	[tilespmem:s13+$0x138E0] =	vst v0;
	s9 =	rddreg [dreg:$0x9]  }
0x8a: {  	[spmem:s9] =	stream.linear.scatter [tilespmem:s26], [sflag:$0xD], $0x4000, $0x38;
	[tilespmem:$0x1FE78] =	vst v63  }
0x8b: {  	s9 =	simm.s32 $0xD  }
0x8c: {  	_ =	swait.ge [sflag:s9], $0x4000  }
0x8d: {  	[sflag:s9] =	ssyncset.done $0x0  }
0x8e: {  	s7 =	rddreg [dreg:$0x15];
	[sflag:s9] =	ssyncadd.s32 $0xFFFFC000  }
0x8f: {  	[spmem:s7] =	stream.linear.scatter [tilespmem:s26], [sflag:$0xD], $0x4000, $0x38;
	[tilespmem:$0x1FE78] =	vst v63  }
0x90: {  	_ =	swait.ge [sflag:s9], $0x4000  }
0x91: {  	[sflag:s9] =	ssyncset.done $0x0  }
0x92: {  	s13 =	rddreg [dreg:$0x16];
	[sflag:s9] =	ssyncadd.s32 $0xFFFFC000  }
0x93: {  	[spmem:s13] =	stream.linear.scatter [tilespmem:s26], [sflag:$0xD], $0x4000, $0x38;
	[tilespmem:$0x1FE78] =	vst v63  }
0x94: {  	_ =	swait.ge [sflag:s9], $0x4000  }
0x95: {  	[sflag:s9] =	ssyncset.done $0x0  }
0x96: {  	s15 =	rddreg [dreg:$0x17];
	[sflag:s9] =	ssyncadd.s32 $0xFFFFC000  }
0x97: {  	[spmem:s15] =	stream.linear.scatter [tilespmem:s26], [sflag:$0xD], $0x4000, $0x38;
	[tilespmem:$0x1FE78] =	vst v63  }
0x98: {  	_ =	swait.ge [sflag:s9], $0x4000  }
0x99: {  	[sflag:s9] =	ssyncset.done $0x0  }
0x9a: {  	s29 =	rddreg [dreg:$0x18];
	[sflag:s9] =	ssyncadd.s32 $0xFFFFC000  }
0x9b: {  	[spmem:s29] =	stream.linear.scatter [tilespmem:s26], [sflag:$0xD], $0x4000, $0x38;
	[tilespmem:$0x1FE78] =	vst v63  }
0x9c: {  	_ =	swait.ge [sflag:s9], $0x4000  }
0x9d: {  	[sflag:s9] =	ssyncset.done $0x0  }
0x9e: {  	[sflag:s9] =	ssyncadd.s32 $0xFFFFC000  }
0x9f: {  	[tilespmem:$0x1FDF8] =	vst v1  }
0xa0: {  	[tilespmem:$0x1FE08] =	vst v1  }
0xa1: {  	[tilespmem:$0x1FE18] =	vst v1  }
0xa2: {  	s13 =	sld [smem:$0x7FD];
	[tilespmem:$0x1FE28] =	vst v1  }
0xa3: {  	[tilespmem:$0x1FE38] =	vst v1  }
0xa4: {  	[tilespmem:$0x1FE48] =	vst v1  }
0xa5: {  	[tilespmem:$0x1FE58] =	vst v1;
	p1 =	seq.s32 s13, $0x1  }
0xa6: {  	[tilespmem:$0x1FE68] =	vst v1;
	s9 =	rddreg [dreg:$0x2];
	s13 =	sshrl.u32 @!p1 s4, $0x3;
	s15 =	simm.s32 @!p1 $0x1C0D  }
0xa7: {  	[spmem:s13], [sflag:s15] =	dma.local @!p1 [hbm:s9], $0x4F0  }
0xa8: {  	s13 =	simm.s32 @!p1 $0xD  }
0xa9: {  	_ =	swait.ge @!p1 [sflag:s13], $0x4F0  }
0xaa: {  	[sflag:s13] =	ssyncset.done @!p1 $0x0  }
0xab: {  	[sflag:s13] =	ssyncadd.s32 @!p1 $0xFFFFFB10  }
0xac: {  	[bflag:$0x0] =	sbarrier.arrive $0xFFFF  }
0xad: {  	s13 =	simm.s32 $0x0;
	s15 =	rddreg [dreg:$0xa]  }
0xae: {  	[tilespmem:s28], [sflag:$0x1] =	stream.linear.gather [hbm4b:s15+s13], $0x100, $0x38;
	[tilespmem:$0x1FE78] =	vst v63  }
0xaf: {  	s29 =	rddreg [dreg:$0xb]  }
0xb0: {  	[tilespmem:s30], [sflag:$0x2] =	stream.linear.gather [hbm4b:s29+s13], $0x100, $0x38;
	[tilespmem:$0x1FE78] =	vst v63  }
0xb1: {  	_ =	swait.ge [sflag:s31], $0x100  }
0xb2: {  	[sflag:s31] =	ssyncset.done $0x0  }
0xb3: {  	[sflag:s31] =	ssyncadd.s32 $0xFFFFFF00  }
0xb4: {  	[tilespmem:s26], [sflag:$0x4] =	stream.indirect.gather [hbm4b:s0+s1], $0x80, s28, s1, $0xb8;
	[tilespmem:$0x1FE78] =	vst v63  }
.LBB2_4:
0xb5: {  	_ =	swait.ge [sflag:s2], $0x100  }
0xb6: {  	[sflag:s2] =	ssyncset.done $0x0  }
0xb7: {  	[sflag:s2] =	ssyncadd.s32 $0xFFFFFF00  }
0xb8: {  	[tilespmem:s6], [sflag:$0x5] =	stream.indirect.gather [hbm4b:s0+s1], $0x80, s30, s1, $0xb8;
	[tilespmem:$0x1FE78] =	vst v63  }
0xb9: {  	_ =	swait.ge [sflag:s8], $0x4000  }
0xba: {  	[sflag:s8] =	ssyncset.done $0x0  }
0xbb: {  	p1 =	seq.s32 s13, $0x0;
	[sflag:s8] =	ssyncadd.s32 $0xFFFFC000  }
0xbc: {  	[spmem:s3] =	stream.indirect.scatter.add.f32 [tilespmem:s26], [sflag:$0x7], $0x80, s11, s1, $0xb8;
	[tilespmem:$0x1FE78] =	vst v63  }
0xbd: {  	s15 =	simm.s32 @!p1 $0x9  }
0xbe: {  	[spmem:s4] =	stream.indirect.scatter.add.f32 [tilespmem:s12], [sflag:$0xA], $0x1, s11, s1, $0xb8;
	[tilespmem:$0x1FE78] =	vst v63  }
0xbf: {  	_ =	swait.ge @!p1 [sflag:s15], $0x4000  }
0xc0: {  	[sflag:s15] =	ssyncset.done @!p1 $0x0  }
0xc1: {  	s9 =	simm.s32 @!p1 $0xC;
	[sflag:s15] =	ssyncadd.s32 @!p1 $0xFFFFC000  }
0xc2: {  	_ =	swait.ge @!p1 [sflag:s9], $0x80  }
0xc3: {  	s15 =	sadd.s32 s13, s21;
	[sflag:s9] =	ssyncset.done @!p1 $0x0  }
0xc4: {  	s29 =	sadd.s32 $0x800, s15;
	[sflag:s9] =	ssyncadd.s32 @!p1 $0xFFFFFF80  }
0xc5: {  	[tilespmem:s14], [sflag:$0x3] =	stream.linear.gather [hbm4b:s29+s5], $0x100, $0x38;
	[tilespmem:$0x1FE78] =	vst v63  }
0xc6: {  	_ =	swait.ge [sflag:s10], $0x100  }
0xc7: {  	[sflag:s10] =	ssyncset.done $0x0  }
0xc8: {  	[sflag:s10] =	ssyncadd.s32 $0xFFFFFF00  }
0xc9: {  	[tilespmem:s16], [sflag:$0x6] =	stream.indirect.gather [hbm4b:s0+s1], $0x80, s14, s1, $0xb8;
	[tilespmem:$0x1FE78] =	vst v63  }
0xca: {  	_ =	swait.ge [sflag:s17], $0x4000  }
0xcb: {  	[sflag:s17] =	ssyncset.done $0x0  }
0xcc: {  	[sflag:s17] =	ssyncadd.s32 $0xFFFFC000  }
0xcd: {  	[spmem:s3] =	stream.indirect.scatter.add.f32 [tilespmem:s6], [sflag:$0x8], $0x80, s18, s1, $0xb8;
	[tilespmem:$0x1FE78] =	vst v63  }
0xce: {  	_ = 	snop  }
0xcf: {  	[spmem:s4] =	stream.indirect.scatter.add.f32 [tilespmem:s12], [sflag:$0xB], $0x1, s18, s1, $0xb8;
	[tilespmem:$0x1FE78] =	vst v63  }
0xd0: {  	_ =	swait.ge [sflag:s19], $0x4000  }
0xd1: {  	[sflag:s19] =	ssyncset.done $0x0  }
0xd2: {  	[sflag:s19] =	ssyncadd.s32 $0xFFFFC000  }
0xd3: {  	p1 =	seq.s32 @!p2 s13, $0x12C00;
	_ =	swait.ge [sflag:s20], $0x80  }
0xd4: {  	p1 =	por p2, !p1;
	[sflag:s20] =	ssyncset.done $0x0  }
0xd5: {  	s9 =	sadd.s32 @p1 $0xC00, s15;
	[sflag:s20] =	ssyncadd.s32 $0xFFFFFF80  }
0xd6: {  	[tilespmem:s28], [sflag:$0x1] =	stream.linear.gather @p1 [hbm4b:s9+s5], $0x100, $0x38;
	[tilespmem:$0x1FE78] =	vst v63  }
0xd7: {  	_ =	swait.ge @p1 [sflag:s31], $0x100  }
0xd8: {  	[sflag:s31] =	ssyncset.done @p1 $0x0  }
0xd9: {  	[sflag:s31] =	ssyncadd.s32 @p1 $0xFFFFFF00  }
0xda: {  	[tilespmem:s26], [sflag:$0x4] =	stream.indirect.gather @p1 [hbm4b:s0+s1], $0x80, s28, s1, $0xb8;
	[tilespmem:$0x1FE78] =	vst v63  }
0xdb: {  	_ =	swait.ge [sflag:s22], $0x4000  }
0xdc: {  	[sflag:s22] =	ssyncset.done $0x0  }
0xdd: {  	[sflag:s22] =	ssyncadd.s32 $0xFFFFC000  }
0xde: {  	[spmem:s3] =	stream.indirect.scatter.add.f32 [tilespmem:s16], [sflag:$0x9], $0x80, s23, s1, $0xb8;
	[tilespmem:$0x1FE78] =	vst v63  }
0xdf: {  	_ = 	snop  }
0xe0: {  	[spmem:s4] =	stream.indirect.scatter.add.f32 [tilespmem:s12], [sflag:$0xC], $0x1, s23, s1, $0xb8;
	[tilespmem:$0x1FE78] =	vst v63  }
0xe1: {  	p1 =	seq.s32 s13, $0x12C00;
	_ =	swait.ge [sflag:s24], $0x4000  }
.Ltmp3:
0xe2: {  	[sflag:s24] =	ssyncset.done $0x0;
	(pc) =	sbr.rel @p1 .LBB2_6-.Ltmp3, $4  }
0xe3: {  	[sflag:s24] =	ssyncadd.s32 $0xFFFFC000  }
0xe4: {  	_ =	swait.ge [sflag:s25], $0x80  }
0xe5: {  	[sflag:s25] =	ssyncset.done $0x0  }
0xe6: {  	[sflag:s25] =	ssyncadd.s32 $0xFFFFFF80  }
.Ltmp4:
0xe7: {  	(pc) =	sbr.rel .LBB2_4-.Ltmp4, $3  }
0xe8: {  	_ =	sdelay $0x1  }
0xe9: {  	s9 =	sadd.s32 $0x1000, s15;
	s13 =	sadd.s32 $0xC00, s13  }
0xea: {  	[tilespmem:s30], [sflag:$0x2] =	stream.linear.gather [hbm4b:s9+s5], $0x100, $0x38;
	[tilespmem:$0x1FE78] =	vst v63  }
.LBB2_7:
0xeb: {  	_ =	sfence.sel $0x180000  }
0xec: {  	[bflag:$0x0] =	sbarrier.arrive $0xFFFF  }
0xed: {  	_ =	strace $0x90000047  }
0xee: {  	[bflag:$0x2] =	sbarrier.arrive $0xFFFF  }
0xef: {  	s1 =	sld [smem:$0x7FD];
	_ =	sdelay $0x2  }
0xf0: {  	s0 =	rddreg [dreg:$0x6];
	p0 =	seq.s32 s1, $0x1  }
0xf1: {  	s0 =	sadd.s32 @!p0 $0x100000, s0  }
0xf2: {  	[sflag:s0] =	ssyncadd.tile.s32 @!p0 $0x1;
	_ =	shalt  }
.Lfunc_end2:
_tile_overlayer_lowered:
.L_overlay_start_2:
0xf3: {  	(tag) =	ssettag $0x2  }
0xf4: {  	s0 =	rddreg [dreg:$0x0];
	s2 =	stileid.u32  }
0xf5: {  	s1 =	rddreg [dreg:$0x1];
	p0 =	sne.s32 s2, $0x0  }
0xf6: {  	s3 =	rddreg [dreg:$0x2];
	[bflag:$0x3] =	sbarrier.arrive $0xFFFF;
	s2 =	simm.s32 @!p0 $0x1C0D  }
0xf7: {  	[timem:s3], [sflag:s2] =	dma.local @!p0 [hbm:s0], s1  }
0xf8: {  	s0 =	simm.s32 @!p0 $0xD  }
0xf9: {  	_ =	swait.ge @!p0 [sflag:s0], s1  }
0xfa: {  	s1 =	ssub.s32 @!p0 $0x0, s1;
	[sflag:s0] =	ssyncset.done @!p0 $0x0  }
0xfb: {  	[sflag:s0] =	ssyncadd.s32 @!p0 s1  }
0xfc: {  	[bflag:$0x3] =	sbarrier.arrive $0xFFFF  }
0xfd: {  	_ =	shalt  }

</sc_bundles>
